<compile_context>
chip_gen: v7x
topology: tpu7x:2x2x1
jax: 0.10.2.dev20260603
libtpu: 0.0.44.dev20260713+nightly
codegen_flags: <defaults>
</compile_context>

<pallas_src>
import functools

import jax
import jax.numpy as jnp
from jax import lax
from jax.experimental import pallas as pl
from jax.experimental.pallas import tpu as pltpu
from jax.experimental.pallas import tpu_sc as plsc

_FEATS = (160, 160, 128, 128)


def _ll_kernel(sp_ref, y_ref, wct_ref, out_ref, *, n_elem, inv_nets):
    g = pl.program_id(0)

    @pl.when(g == 0)
    def _init():
        out_ref[...] = jnp.zeros_like(out_ref)

    acc = jnp.zeros_like(out_ref)
    for j in range(y_ref.shape[0]):
        ya = y_ref[j]
        d = jnp.dot(wct_ref[...], ya,
                    preferred_element_type=jnp.float32)
        spa = sp_ref[j]
        eidx = lax.broadcasted_iota(jnp.int32, d.shape, 0)
        onehot = (spa == eidx).astype(jnp.float32)
        acc = acc + jnp.sum(onehot * (d * inv_nets), axis=0, keepdims=True)
    out_ref[...] += acc


def _sae_body(spt_hbm, cb_hbm, out_hbm, sp_v, cb_v, st_v, *, n_atoms, n_elem,
              mols_per_worker, num_cores):
    wid = lax.axis_index("s") * num_cores + lax.axis_index("c")
    base = wid * mols_per_worker
    pltpu.sync_copy(cb_hbm, cb_v)
    pltpu.sync_copy(spt_hbm, sp_v)
    for g in range(mols_per_worker // 16):
        acc = jnp.zeros((16,), jnp.float32)
        for a in range(n_atoms):
            sp = sp_v[a, pl.ds(base + g * 16, 16)]
            val = cb_v[n_elem - 1]
            for e in range(n_elem - 2, -1, -1):
                val = jnp.where(sp == e, cb_v[e], val)
            acc = acc + val
        st_v[pl.ds(g * 16, 16)] = acc
    pltpu.sync_copy(st_v, out_hbm.at[pl.ds(base, mols_per_worker)])


@jax.jit
def kernel(species, y, W, b, self_energies):
    B, A, NETS, F = y.shape
    N_ELEM = W.shape[1]
    KF = NETS * F

    feats = jnp.asarray(_FEATS[:N_ELEM], dtype=jnp.int32)
    fmask = (jnp.arange(F, dtype=jnp.int32)[None, :] < feats[:, None])
    Wm = W * fmask[None, :, :].astype(W.dtype)
    wct = Wm.transpose(1, 0, 2).reshape(N_ELEM, KF)
    csc_b = jnp.broadcast_to(
        (b.mean(axis=0) + self_energies)[:, None], (N_ELEM, 16))

    yt = jnp.transpose(y, (1, 2, 3, 0)).reshape(A, KF, B)
    spt3 = jnp.transpose(species, (1, 0)).reshape(A, 1, B)
    spt2 = jnp.transpose(species, (1, 0))

    AB = 2
    dot_part = pl.pallas_call(
        functools.partial(_ll_kernel, n_elem=N_ELEM, inv_nets=1.0 / NETS),
        grid=(A // AB,),
        in_specs=[
            pl.BlockSpec((AB, 1, B), lambda g: (g, 0, 0)),
            pl.BlockSpec((AB, KF, B), lambda g: (g, 0, 0)),
            pl.BlockSpec((N_ELEM, KF), lambda g: (0, 0)),
        ],
        out_specs=pl.BlockSpec((1, B), lambda g: (0, 0)),
        out_shape=jax.ShapeDtypeStruct((1, B), jnp.float32),
        compiler_params=pltpu.CompilerParams(
            dimension_semantics=("arbitrary",)),
    )(spt3, yt, wct)

    MW = 32
    sae = pl.kernel(
        functools.partial(_sae_body, n_atoms=A, n_elem=N_ELEM,
                          mols_per_worker=MW, num_cores=2),
        mesh=plsc.VectorSubcoreMesh(core_axis_name="c", subcore_axis_name="s"),
        out_type=jax.ShapeDtypeStruct((B,), jnp.float32),
        scratch_types=[
            pltpu.VMEM((A, B), jnp.int32),
            pltpu.VMEM((N_ELEM, 16), jnp.float32),
            pltpu.VMEM((MW,), jnp.float32),
        ],
    )(spt2, csc_b)

    return (species, dot_part.reshape(B) + sae)

# --- scband reference (transcript-rebuilt; emitter-appended) ---
"""Pipeline reference for scband-last-layers-computation-59828894433321 (READ-ONLY COPY).

The authoritative reference and input builder live on the scoring server;
editing this copy changes nothing except your own understanding.
"""

import jax, jax.numpy as jnp
import numpy as np

B, A, NETS, F = 1024, 32, 8, 160
N_ELEM = 4
# last_layers_nr_of_feature['CompartimentedAlchemicalANI2x'][-1]
FEATS = (160, 160, 128, 128)


def setup_inputs(seed: int = 0) -> dict:
    key = jax.random.key(seed)
    k1, k2, k3, k4, k5 = jax.random.split(key, 5)
    species = jax.random.randint(k1, (B, A), 0, N_ELEM, dtype=jnp.int64 if jax.config.jax_enable_x64 else jnp.int32).astype(jnp.int32)
    y = jax.random.normal(k2, (B, A, NETS, F), dtype=jnp.float32)
    # last-layer Linear(feat_e -> 1) weights per ensemble member per element,
    # stored zero-padded to F; truncation to FEATS[e] happens in reference()
    W = jax.random.normal(k3, (NETS, N_ELEM, F), dtype=jnp.float32) * 0.05
    b = jax.random.normal(k4, (NETS, N_ELEM), dtype=jnp.float32) * 0.05
    # EnergyShifter per-element self energies (GSAEs)
    self_energies = jax.random.normal(k5, (N_ELEM,), dtype=jnp.float32) - 40.0
    return {"species": species, "y": y, "W": W, "b": b, "self_energies": self_energies}


def reference(species, y, W, b, self_energies):
    # LastLayersComputation.forward((species, y))
    Bq, Aq, n_nets, Fq = y.shape
    species_ = species.reshape(-1)
    energies = jnp.zeros((Bq,), dtype=y.dtype)
    for i in range(n_nets):
        # LastLayerANIModel.forward for ensemble member i on y[:, :, i, :]
        aev = y[:, :, i, :].reshape(-1, Fq)
        output = jnp.zeros(species_.shape, dtype=aev.dtype)
        for e in range(N_ELEM):
            fe = FEATS[e]
            # input_ = aev.index_select(0, midx)[:, :fe]; m(input_) == Linear(fe, 1)
            out_e = aev[:, :fe] @ W[i, e, :fe] + b[i, e]
            # masked_scatter_ equivalent: write atom-net output where species matches e
            output = jnp.where(species_ == e, out_e, output)
        # SpeciesEnergies: per-molecule sum over atoms
        energies = energies + output.reshape(Bq, Aq).sum(axis=1)
    energies = energies / n_nets
    # EnergyShifter.forward: add per-atom self energies
    sae = self_energies[species].sum(axis=1)
    return (species, energies + sae)

if __name__ == "__main__":
    import jax
    _d = setup_inputs()
    print(jax.jit(kernel)(*tuple(_d.values())))

</pallas_src>

<mosaic_0001>
#map = affine_map<(d0, d1) -> (0, 0)>
#map1 = affine_map<(d0, d1) -> (0)>
module attributes {stable_mosaic.version = 14 : i64} {
  func.func @_sae_body(%arg0: i32, %arg1: i32, %arg2: memref<32x1024xi32, #tpu.memory_space<hbm>>, %arg3: memref<4x16xf32, #tpu.memory_space<hbm>>, %arg4: memref<1024xf32, #tpu.memory_space<hbm>>, %arg5: memref<32x1024xi32, #tpu.memory_space<vmem>>, %arg6: memref<4x16xf32, #tpu.memory_space<vmem>>, %arg7: memref<32xf32, #tpu.memory_space<vmem>>) attributes {dimension_semantics = [#tpu.dimension_semantics<core_parallel>, #tpu.dimension_semantics<subcore_parallel>], iteration_bounds = array<i64: 2, 16>, scalar_prefetch = 0 : i64, scratch_operands = 3 : i64, tpu.core_type = #tpu.core_type<sc_vector_subcore>, window_params = [{transform_indices = #map}, {transform_indices = #map}, {transform_indices = #map1}]} {
    %mul3A = arith.constant 2 : i32
    %mul3A_0 = arith.muli %arg1, %mul3A : i32
    %add3A = arith.addi %mul3A_0, %arg0 : i32
    %mul3A_1 = arith.constant 32 : i32
    %mul3A_2 = arith.muli %add3A, %mul3A_1 : i32
    "tpu.region"() ({
      %run_scoped3A = tpu.sem_alloc : memref<!tpu.dma_semaphore, #tpu.memory_space<semaphore_mem>>
      tpu.enqueue_dma source(%arg3 : memref<4x16xf32, #tpu.memory_space<hbm>>) target(%arg6 : memref<4x16xf32, #tpu.memory_space<vmem>>) target_semaphore(%run_scoped3A : memref<!tpu.dma_semaphore, #tpu.memory_space<semaphore_mem>>)
      tpu.wait_dma2 semaphore(%run_scoped3A : memref<!tpu.dma_semaphore, #tpu.memory_space<semaphore_mem>>) src(%arg3 : memref<4x16xf32, #tpu.memory_space<hbm>>) dst(%arg6 : memref<4x16xf32, #tpu.memory_space<vmem>>)
      tpu.yield
    }) : () -> ()
    "tpu.region"() ({
      %run_scoped3A = tpu.sem_alloc : memref<!tpu.dma_semaphore, #tpu.memory_space<semaphore_mem>>
      tpu.enqueue_dma source(%arg2 : memref<32x1024xi32, #tpu.memory_space<hbm>>) target(%arg5 : memref<32x1024xi32, #tpu.memory_space<vmem>>) target_semaphore(%run_scoped3A : memref<!tpu.dma_semaphore, #tpu.memory_space<semaphore_mem>>)
      tpu.wait_dma2 semaphore(%run_scoped3A : memref<!tpu.dma_semaphore, #tpu.memory_space<semaphore_mem>>) src(%arg2 : memref<32x1024xi32, #tpu.memory_space<hbm>>) dst(%arg5 : memref<32x1024xi32, #tpu.memory_space<vmem>>)
      tpu.yield
    }) : () -> ()
    %broadcast_in_dim3A = arith.constant 0.000000e+00 : f32
    %broadcast_in_dim3A_3 = vector.broadcast %broadcast_in_dim3A : f32 to vector<16xf32>
    %add3A_4 = arith.constant 0 : i32
    %add3A_5 = arith.addi %mul3A_2, %add3A_4 : i32
    %get3A = arith.constant 0 : i32
    %get3A_6 = arith.index_cast %get3A : i32 to index
    %get3A_7 = arith.index_cast %add3A_5 : i32 to index
    %get3A_8 = tpu.vector_load %arg5[%get3A_6, %get3A_7] {strides = array<i32>} : memref<32x1024xi32, #tpu.memory_space<vmem>>, vector<1x16xi32>,
    %get3A_9 = vector.shape_cast %get3A_8 : vector<1x16xi32> to vector<16xi32>
    %get3A_10 = arith.constant 3 : i32
    %get3A_11 = arith.index_cast %get3A_10 : i32 to index
    %get3A_12 = arith.constant 0 : index
    %get3A_13 = tpu.vector_load %arg6[%get3A_11, %get3A_12] {strides = array<i32>} : memref<4x16xf32, #tpu.memory_space<vmem>>, vector<1x16xf32>,
    %get3A_14 = vector.shape_cast %get3A_13 : vector<1x16xf32> to vector<16xf32>
    %eq3A = arith.constant 2 : i32
    %eq3A_15 = vector.broadcast %eq3A : i32 to vector<16xi32>
    %eq3A_16 = arith.cmpi eq, %get3A_9, %eq3A_15 : vector<16xi32>
    %get3A_17 = arith.constant 2 : i32
    %get3A_18 = arith.index_cast %get3A_17 : i32 to index
    %get3A_19 = arith.constant 0 : index
    %get3A_20 = tpu.vector_load %arg6[%get3A_18, %get3A_19] {strides = array<i32>} : memref<4x16xf32, #tpu.memory_space<vmem>>, vector<1x16xf32>,
    %get3A_21 = vector.shape_cast %get3A_20 : vector<1x16xf32> to vector<16xf32>
    %select_n3A = arith.select %eq3A_16, %get3A_21, %get3A_14 : vector<16xi1>, vector<16xf32>
    %eq3A_22 = arith.constant 1 : i32
    %eq3A_23 = vector.broadcast %eq3A_22 : i32 to vector<16xi32>
    %eq3A_24 = arith.cmpi eq, %get3A_9, %eq3A_23 : vector<16xi32>
    %get3A_25 = arith.constant 1 : i32
    %get3A_26 = arith.index_cast %get3A_25 : i32 to index
    %get3A_27 = arith.constant 0 : index
    %get3A_28 = tpu.vector_load %arg6[%get3A_26, %get3A_27] {strides = array<i32>} : memref<4x16xf32, #tpu.memory_space<vmem>>, vector<1x16xf32>,
    %get3A_29 = vector.shape_cast %get3A_28 : vector<1x16xf32> to vector<16xf32>
    %select_n3A_30 = arith.select %eq3A_24, %get3A_29, %select_n3A : vector<16xi1>, vector<16xf32>
    %eq3A_31 = arith.constant 0 : i32
    %eq3A_32 = vector.broadcast %eq3A_31 : i32 to vector<16xi32>
    %eq3A_33 = arith.cmpi eq, %get3A_9, %eq3A_32 : vector<16xi32>
    %get3A_34 = arith.constant 0 : i32
    %get3A_35 = arith.index_cast %get3A_34 : i32 to index
    %get3A_36 = arith.constant 0 : index
    %get3A_37 = tpu.vector_load %arg6[%get3A_35, %get3A_36] {strides = array<i32>} : memref<4x16xf32, #tpu.memory_space<vmem>>, vector<1x16xf32>,
    %get3A_38 = vector.shape_cast %get3A_37 : vector<1x16xf32> to vector<16xf32>
    %select_n3A_39 = arith.select %eq3A_33, %get3A_38, %select_n3A_30 : vector<16xi1>, vector<16xf32>
    %add3A_40 = arith.addf %broadcast_in_dim3A_3, %select_n3A_39 : vector<16xf32>
    %add3A_41 = arith.constant 0 : i32
    %add3A_42 = arith.addi %mul3A_2, %add3A_41 : i32
    %get3A_43 = arith.constant 1 : i32
    %get3A_44 = arith.index_cast %get3A_43 : i32 to index
    %get3A_45 = arith.index_cast %add3A_42 : i32 to index
    %get3A_46 = tpu.vector_load %arg5[%get3A_44, %get3A_45] {strides = array<i32>} : memref<32x1024xi32, #tpu.memory_space<vmem>>, vector<1x16xi32>,
    %get3A_47 = vector.shape_cast %get3A_46 : vector<1x16xi32> to vector<16xi32>
    %get3A_48 = arith.constant 3 : i32
    %get3A_49 = arith.index_cast %get3A_48 : i32 to index
    %get3A_50 = arith.constant 0 : index
    %get3A_51 = tpu.vector_load %arg6[%get3A_49, %get3A_50] {strides = array<i32>} : memref<4x16xf32, #tpu.memory_space<vmem>>, vector<1x16xf32>,
    %get3A_52 = vector.shape_cast %get3A_51 : vector<1x16xf32> to vector<16xf32>
    %eq3A_53 = arith.constant 2 : i32
    %eq3A_54 = vector.broadcast %eq3A_53 : i32 to vector<16xi32>
    %eq3A_55 = arith.cmpi eq, %get3A_47, %eq3A_54 : vector<16xi32>
    %get3A_56 = arith.constant 2 : i32
    %get3A_57 = arith.index_cast %get3A_56 : i32 to index
    %get3A_58 = arith.constant 0 : index
    %get3A_59 = tpu.vector_load %arg6[%get3A_57, %get3A_58] {strides = array<i32>} : memref<4x16xf32, #tpu.memory_space<vmem>>, vector<1x16xf32>,
    %get3A_60 = vector.shape_cast %get3A_59 : vector<1x16xf32> to vector<16xf32>
    %select_n3A_61 = arith.select %eq3A_55, %get3A_60, %get3A_52 : vector<16xi1>, vector<16xf32>
    %eq3A_62 = arith.constant 1 : i32
    %eq3A_63 = vector.broadcast %eq3A_62 : i32 to vector<16xi32>
    %eq3A_64 = arith.cmpi eq, %get3A_47, %eq3A_63 : vector<16xi32>
    %get3A_65 = arith.constant 1 : i32
    %get3A_66 = arith.index_cast %get3A_65 : i32 to index
    %get3A_67 = arith.constant 0 : index
    %get3A_68 = tpu.vector_load %arg6[%get3A_66, %get3A_67] {strides = array<i32>} : memref<4x16xf32, #tpu.memory_space<vmem>>, vector<1x16xf32>,
    %get3A_69 = vector.shape_cast %get3A_68 : vector<1x16xf32> to vector<16xf32>
    %select_n3A_70 = arith.select %eq3A_64, %get3A_69, %select_n3A_61 : vector<16xi1>, vector<16xf32>
    %eq3A_71 = arith.constant 0 : i32
    %eq3A_72 = vector.broadcast %eq3A_71 : i32 to vector<16xi32>
    %eq3A_73 = arith.cmpi eq, %get3A_47, %eq3A_72 : vector<16xi32>
    %get3A_74 = arith.constant 0 : i32
    %get3A_75 = arith.index_cast %get3A_74 : i32 to index
    %get3A_76 = arith.constant 0 : index
    %get3A_77 = tpu.vector_load %arg6[%get3A_75, %get3A_76] {strides = array<i32>} : memref<4x16xf32, #tpu.memory_space<vmem>>, vector<1x16xf32>,
    %get3A_78 = vector.shape_cast %get3A_77 : vector<1x16xf32> to vector<16xf32>
    %select_n3A_79 = arith.select %eq3A_73, %get3A_78, %select_n3A_70 : vector<16xi1>, vector<16xf32>
    %add3A_80 = arith.addf %add3A_40, %select_n3A_79 : vector<16xf32>
    %add3A_81 = arith.constant 0 : i32
    %add3A_82 = arith.addi %mul3A_2, %add3A_81 : i32
    %get3A_83 = arith.constant 2 : i32
    %get3A_84 = arith.index_cast %get3A_83 : i32 to index
    %get3A_85 = arith.index_cast %add3A_82 : i32 to index
    %get3A_86 = tpu.vector_load %arg5[%get3A_84, %get3A_85] {strides = array<i32>} : memref<32x1024xi32, #tpu.memory_space<vmem>>, vector<1x16xi32>,
    %get3A_87 = vector.shape_cast %get3A_86 : vector<1x16xi32> to vector<16xi32>
    %get3A_88 = arith.constant 3 : i32
    %get3A_89 = arith.index_cast %get3A_88 : i32 to index
    %get3A_90 = arith.constant 0 : index
    %get3A_91 = tpu.vector_load %arg6[%get3A_89, %get3A_90] {strides = array<i32>} : memref<4x16xf32, #tpu.memory_space<vmem>>, vector<1x16xf32>,
    %get3A_92 = vector.shape_cast %get3A_91 : vector<1x16xf32> to vector<16xf32>
    %eq3A_93 = arith.constant 2 : i32
    %eq3A_94 = vector.broadcast %eq3A_93 : i32 to vector<16xi32>
    %eq3A_95 = arith.cmpi eq, %get3A_87, %eq3A_94 : vector<16xi32>
    %get3A_96 = arith.constant 2 : i32
    %get3A_97 = arith.index_cast %get3A_96 : i32 to index
    %get3A_98 = arith.constant 0 : index
    %get3A_99 = tpu.vector_load %arg6[%get3A_97, %get3A_98] {strides = array<i32>} : memref<4x16xf32, #tpu.memory_space<vmem>>, vector<1x16xf32>,
    %get3A_100 = vector.shape_cast %get3A_99 : vector<1x16xf32> to vector<16xf32>
    %select_n3A_101 = arith.select %eq3A_95, %get3A_100, %get3A_92 : vector<16xi1>, vector<16xf32>
    %eq3A_102 = arith.constant 1 : i32
    %eq3A_103 = vector.broadcast %eq3A_102 : i32 to vector<16xi32>
    %eq3A_104 = arith.cmpi eq, %get3A_87, %eq3A_103 : vector<16xi32>
    %get3A_105 = arith.constant 1 : i32
    %get3A_106 = arith.index_cast %get3A_105 : i32 to index
    %get3A_107 = arith.constant 0 : index
    %get3A_108 = tpu.vector_load %arg6[%get3A_106, %get3A_107] {strides = array<i32>} : memref<4x16xf32, #tpu.memory_space<vmem>>, vector<1x16xf32>,
    %get3A_109 = vector.shape_cast %get3A_108 : vector<1x16xf32> to vector<16xf32>
    %select_n3A_110 = arith.select %eq3A_104, %get3A_109, %select_n3A_101 : vector<16xi1>, vector<16xf32>
    %eq3A_111 = arith.constant 0 : i32
    %eq3A_112 = vector.broadcast %eq3A_111 : i32 to vector<16xi32>
    %eq3A_113 = arith.cmpi eq, %get3A_87, %eq3A_112 : vector<16xi32>
    %get3A_114 = arith.constant 0 : i32
    %get3A_115 = arith.index_cast %get3A_114 : i32 to index
    %get3A_116 = arith.constant 0 : index
    %get3A_117 = tpu.vector_load %arg6[%get3A_115, %get3A_116] {strides = array<i32>} : memref<4x16xf32, #tpu.memory_space<vmem>>, vector<1x16xf32>,
    %get3A_118 = vector.shape_cast %get3A_117 : vector<1x16xf32> to vector<16xf32>
    %select_n3A_119 = arith.select %eq3A_113, %get3A_118, %select_n3A_110 : vector<16xi1>, vector<16xf32>
    %add3A_120 = arith.addf %add3A_80, %select_n3A_119 : vector<16xf32>
    %add3A_121 = arith.constant 0 : i32
    %add3A_122 = arith.addi %mul3A_2, %add3A_121 : i32
    %get3A_123 = arith.constant 3 : i32
    %get3A_124 = arith.index_cast %get3A_123 : i32 to index
    %get3A_125 = arith.index_cast %add3A_122 : i32 to index
    %get3A_126 = tpu.vector_load %arg5[%get3A_124, %get3A_125] {strides = array<i32>} : memref<32x1024xi32, #tpu.memory_space<vmem>>, vector<1x16xi32>,
    %get3A_127 = vector.shape_cast %get3A_126 : vector<1x16xi32> to vector<16xi32>
    %get3A_128 = arith.constant 3 : i32
    %get3A_129 = arith.index_cast %get3A_128 : i32 to index
    %get3A_130 = arith.constant 0 : index
    %get3A_131 = tpu.vector_load %arg6[%get3A_129, %get3A_130] {strides = array<i32>} : memref<4x16xf32, #tpu.memory_space<vmem>>, vector<1x16xf32>,
    %get3A_132 = vector.shape_cast %get3A_131 : vector<1x16xf32> to vector<16xf32>
    %eq3A_133 = arith.constant 2 : i32
    %eq3A_134 = vector.broadcast %eq3A_133 : i32 to vector<16xi32>
    %eq3A_135 = arith.cmpi eq, %get3A_127, %eq3A_134 : vector<16xi32>
    %get3A_136 = arith.constant 2 : i32
    %get3A_137 = arith.index_cast %get3A_136 : i32 to index
    %get3A_138 = arith.constant 0 : index
    %get3A_139 = tpu.vector_load %arg6[%get3A_137, %get3A_138] {strides = array<i32>} : memref<4x16xf32, #tpu.memory_space<vmem>>, vector<1x16xf32>,
    %get3A_140 = vector.shape_cast %get3A_139 : vector<1x16xf32> to vector<16xf32>
    %select_n3A_141 = arith.select %eq3A_135, %get3A_140, %get3A_132 : vector<16xi1>, vector<16xf32>
    %eq3A_142 = arith.constant 1 : i32
    %eq3A_143 = vector.broadcast %eq3A_142 : i32 to vector<16xi32>
    %eq3A_144 = arith.cmpi eq, %get3A_127, %eq3A_143 : vector<16xi32>
    %get3A_145 = arith.constant 1 : i32
    %get3A_146 = arith.index_cast %get3A_145 : i32 to index
    %get3A_147 = arith.constant 0 : index
    %get3A_148 = tpu.vector_load %arg6[%get3A_146, %get3A_147] {strides = array<i32>} : memref<4x16xf32, #tpu.memory_space<vmem>>, vector<1x16xf32>,
    %get3A_149 = vector.shape_cast %get3A_148 : vector<1x16xf32> to vector<16xf32>
    %select_n3A_150 = arith.select %eq3A_144, %get3A_149, %select_n3A_141 : vector<16xi1>, vector<16xf32>
    %eq3A_151 = arith.constant 0 : i32
    %eq3A_152 = vector.broadcast %eq3A_151 : i32 to vector<16xi32>
    %eq3A_153 = arith.cmpi eq, %get3A_127, %eq3A_152 : vector<16xi32>
    %get3A_154 = arith.constant 0 : i32
    %get3A_155 = arith.index_cast %get3A_154 : i32 to index
    %get3A_156 = arith.constant 0 : index
    %get3A_157 = tpu.vector_load %arg6[%get3A_155, %get3A_156] {strides = array<i32>} : memref<4x16xf32, #tpu.memory_space<vmem>>, vector<1x16xf32>,
    %get3A_158 = vector.shape_cast %get3A_157 : vector<1x16xf32> to vector<16xf32>
    %select_n3A_159 = arith.select %eq3A_153, %get3A_158, %select_n3A_150 : vector<16xi1>, vector<16xf32>
    %add3A_160 = arith.addf %add3A_120, %select_n3A_159 : vector<16xf32>
    %add3A_161 = arith.constant 0 : i32
    %add3A_162 = arith.addi %mul3A_2, %add3A_161 : i32
    %get3A_163 = arith.constant 4 : i32
    %get3A_164 = arith.index_cast %get3A_163 : i32 to index
    %get3A_165 = arith.index_cast %add3A_162 : i32 to index
    %get3A_166 = tpu.vector_load %arg5[%get3A_164, %get3A_165] {strides = array<i32>} : memref<32x1024xi32, #tpu.memory_space<vmem>>, vector<1x16xi32>,
    %get3A_167 = vector.shape_cast %get3A_166 : vector<1x16xi32> to vector<16xi32>
    %get3A_168 = arith.constant 3 : i32
    %get3A_169 = arith.index_cast %get3A_168 : i32 to index
    %get3A_170 = arith.constant 0 : index
    %get3A_171 = tpu.vector_load %arg6[%get3A_169, %get3A_170] {strides = array<i32>} : memref<4x16xf32, #tpu.memory_space<vmem>>, vector<1x16xf32>,
    %get3A_172 = vector.shape_cast %get3A_171 : vector<1x16xf32> to vector<16xf32>
    %eq3A_173 = arith.constant 2 : i32
    %eq3A_174 = vector.broadcast %eq3A_173 : i32 to vector<16xi32>
    %eq3A_175 = arith.cmpi eq, %get3A_167, %eq3A_174 : vector<16xi32>
    %get3A_176 = arith.constant 2 : i32
    %get3A_177 = arith.index_cast %get3A_176 : i32 to index
    %get3A_178 = arith.constant 0 : index
    %get3A_179 = tpu.vector_load %arg6[%get3A_177, %get3A_178] {strides = array<i32>} : memref<4x16xf32, #tpu.memory_space<vmem>>, vector<1x16xf32>,
    %get3A_180 = vector.shape_cast %get3A_179 : vector<1x16xf32> to vector<16xf32>
    %select_n3A_181 = arith.select %eq3A_175, %get3A_180, %get3A_172 : vector<16xi1>, vector<16xf32>
    %eq3A_182 = arith.constant 1 : i32
    %eq3A_183 = vector.broadcast %eq3A_182 : i32 to vector<16xi32>
    %eq3A_184 = arith.cmpi eq, %get3A_167, %eq3A_183 : vector<16xi32>
    %get3A_185 = arith.constant 1 : i32
    %get3A_186 = arith.index_cast %get3A_185 : i32 to index
    %get3A_187 = arith.constant 0 : index
    %get3A_188 = tpu.vector_load %arg6[%get3A_186, %get3A_187] {strides = array<i32>} : memref<4x16xf32, #tpu.memory_space<vmem>>, vector<1x16xf32>,
    %get3A_189 = vector.shape_cast %get3A_188 : vector<1x16xf32> to vector<16xf32>
    %select_n3A_190 = arith.select %eq3A_184, %get3A_189, %select_n3A_181 : vector<16xi1>, vector<16xf32>
    %eq3A_191 = arith.constant 0 : i32
    %eq3A_192 = vector.broadcast %eq3A_191 : i32 to vector<16xi32>
    %eq3A_193 = arith.cmpi eq, %get3A_167, %eq3A_192 : vector<16xi32>
    %get3A_194 = arith.constant 0 : i32
    %get3A_195 = arith.index_cast %get3A_194 : i32 to index
    %get3A_196 = arith.constant 0 : index
    %get3A_197 = tpu.vector_load %arg6[%get3A_195, %get3A_196] {strides = array<i32>} : memref<4x16xf32, #tpu.memory_space<vmem>>, vector<1x16xf32>,
    %get3A_198 = vector.shape_cast %get3A_197 : vector<1x16xf32> to vector<16xf32>
    %select_n3A_199 = arith.select %eq3A_193, %get3A_198, %select_n3A_190 : vector<16xi1>, vector<16xf32>
    %add3A_200 = arith.addf %add3A_160, %select_n3A_199 : vector<16xf32>
    %add3A_201 = arith.constant 0 : i32
    %add3A_202 = arith.addi %mul3A_2, %add3A_201 : i32
    %get3A_203 = arith.constant 5 : i32
    %get3A_204 = arith.index_cast %get3A_203 : i32 to index
    %get3A_205 = arith.index_cast %add3A_202 : i32 to index
    %get3A_206 = tpu.vector_load %arg5[%get3A_204, %get3A_205] {strides = array<i32>} : memref<32x1024xi32, #tpu.memory_space<vmem>>, vector<1x16xi32>,
    %get3A_207 = vector.shape_cast %get3A_206 : vector<1x16xi32> to vector<16xi32>
    %get3A_208 = arith.constant 3 : i32
    %get3A_209 = arith.index_cast %get3A_208 : i32 to index
    %get3A_210 = arith.constant 0 : index
    %get3A_211 = tpu.vector_load %arg6[%get3A_209, %get3A_210] {strides = array<i32>} : memref<4x16xf32, #tpu.memory_space<vmem>>, vector<1x16xf32>,
    %get3A_212 = vector.shape_cast %get3A_211 : vector<1x16xf32> to vector<16xf32>
    %eq3A_213 = arith.constant 2 : i32
    %eq3A_214 = vector.broadcast %eq3A_213 : i32 to vector<16xi32>
    %eq3A_215 = arith.cmpi eq, %get3A_207, %eq3A_214 : vector<16xi32>
    %get3A_216 = arith.constant 2 : i32
    %get3A_217 = arith.index_cast %get3A_216 : i32 to index
    %get3A_218 = arith.constant 0 : index
    %get3A_219 = tpu.vector_load %arg6[%get3A_217, %get3A_218] {strides = array<i32>} : memref<4x16xf32, #tpu.memory_space<vmem>>, vector<1x16xf32>,
    %get3A_220 = vector.shape_cast %get3A_219 : vector<1x16xf32> to vector<16xf32>
    %select_n3A_221 = arith.select %eq3A_215, %get3A_220, %get3A_212 : vector<16xi1>, vector<16xf32>
    %eq3A_222 = arith.constant 1 : i32
    %eq3A_223 = vector.broadcast %eq3A_222 : i32 to vector<16xi32>
    %eq3A_224 = arith.cmpi eq, %get3A_207, %eq3A_223 : vector<16xi32>
    %get3A_225 = arith.constant 1 : i32
    %get3A_226 = arith.index_cast %get3A_225 : i32 to index
    %get3A_227 = arith.constant 0 : index
    %get3A_228 = tpu.vector_load %arg6[%get3A_226, %get3A_227] {strides = array<i32>} : memref<4x16xf32, #tpu.memory_space<vmem>>, vector<1x16xf32>,
    %get3A_229 = vector.shape_cast %get3A_228 : vector<1x16xf32> to vector<16xf32>
    %select_n3A_230 = arith.select %eq3A_224, %get3A_229, %select_n3A_221 : vector<16xi1>, vector<16xf32>
    %eq3A_231 = arith.constant 0 : i32
    %eq3A_232 = vector.broadcast %eq3A_231 : i32 to vector<16xi32>
    %eq3A_233 = arith.cmpi eq, %get3A_207, %eq3A_232 : vector<16xi32>
    %get3A_234 = arith.constant 0 : i32
    %get3A_235 = arith.index_cast %get3A_234 : i32 to index
    %get3A_236 = arith.constant 0 : index
    %get3A_237 = tpu.vector_load %arg6[%get3A_235, %get3A_236] {strides = array<i32>} : memref<4x16xf32, #tpu.memory_space<vmem>>, vector<1x16xf32>,
    %get3A_238 = vector.shape_cast %get3A_237 : vector<1x16xf32> to vector<16xf32>
    %select_n3A_239 = arith.select %eq3A_233, %get3A_238, %select_n3A_230 : vector<16xi1>, vector<16xf32>
    %add3A_240 = arith.addf %add3A_200, %select_n3A_239 : vector<16xf32>
    %add3A_241 = arith.constant 0 : i32
    %add3A_242 = arith.addi %mul3A_2, %add3A_241 : i32
    %get3A_243 = arith.constant 6 : i32
    %get3A_244 = arith.index_cast %get3A_243 : i32 to index
    %get3A_245 = arith.index_cast %add3A_242 : i32 to index
    %get3A_246 = tpu.vector_load %arg5[%get3A_244, %get3A_245] {strides = array<i32>} : memref<32x1024xi32, #tpu.memory_space<vmem>>, vector<1x16xi32>,
    %get3A_247 = vector.shape_cast %get3A_246 : vector<1x16xi32> to vector<16xi32>
    %get3A_248 = arith.constant 3 : i32
    %get3A_249 = arith.index_cast %get3A_248 : i32 to index
    %get3A_250 = arith.constant 0 : index
    %get3A_251 = tpu.vector_load %arg6[%get3A_249, %get3A_250] {strides = array<i32>} : memref<4x16xf32, #tpu.memory_space<vmem>>, vector<1x16xf32>,
    %get3A_252 = vector.shape_cast %get3A_251 : vector<1x16xf32> to vector<16xf32>
    %eq3A_253 = arith.constant 2 : i32
    %eq3A_254 = vector.broadcast %eq3A_253 : i32 to vector<16xi32>
    %eq3A_255 = arith.cmpi eq, %get3A_247, %eq3A_254 : vector<16xi32>
    %get3A_256 = arith.constant 2 : i32
    %get3A_257 = arith.index_cast %get3A_256 : i32 to index
    %get3A_258 = arith.constant 0 : index
    %get3A_259 = tpu.vector_load %arg6[%get3A_257, %get3A_258] {strides = array<i32>} : memref<4x16xf32, #tpu.memory_space<vmem>>, vector<1x16xf32>,
    %get3A_260 = vector.shape_cast %get3A_259 : vector<1x16xf32> to vector<16xf32>
    %select_n3A_261 = arith.select %eq3A_255, %get3A_260, %get3A_252 : vector<16xi1>, vector<16xf32>
    %eq3A_262 = arith.constant 1 : i32
    %eq3A_263 = vector.broadcast %eq3A_262 : i32 to vector<16xi32>
    %eq3A_264 = arith.cmpi eq, %get3A_247, %eq3A_263 : vector<16xi32>
    %get3A_265 = arith.constant 1 : i32
    %get3A_266 = arith.index_cast %get3A_265 : i32 to index
    %get3A_267 = arith.constant 0 : index
    %get3A_268 = tpu.vector_load %arg6[%get3A_266, %get3A_267] {strides = array<i32>} : memref<4x16xf32, #tpu.memory_space<vmem>>, vector<1x16xf32>,
    %get3A_269 = vector.shape_cast %get3A_268 : vector<1x16xf32> to vector<16xf32>
    %select_n3A_270 = arith.select %eq3A_264, %get3A_269, %select_n3A_261 : vector<16xi1>, vector<16xf32>
    %eq3A_271 = arith.constant 0 : i32
    %eq3A_272 = vector.broadcast %eq3A_271 : i32 to vector<16xi32>
    %eq3A_273 = arith.cmpi eq, %get3A_247, %eq3A_272 : vector<16xi32>
    %get3A_274 = arith.constant 0 : i32
    %get3A_275 = arith.index_cast %get3A_274 : i32 to index
    %get3A_276 = arith.constant 0 : index
    %get3A_277 = tpu.vector_load %arg6[%get3A_275, %get3A_276] {strides = array<i32>} : memref<4x16xf32, #tpu.memory_space<vmem>>, vector<1x16xf32>,
    %get3A_278 = vector.shape_cast %get3A_277 : vector<1x16xf32> to vector<16xf32>
    %select_n3A_279 = arith.select %eq3A_273, %get3A_278, %select_n3A_270 : vector<16xi1>, vector<16xf32>
    %add3A_280 = arith.addf %add3A_240, %select_n3A_279 : vector<16xf32>
    %add3A_281 = arith.constant 0 : i32
    %add3A_282 = arith.addi %mul3A_2, %add3A_281 : i32
    %get3A_283 = arith.constant 7 : i32
    %get3A_284 = arith.index_cast %get3A_283 : i32 to index
    %get3A_285 = arith.index_cast %add3A_282 : i32 to index
    %get3A_286 = tpu.vector_load %arg5[%get3A_284, %get3A_285] {strides = array<i32>} : memref<32x1024xi32, #tpu.memory_space<vmem>>, vector<1x16xi32>,
    %get3A_287 = vector.shape_cast %get3A_286 : vector<1x16xi32> to vector<16xi32>
    %get3A_288 = arith.constant 3 : i32
    %get3A_289 = arith.index_cast %get3A_288 : i32 to index
    %get3A_290 = arith.constant 0 : index
    %get3A_291 = tpu.vector_load %arg6[%get3A_289, %get3A_290] {strides = array<i32>} : memref<4x16xf32, #tpu.memory_space<vmem>>, vector<1x16xf32>,
    %get3A_292 = vector.shape_cast %get3A_291 : vector<1x16xf32> to vector<16xf32>
    %eq3A_293 = arith.constant 2 : i32
    %eq3A_294 = vector.broadcast %eq3A_293 : i32 to vector<16xi32>
    %eq3A_295 = arith.cmpi eq, %get3A_287, %eq3A_294 : vector<16xi32>
    %get3A_296 = arith.constant 2 : i32
    %get3A_297 = arith.index_cast %get3A_296 : i32 to index
    %get3A_298 = arith.constant 0 : index
    %get3A_299 = tpu.vector_load %arg6[%get3A_297, %get3A_298] {strides = array<i32>} : memref<4x16xf32, #tpu.memory_space<vmem>>, vector<1x16xf32>,
    %get3A_300 = vector.shape_cast %get3A_299 : vector<1x16xf32> to vector<16xf32>
    %select_n3A_301 = arith.select %eq3A_295, %get3A_300, %get3A_292 : vector<16xi1>, vector<16xf32>
    %eq3A_302 = arith.constant 1 : i32
    %eq3A_303 = vector.broadcast %eq3A_302 : i32 to vector<16xi32>
    %eq3A_304 = arith.cmpi eq, %get3A_287, %eq3A_303 : vector<16xi32>
    %get3A_305 = arith.constant 1 : i32
    %get3A_306 = arith.index_cast %get3A_305 : i32 to index
    %get3A_307 = arith.constant 0 : index
    %get3A_308 = tpu.vector_load %arg6[%get3A_306, %get3A_307] {strides = array<i32>} : memref<4x16xf32, #tpu.memory_space<vmem>>, vector<1x16xf32>,
    %get3A_309 = vector.shape_cast %get3A_308 : vector<1x16xf32> to vector<16xf32>
    %select_n3A_310 = arith.select %eq3A_304, %get3A_309, %select_n3A_301 : vector<16xi1>, vector<16xf32>
    %eq3A_311 = arith.constant 0 : i32
    %eq3A_312 = vector.broadcast %eq3A_311 : i32 to vector<16xi32>
    %eq3A_313 = arith.cmpi eq, %get3A_287, %eq3A_312 : vector<16xi32>
    %get3A_314 = arith.constant 0 : i32
    %get3A_315 = arith.index_cast %get3A_314 : i32 to index
    %get3A_316 = arith.constant 0 : index
    %get3A_317 = tpu.vector_load %arg6[%get3A_315, %get3A_316] {strides = array<i32>} : memref<4x16xf32, #tpu.memory_space<vmem>>, vector<1x16xf32>,
    %get3A_318 = vector.shape_cast %get3A_317 : vector<1x16xf32> to vector<16xf32>
    %select_n3A_319 = arith.select %eq3A_313, %get3A_318, %select_n3A_310 : vector<16xi1>, vector<16xf32>
    %add3A_320 = arith.addf %add3A_280, %select_n3A_319 : vector<16xf32>
    %add3A_321 = arith.constant 0 : i32
    %add3A_322 = arith.addi %mul3A_2, %add3A_321 : i32
    %get3A_323 = arith.constant 8 : i32
    %get3A_324 = arith.index_cast %get3A_323 : i32 to index
    %get3A_325 = arith.index_cast %add3A_322 : i32 to index
    %get3A_326 = tpu.vector_load %arg5[%get3A_324, %get3A_325] {strides = array<i32>} : memref<32x1024xi32, #tpu.memory_space<vmem>>, vector<1x16xi32>,
    %get3A_327 = vector.shape_cast %get3A_326 : vector<1x16xi32> to vector<16xi32>
    %get3A_328 = arith.constant 3 : i32
    %get3A_329 = arith.index_cast %get3A_328 : i32 to index
    %get3A_330 = arith.constant 0 : index
    %get3A_331 = tpu.vector_load %arg6[%get3A_329, %get3A_330] {strides = array<i32>} : memref<4x16xf32, #tpu.memory_space<vmem>>, vector<1x16xf32>,
    %get3A_332 = vector.shape_cast %get3A_331 : vector<1x16xf32> to vector<16xf32>
    %eq3A_333 = arith.constant 2 : i32
    %eq3A_334 = vector.broadcast %eq3A_333 : i32 to vector<16xi32>
    %eq3A_335 = arith.cmpi eq, %get3A_327, %eq3A_334 : vector<16xi32>
    %get3A_336 = arith.constant 2 : i32
    %get3A_337 = arith.index_cast %get3A_336 : i32 to index
    %get3A_338 = arith.constant 0 : index
    %get3A_339 = tpu.vector_load %arg6[%get3A_337, %get3A_338] {strides = array<i32>} : memref<4x16xf32, #tpu.memory_space<vmem>>, vector<1x16xf32>,
    %get3A_340 = vector.shape_cast %get3A_339 : vector<1x16xf32> to vector<16xf32>
    %select_n3A_341 = arith.select %eq3A_335, %get3A_340, %get3A_332 : vector<16xi1>, vector<16xf32>
    %eq3A_342 = arith.constant 1 : i32
    %eq3A_343 = vector.broadcast %eq3A_342 : i32 to vector<16xi32>
    %eq3A_344 = arith.cmpi eq, %get3A_327, %eq3A_343 : vector<16xi32>
    %get3A_345 = arith.constant 1 : i32
    %get3A_346 = arith.index_cast %get3A_345 : i32 to index
    %get3A_347 = arith.constant 0 : index
    %get3A_348 = tpu.vector_load %arg6[%get3A_346, %get3A_347] {strides = array<i32>} : memref<4x16xf32, #tpu.memory_space<vmem>>, vector<1x16xf32>,
    %get3A_349 = vector.shape_cast %get3A_348 : vector<1x16xf32> to vector<16xf32>
    %select_n3A_350 = arith.select %eq3A_344, %get3A_349, %select_n3A_341 : vector<16xi1>, vector<16xf32>
    %eq3A_351 = arith.constant 0 : i32
    %eq3A_352 = vector.broadcast %eq3A_351 : i32 to vector<16xi32>
    %eq3A_353 = arith.cmpi eq, %get3A_327, %eq3A_352 : vector<16xi32>
    %get3A_354 = arith.constant 0 : i32
    %get3A_355 = arith.index_cast %get3A_354 : i32 to index
    %get3A_356 = arith.constant 0 : index
    %get3A_357 = tpu.vector_load %arg6[%get3A_355, %get3A_356] {strides = array<i32>} : memref<4x16xf32, #tpu.memory_space<vmem>>, vector<1x16xf32>,
    %get3A_358 = vector.shape_cast %get3A_357 : vector<1x16xf32> to vector<16xf32>
    %select_n3A_359 = arith.select %eq3A_353, %get3A_358, %select_n3A_350 : vector<16xi1>, vector<16xf32>
    %add3A_360 = arith.addf %add3A_320, %select_n3A_359 : vector<16xf32>
    %add3A_361 = arith.constant 0 : i32
    %add3A_362 = arith.addi %mul3A_2, %add3A_361 : i32
    %get3A_363 = arith.constant 9 : i32
    %get3A_364 = arith.index_cast %get3A_363 : i32 to index
    %get3A_365 = arith.index_cast %add3A_362 : i32 to index
    %get3A_366 = tpu.vector_load %arg5[%get3A_364, %get3A_365] {strides = array<i32>} : memref<32x1024xi32, #tpu.memory_space<vmem>>, vector<1x16xi32>,
    %get3A_367 = vector.shape_cast %get3A_366 : vector<1x16xi32> to vector<16xi32>
    %get3A_368 = arith.constant 3 : i32
    %get3A_369 = arith.index_cast %get3A_368 : i32 to index
    %get3A_370 = arith.constant 0 : index
    %get3A_371 = tpu.vector_load %arg6[%get3A_369, %get3A_370] {strides = array<i32>} : memref<4x16xf32, #tpu.memory_space<vmem>>, vector<1x16xf32>,
    %get3A_372 = vector.shape_cast %get3A_371 : vector<1x16xf32> to vector<16xf32>
    %eq3A_373 = arith.constant 2 : i32
    %eq3A_374 = vector.broadcast %eq3A_373 : i32 to vector<16xi32>
    %eq3A_375 = arith.cmpi eq, %get3A_367, %eq3A_374 : vector<16xi32>
    %get3A_376 = arith.constant 2 : i32
    %get3A_377 = arith.index_cast %get3A_376 : i32 to index
    %get3A_378 = arith.constant 0 : index
    %get3A_379 = tpu.vector_load %arg6[%get3A_377, %get3A_378] {strides = array<i32>} : memref<4x16xf32, #tpu.memory_space<vmem>>, vector<1x16xf32>,
    %get3A_380 = vector.shape_cast %get3A_379 : vector<1x16xf32> to vector<16xf32>
    %select_n3A_381 = arith.select %eq3A_375, %get3A_380, %get3A_372 : vector<16xi1>, vector<16xf32>
    %eq3A_382 = arith.constant 1 : i32
    %eq3A_383 = vector.broadcast %eq3A_382 : i32 to vector<16xi32>
    %eq3A_384 = arith.cmpi eq, %get3A_367, %eq3A_383 : vector<16xi32>
    %get3A_385 = arith.constant 1 : i32
    %get3A_386 = arith.index_cast %get3A_385 : i32 to index
    %get3A_387 = arith.constant 0 : index
    %get3A_388 = tpu.vector_load %arg6[%get3A_386, %get3A_387] {strides = array<i32>} : memref<4x16xf32, #tpu.memory_space<vmem>>, vector<1x16xf32>,
    %get3A_389 = vector.shape_cast %get3A_388 : vector<1x16xf32> to vector<16xf32>
    %select_n3A_390 = arith.select %eq3A_384, %get3A_389, %select_n3A_381 : vector<16xi1>, vector<16xf32>
    %eq3A_391 = arith.constant 0 : i32
    %eq3A_392 = vector.broadcast %eq3A_391 : i32 to vector<16xi32>
    %eq3A_393 = arith.cmpi eq, %get3A_367, %eq3A_392 : vector<16xi32>
    %get3A_394 = arith.constant 0 : i32
    %get3A_395 = arith.index_cast %get3A_394 : i32 to index
    %get3A_396 = arith.constant 0 : index
    %get3A_397 = tpu.vector_load %arg6[%get3A_395, %get3A_396] {strides = array<i32>} : memref<4x16xf32, #tpu.memory_space<vmem>>, vector<1x16xf32>,
    %get3A_398 = vector.shape_cast %get3A_397 : vector<1x16xf32> to vector<16xf32>
    %select_n3A_399 = arith.select %eq3A_393, %get3A_398, %select_n3A_390 : vector<16xi1>, vector<16xf32>
    %add3A_400 = arith.addf %add3A_360, %select_n3A_399 : vector<16xf32>
    %add3A_401 = arith.constant 0 : i32
    %add3A_402 = arith.addi %mul3A_2, %add3A_401 : i32
    %get3A_403 = arith.constant 10 : i32
    %get3A_404 = arith.index_cast %get3A_403 : i32 to index
    %get3A_405 = arith.index_cast %add3A_402 : i32 to index
    %get3A_406 = tpu.vector_load %arg5[%get3A_404, %get3A_405] {strides = array<i32>} : memref<32x1024xi32, #tpu.memory_space<vmem>>, vector<1x16xi32>,
    %get3A_407 = vector.shape_cast %get3A_406 : vector<1x16xi32> to vector<16xi32>
    %get3A_408 = arith.constant 3 : i32
    %get3A_409 = arith.index_cast %get3A_408 : i32 to index
    %get3A_410 = arith.constant 0 : index
    %get3A_411 = tpu.vector_load %arg6[%get3A_409, %get3A_410] {strides = array<i32>} : memref<4x16xf32, #tpu.memory_space<vmem>>, vector<1x16xf32>,
    %get3A_412 = vector.shape_cast %get3A_411 : vector<1x16xf32> to vector<16xf32>
    %eq3A_413 = arith.constant 2 : i32
    %eq3A_414 = vector.broadcast %eq3A_413 : i32 to vector<16xi32>
    %eq3A_415 = arith.cmpi eq, %get3A_407, %eq3A_414 : vector<16xi32>
    %get3A_416 = arith.constant 2 : i32
    %get3A_417 = arith.index_cast %get3A_416 : i32 to index
    %get3A_418 = arith.constant 0 : index
    %get3A_419 = tpu.vector_load %arg6[%get3A_417, %get3A_418] {strides = array<i32>} : memref<4x16xf32, #tpu.memory_space<vmem>>, vector<1x16xf32>,
    %get3A_420 = vector.shape_cast %get3A_419 : vector<1x16xf32> to vector<16xf32>
    %select_n3A_421 = arith.select %eq3A_415, %get3A_420, %get3A_412 : vector<16xi1>, vector<16xf32>
    %eq3A_422 = arith.constant 1 : i32
    %eq3A_423 = vector.broadcast %eq3A_422 : i32 to vector<16xi32>
    %eq3A_424 = arith.cmpi eq, %get3A_407, %eq3A_423 : vector<16xi32>
    %get3A_425 = arith.constant 1 : i32
    %get3A_426 = arith.index_cast %get3A_425 : i32 to index
    %get3A_427 = arith.constant 0 : index
    %get3A_428 = tpu.vector_load %arg6[%get3A_426, %get3A_427] {strides = array<i32>} : memref<4x16xf32, #tpu.memory_space<vmem>>, vector<1x16xf32>,
    %get3A_429 = vector.shape_cast %get3A_428 : vector<1x16xf32> to vector<16xf32>
    %select_n3A_430 = arith.select %eq3A_424, %get3A_429, %select_n3A_421 : vector<16xi1>, vector<16xf32>
    %eq3A_431 = arith.constant 0 : i32
    %eq3A_432 = vector.broadcast %eq3A_431 : i32 to vector<16xi32>
    %eq3A_433 = arith.cmpi eq, %get3A_407, %eq3A_432 : vector<16xi32>
    %get3A_434 = arith.constant 0 : i32
    %get3A_435 = arith.index_cast %get3A_434 : i32 to index
    %get3A_436 = arith.constant 0 : index
    %get3A_437 = tpu.vector_load %arg6[%get3A_435, %get3A_436] {strides = array<i32>} : memref<4x16xf32, #tpu.memory_space<vmem>>, vector<1x16xf32>,
    %get3A_438 = vector.shape_cast %get3A_437 : vector<1x16xf32> to vector<16xf32>
    %select_n3A_439 = arith.select %eq3A_433, %get3A_438, %select_n3A_430 : vector<16xi1>, vector<16xf32>
    %add3A_440 = arith.addf %add3A_400, %select_n3A_439 : vector<16xf32>
    %add3A_441 = arith.constant 0 : i32
    %add3A_442 = arith.addi %mul3A_2, %add3A_441 : i32
    %get3A_443 = arith.constant 11 : i32
    %get3A_444 = arith.index_cast %get3A_443 : i32 to index
    %get3A_445 = arith.index_cast %add3A_442 : i32 to index
    %get3A_446 = tpu.vector_load %arg5[%get3A_444, %get3A_445] {strides = array<i32>} : memref<32x1024xi32, #tpu.memory_space<vmem>>, vector<1x16xi32>,
    %get3A_447 = vector.shape_cast %get3A_446 : vector<1x16xi32> to vector<16xi32>
    %get3A_448 = arith.constant 3 : i32
    %get3A_449 = arith.index_cast %get3A_448 : i32 to index
    %get3A_450 = arith.constant 0 : index
    %get3A_451 = tpu.vector_load %arg6[%get3A_449, %get3A_450] {strides = array<i32>} : memref<4x16xf32, #tpu.memory_space<vmem>>, vector<1x16xf32>,
    %get3A_452 = vector.shape_cast %get3A_451 : vector<1x16xf32> to vector<16xf32>
    %eq3A_453 = arith.constant 2 : i32
    %eq3A_454 = vector.broadcast %eq3A_453 : i32 to vector<16xi32>
    %eq3A_455 = arith.cmpi eq, %get3A_447, %eq3A_454 : vector<16xi32>
    %get3A_456 = arith.constant 2 : i32
    %get3A_457 = arith.index_cast %get3A_456 : i32 to index
    %get3A_458 = arith.constant 0 : index
    %get3A_459 = tpu.vector_load %arg6[%get3A_457, %get3A_458] {strides = array<i32>} : memref<4x16xf32, #tpu.memory_space<vmem>>, vector<1x16xf32>,
    %get3A_460 = vector.shape_cast %get3A_459 : vector<1x16xf32> to vector<16xf32>
    %select_n3A_461 = arith.select %eq3A_455, %get3A_460, %get3A_452 : vector<16xi1>, vector<16xf32>
    %eq3A_462 = arith.constant 1 : i32
    %eq3A_463 = vector.broadcast %eq3A_462 : i32 to vector<16xi32>
    %eq3A_464 = arith.cmpi eq, %get3A_447, %eq3A_463 : vector<16xi32>
    %get3A_465 = arith.constant 1 : i32
    %get3A_466 = arith.index_cast %get3A_465 : i32 to index
    %get3A_467 = arith.constant 0 : index
    %get3A_468 = tpu.vector_load %arg6[%get3A_466, %get3A_467] {strides = array<i32>} : memref<4x16xf32, #tpu.memory_space<vmem>>, vector<1x16xf32>,
    %get3A_469 = vector.shape_cast %get3A_468 : vector<1x16xf32> to vector<16xf32>
    %select_n3A_470 = arith.select %eq3A_464, %get3A_469, %select_n3A_461 : vector<16xi1>, vector<16xf32>
    %eq3A_471 = arith.constant 0 : i32
    %eq3A_472 = vector.broadcast %eq3A_471 : i32 to vector<16xi32>
    %eq3A_473 = arith.cmpi eq, %get3A_447, %eq3A_472 : vector<16xi32>
    %get3A_474 = arith.constant 0 : i32
    %get3A_475 = arith.index_cast %get3A_474 : i32 to index
    %get3A_476 = arith.constant 0 : index
    %get3A_477 = tpu.vector_load %arg6[%get3A_475, %get3A_476] {strides = array<i32>} : memref<4x16xf32, #tpu.memory_space<vmem>>, vector<1x16xf32>,
    %get3A_478 = vector.shape_cast %get3A_477 : vector<1x16xf32> to vector<16xf32>
    %select_n3A_479 = arith.select %eq3A_473, %get3A_478, %select_n3A_470 : vector<16xi1>, vector<16xf32>
    %add3A_480 = arith.addf %add3A_440, %select_n3A_479 : vector<16xf32>
    %add3A_481 = arith.constant 0 : i32
    %add3A_482 = arith.addi %mul3A_2, %add3A_481 : i32
    %get3A_483 = arith.constant 12 : i32
    %get3A_484 = arith.index_cast %get3A_483 : i32 to index
    %get3A_485 = arith.index_cast %add3A_482 : i32 to index
    %get3A_486 = tpu.vector_load %arg5[%get3A_484, %get3A_485] {strides = array<i32>} : memref<32x1024xi32, #tpu.memory_space<vmem>>, vector<1x16xi32>,
    %get3A_487 = vector.shape_cast %get3A_486 : vector<1x16xi32> to vector<16xi32>
    %get3A_488 = arith.constant 3 : i32
    %get3A_489 = arith.index_cast %get3A_488 : i32 to index
    %get3A_490 = arith.constant 0 : index
    %get3A_491 = tpu.vector_load %arg6[%get3A_489, %get3A_490] {strides = array<i32>} : memref<4x16xf32, #tpu.memory_space<vmem>>, vector<1x16xf32>,
    %get3A_492 = vector.shape_cast %get3A_491 : vector<1x16xf32> to vector<16xf32>
    %eq3A_493 = arith.constant 2 : i32
    %eq3A_494 = vector.broadcast %eq3A_493 : i32 to vector<16xi32>
    %eq3A_495 = arith.cmpi eq, %get3A_487, %eq3A_494 : vector<16xi32>
    %get3A_496 = arith.constant 2 : i32
    %get3A_497 = arith.index_cast %get3A_496 : i32 to index
    %get3A_498 = arith.constant 0 : index
    %get3A_499 = tpu.vector_load %arg6[%get3A_497, %get3A_498] {strides = array<i32>} : memref<4x16xf32, #tpu.memory_space<vmem>>, vector<1x16xf32>,
    %get3A_500 = vector.shape_cast %get3A_499 : vector<1x16xf32> to vector<16xf32>
    %select_n3A_501 = arith.select %eq3A_495, %get3A_500, %get3A_492 : vector<16xi1>, vector<16xf32>
    %eq3A_502 = arith.constant 1 : i32
    %eq3A_503 = vector.broadcast %eq3A_502 : i32 to vector<16xi32>
    %eq3A_504 = arith.cmpi eq, %get3A_487, %eq3A_503 : vector<16xi32>
    %get3A_505 = arith.constant 1 : i32
    %get3A_506 = arith.index_cast %get3A_505 : i32 to index
    %get3A_507 = arith.constant 0 : index
    %get3A_508 = tpu.vector_load %arg6[%get3A_506, %get3A_507] {strides = array<i32>} : memref<4x16xf32, #tpu.memory_space<vmem>>, vector<1x16xf32>,
    %get3A_509 = vector.shape_cast %get3A_508 : vector<1x16xf32> to vector<16xf32>
    %select_n3A_510 = arith.select %eq3A_504, %get3A_509, %select_n3A_501 : vector<16xi1>, vector<16xf32>
    %eq3A_511 = arith.constant 0 : i32
    %eq3A_512 = vector.broadcast %eq3A_511 : i32 to vector<16xi32>
    %eq3A_513 = arith.cmpi eq, %get3A_487, %eq3A_512 : vector<16xi32>
    %get3A_514 = arith.constant 0 : i32
    %get3A_515 = arith.index_cast %get3A_514 : i32 to index
    %get3A_516 = arith.constant 0 : index
    %get3A_517 = tpu.vector_load %arg6[%get3A_515, %get3A_516] {strides = array<i32>} : memref<4x16xf32, #tpu.memory_space<vmem>>, vector<1x16xf32>,
    %get3A_518 = vector.shape_cast %get3A_517 : vector<1x16xf32> to vector<16xf32>
    %select_n3A_519 = arith.select %eq3A_513, %get3A_518, %select_n3A_510 : vector<16xi1>, vector<16xf32>
    %add3A_520 = arith.addf %add3A_480, %select_n3A_519 : vector<16xf32>
    %add3A_521 = arith.constant 0 : i32
    %add3A_522 = arith.addi %mul3A_2, %add3A_521 : i32
    %get3A_523 = arith.constant 13 : i32
    %get3A_524 = arith.index_cast %get3A_523 : i32 to index
    %get3A_525 = arith.index_cast %add3A_522 : i32 to index
    %get3A_526 = tpu.vector_load %arg5[%get3A_524, %get3A_525] {strides = array<i32>} : memref<32x1024xi32, #tpu.memory_space<vmem>>, vector<1x16xi32>,
    %get3A_527 = vector.shape_cast %get3A_526 : vector<1x16xi32> to vector<16xi32>
    %get3A_528 = arith.constant 3 : i32
    %get3A_529 = arith.index_cast %get3A_528 : i32 to index
    %get3A_530 = arith.constant 0 : index
    %get3A_531 = tpu.vector_load %arg6[%get3A_529, %get3A_530] {strides = array<i32>} : memref<4x16xf32, #tpu.memory_space<vmem>>, vector<1x16xf32>,
    %get3A_532 = vector.shape_cast %get3A_531 : vector<1x16xf32> to vector<16xf32>
    %eq3A_533 = arith.constant 2 : i32
    %eq3A_534 = vector.broadcast %eq3A_533 : i32 to vector<16xi32>
    %eq3A_535 = arith.cmpi eq, %get3A_527, %eq3A_534 : vector<16xi32>
    %get3A_536 = arith.constant 2 : i32
    %get3A_537 = arith.index_cast %get3A_536 : i32 to index
    %get3A_538 = arith.constant 0 : index
    %get3A_539 = tpu.vector_load %arg6[%get3A_537, %get3A_538] {strides = array<i32>} : memref<4x16xf32, #tpu.memory_space<vmem>>, vector<1x16xf32>,
    %get3A_540 = vector.shape_cast %get3A_539 : vector<1x16xf32> to vector<16xf32>
    %select_n3A_541 = arith.select %eq3A_535, %get3A_540, %get3A_532 : vector<16xi1>, vector<16xf32>
    %eq3A_542 = arith.constant 1 : i32
    %eq3A_543 = vector.broadcast %eq3A_542 : i32 to vector<16xi32>
    %eq3A_544 = arith.cmpi eq, %get3A_527, %eq3A_543 : vector<16xi32>
    %get3A_545 = arith.constant 1 : i32
    %get3A_546 = arith.index_cast %get3A_545 : i32 to index
    %get3A_547 = arith.constant 0 : index
    %get3A_548 = tpu.vector_load %arg6[%get3A_546, %get3A_547] {strides = array<i32>} : memref<4x16xf32, #tpu.memory_space<vmem>>, vector<1x16xf32>,
    %get3A_549 = vector.shape_cast %get3A_548 : vector<1x16xf32> to vector<16xf32>
    %select_n3A_550 = arith.select %eq3A_544, %get3A_549, %select_n3A_541 : vector<16xi1>, vector<16xf32>
    %eq3A_551 = arith.constant 0 : i32
    %eq3A_552 = vector.broadcast %eq3A_551 : i32 to vector<16xi32>
    %eq3A_553 = arith.cmpi eq, %get3A_527, %eq3A_552 : vector<16xi32>
    %get3A_554 = arith.constant 0 : i32
    %get3A_555 = arith.index_cast %get3A_554 : i32 to index
    %get3A_556 = arith.constant 0 : index
    %get3A_557 = tpu.vector_load %arg6[%get3A_555, %get3A_556] {strides = array<i32>} : memref<4x16xf32, #tpu.memory_space<vmem>>, vector<1x16xf32>,
    %get3A_558 = vector.shape_cast %get3A_557 : vector<1x16xf32> to vector<16xf32>
    %select_n3A_559 = arith.select %eq3A_553, %get3A_558, %select_n3A_550 : vector<16xi1>, vector<16xf32>
    %add3A_560 = arith.addf %add3A_520, %select_n3A_559 : vector<16xf32>
    %add3A_561 = arith.constant 0 : i32
    %add3A_562 = arith.addi %mul3A_2, %add3A_561 : i32
    %get3A_563 = arith.constant 14 : i32
    %get3A_564 = arith.index_cast %get3A_563 : i32 to index
    %get3A_565 = arith.index_cast %add3A_562 : i32 to index
    %get3A_566 = tpu.vector_load %arg5[%get3A_564, %get3A_565] {strides = array<i32>} : memref<32x1024xi32, #tpu.memory_space<vmem>>, vector<1x16xi32>,
    %get3A_567 = vector.shape_cast %get3A_566 : vector<1x16xi32> to vector<16xi32>
    %get3A_568 = arith.constant 3 : i32
    %get3A_569 = arith.index_cast %get3A_568 : i32 to index
    %get3A_570 = arith.constant 0 : index
    %get3A_571 = tpu.vector_load %arg6[%get3A_569, %get3A_570] {strides = array<i32>} : memref<4x16xf32, #tpu.memory_space<vmem>>, vector<1x16xf32>,
    %get3A_572 = vector.shape_cast %get3A_571 : vector<1x16xf32> to vector<16xf32>
    %eq3A_573 = arith.constant 2 : i32
    %eq3A_574 = vector.broadcast %eq3A_573 : i32 to vector<16xi32>
    %eq3A_575 = arith.cmpi eq, %get3A_567, %eq3A_574 : vector<16xi32>
    %get3A_576 = arith.constant 2 : i32
    %get3A_577 = arith.index_cast %get3A_576 : i32 to index
    %get3A_578 = arith.constant 0 : index
    %get3A_579 = tpu.vector_load %arg6[%get3A_577, %get3A_578] {strides = array<i32>} : memref<4x16xf32, #tpu.memory_space<vmem>>, vector<1x16xf32>,
    %get3A_580 = vector.shape_cast %get3A_579 : vector<1x16xf32> to vector<16xf32>
    %select_n3A_581 = arith.select %eq3A_575, %get3A_580, %get3A_572 : vector<16xi1>, vector<16xf32>
    %eq3A_582 = arith.constant 1 : i32
    %eq3A_583 = vector.broadcast %eq3A_582 : i32 to vector<16xi32>
    %eq3A_584 = arith.cmpi eq, %get3A_567, %eq3A_583 : vector<16xi32>
    %get3A_585 = arith.constant 1 : i32
    %get3A_586 = arith.index_cast %get3A_585 : i32 to index
    %get3A_587 = arith.constant 0 : index
    %get3A_588 = tpu.vector_load %arg6[%get3A_586, %get3A_587] {strides = array<i32>} : memref<4x16xf32, #tpu.memory_space<vmem>>, vector<1x16xf32>,
    %get3A_589 = vector.shape_cast %get3A_588 : vector<1x16xf32> to vector<16xf32>
    %select_n3A_590 = arith.select %eq3A_584, %get3A_589, %select_n3A_581 : vector<16xi1>, vector<16xf32>
    %eq3A_591 = arith.constant 0 : i32
    %eq3A_592 = vector.broadcast %eq3A_591 : i32 to vector<16xi32>
    %eq3A_593 = arith.cmpi eq, %get3A_567, %eq3A_592 : vector<16xi32>
    %get3A_594 = arith.constant 0 : i32
    %get3A_595 = arith.index_cast %get3A_594 : i32 to index
    %get3A_596 = arith.constant 0 : index
    %get3A_597 = tpu.vector_load %arg6[%get3A_595, %get3A_596] {strides = array<i32>} : memref<4x16xf32, #tpu.memory_space<vmem>>, vector<1x16xf32>,
    %get3A_598 = vector.shape_cast %get3A_597 : vector<1x16xf32> to vector<16xf32>
    %select_n3A_599 = arith.select %eq3A_593, %get3A_598, %select_n3A_590 : vector<16xi1>, vector<16xf32>
    %add3A_600 = arith.addf %add3A_560, %select_n3A_599 : vector<16xf32>
    %add3A_601 = arith.constant 0 : i32
    %add3A_602 = arith.addi %mul3A_2, %add3A_601 : i32
    %get3A_603 = arith.constant 15 : i32
    %get3A_604 = arith.index_cast %get3A_603 : i32 to index
    %get3A_605 = arith.index_cast %add3A_602 : i32 to index
    %get3A_606 = tpu.vector_load %arg5[%get3A_604, %get3A_605] {strides = array<i32>} : memref<32x1024xi32, #tpu.memory_space<vmem>>, vector<1x16xi32>,
    %get3A_607 = vector.shape_cast %get3A_606 : vector<1x16xi32> to vector<16xi32>
    %get3A_608 = arith.constant 3 : i32
    %get3A_609 = arith.index_cast %get3A_608 : i32 to index
    %get3A_610 = arith.constant 0 : index
    %get3A_611 = tpu.vector_load %arg6[%get3A_609, %get3A_610] {strides = array<i32>} : memref<4x16xf32, #tpu.memory_space<vmem>>, vector<1x16xf32>,
    %get3A_612 = vector.shape_cast %get3A_611 : vector<1x16xf32> to vector<16xf32>
    %eq3A_613 = arith.constant 2 : i32
    %eq3A_614 = vector.broadcast %eq3A_613 : i32 to vector<16xi32>
    %eq3A_615 = arith.cmpi eq, %get3A_607, %eq3A_614 : vector<16xi32>
    %get3A_616 = arith.constant 2 : i32
    %get3A_617 = arith.index_cast %get3A_616 : i32 to index
    %get3A_618 = arith.constant 0 : index
    %get3A_619 = tpu.vector_load %arg6[%get3A_617, %get3A_618] {strides = array<i32>} : memref<4x16xf32, #tpu.memory_space<vmem>>, vector<1x16xf32>,
    %get3A_620 = vector.shape_cast %get3A_619 : vector<1x16xf32> to vector<16xf32>
    %select_n3A_621 = arith.select %eq3A_615, %get3A_620, %get3A_612 : vector<16xi1>, vector<16xf32>
    %eq3A_622 = arith.constant 1 : i32
    %eq3A_623 = vector.broadcast %eq3A_622 : i32 to vector<16xi32>
    %eq3A_624 = arith.cmpi eq, %get3A_607, %eq3A_623 : vector<16xi32>
    %get3A_625 = arith.constant 1 : i32
    %get3A_626 = arith.index_cast %get3A_625 : i32 to index
    %get3A_627 = arith.constant 0 : index
    %get3A_628 = tpu.vector_load %arg6[%get3A_626, %get3A_627] {strides = array<i32>} : memref<4x16xf32, #tpu.memory_space<vmem>>, vector<1x16xf32>,
    %get3A_629 = vector.shape_cast %get3A_628 : vector<1x16xf32> to vector<16xf32>
    %select_n3A_630 = arith.select %eq3A_624, %get3A_629, %select_n3A_621 : vector<16xi1>, vector<16xf32>
    %eq3A_631 = arith.constant 0 : i32
    %eq3A_632 = vector.broadcast %eq3A_631 : i32 to vector<16xi32>
    %eq3A_633 = arith.cmpi eq, %get3A_607, %eq3A_632 : vector<16xi32>
    %get3A_634 = arith.constant 0 : i32
    %get3A_635 = arith.index_cast %get3A_634 : i32 to index
    %get3A_636 = arith.constant 0 : index
    %get3A_637 = tpu.vector_load %arg6[%get3A_635, %get3A_636] {strides = array<i32>} : memref<4x16xf32, #tpu.memory_space<vmem>>, vector<1x16xf32>,
    %get3A_638 = vector.shape_cast %get3A_637 : vector<1x16xf32> to vector<16xf32>
    %select_n3A_639 = arith.select %eq3A_633, %get3A_638, %select_n3A_630 : vector<16xi1>, vector<16xf32>
    %add3A_640 = arith.addf %add3A_600, %select_n3A_639 : vector<16xf32>
    %add3A_641 = arith.constant 0 : i32
    %add3A_642 = arith.addi %mul3A_2, %add3A_641 : i32
    %get3A_643 = arith.constant 16 : i32
    %get3A_644 = arith.index_cast %get3A_643 : i32 to index
    %get3A_645 = arith.index_cast %add3A_642 : i32 to index
    %get3A_646 = tpu.vector_load %arg5[%get3A_644, %get3A_645] {strides = array<i32>} : memref<32x1024xi32, #tpu.memory_space<vmem>>, vector<1x16xi32>,
    %get3A_647 = vector.shape_cast %get3A_646 : vector<1x16xi32> to vector<16xi32>
    %get3A_648 = arith.constant 3 : i32
    %get3A_649 = arith.index_cast %get3A_648 : i32 to index
    %get3A_650 = arith.constant 0 : index
    %get3A_651 = tpu.vector_load %arg6[%get3A_649, %get3A_650] {strides = array<i32>} : memref<4x16xf32, #tpu.memory_space<vmem>>, vector<1x16xf32>,
    %get3A_652 = vector.shape_cast %get3A_651 : vector<1x16xf32> to vector<16xf32>
    %eq3A_653 = arith.constant 2 : i32
    %eq3A_654 = vector.broadcast %eq3A_653 : i32 to vector<16xi32>
    %eq3A_655 = arith.cmpi eq, %get3A_647, %eq3A_654 : vector<16xi32>
    %get3A_656 = arith.constant 2 : i32
    %get3A_657 = arith.index_cast %get3A_656 : i32 to index
    %get3A_658 = arith.constant 0 : index
    %get3A_659 = tpu.vector_load %arg6[%get3A_657, %get3A_658] {strides = array<i32>} : memref<4x16xf32, #tpu.memory_space<vmem>>, vector<1x16xf32>,
    %get3A_660 = vector.shape_cast %get3A_659 : vector<1x16xf32> to vector<16xf32>
    %select_n3A_661 = arith.select %eq3A_655, %get3A_660, %get3A_652 : vector<16xi1>, vector<16xf32>
    %eq3A_662 = arith.constant 1 : i32
    %eq3A_663 = vector.broadcast %eq3A_662 : i32 to vector<16xi32>
    %eq3A_664 = arith.cmpi eq, %get3A_647, %eq3A_663 : vector<16xi32>
    %get3A_665 = arith.constant 1 : i32
    %get3A_666 = arith.index_cast %get3A_665 : i32 to index
    %get3A_667 = arith.constant 0 : index
    %get3A_668 = tpu.vector_load %arg6[%get3A_666, %get3A_667] {strides = array<i32>} : memref<4x16xf32, #tpu.memory_space<vmem>>, vector<1x16xf32>,
    %get3A_669 = vector.shape_cast %get3A_668 : vector<1x16xf32> to vector<16xf32>
    %select_n3A_670 = arith.select %eq3A_664, %get3A_669, %select_n3A_661 : vector<16xi1>, vector<16xf32>
    %eq3A_671 = arith.constant 0 : i32
    %eq3A_672 = vector.broadcast %eq3A_671 : i32 to vector<16xi32>
    %eq3A_673 = arith.cmpi eq, %get3A_647, %eq3A_672 : vector<16xi32>
    %get3A_674 = arith.constant 0 : i32
    %get3A_675 = arith.index_cast %get3A_674 : i32 to index
    %get3A_676 = arith.constant 0 : index
    %get3A_677 = tpu.vector_load %arg6[%get3A_675, %get3A_676] {strides = array<i32>} : memref<4x16xf32, #tpu.memory_space<vmem>>, vector<1x16xf32>,
    %get3A_678 = vector.shape_cast %get3A_677 : vector<1x16xf32> to vector<16xf32>
    %select_n3A_679 = arith.select %eq3A_673, %get3A_678, %select_n3A_670 : vector<16xi1>, vector<16xf32>
    %add3A_680 = arith.addf %add3A_640, %select_n3A_679 : vector<16xf32>
    %add3A_681 = arith.constant 0 : i32
    %add3A_682 = arith.addi %mul3A_2, %add3A_681 : i32
    %get3A_683 = arith.constant 17 : i32
    %get3A_684 = arith.index_cast %get3A_683 : i32 to index
    %get3A_685 = arith.index_cast %add3A_682 : i32 to index
    %get3A_686 = tpu.vector_load %arg5[%get3A_684, %get3A_685] {strides = array<i32>} : memref<32x1024xi32, #tpu.memory_space<vmem>>, vector<1x16xi32>,
    %get3A_687 = vector.shape_cast %get3A_686 : vector<1x16xi32> to vector<16xi32>
    %get3A_688 = arith.constant 3 : i32
    %get3A_689 = arith.index_cast %get3A_688 : i32 to index
    %get3A_690 = arith.constant 0 : index
    %get3A_691 = tpu.vector_load %arg6[%get3A_689, %get3A_690] {strides = array<i32>} : memref<4x16xf32, #tpu.memory_space<vmem>>, vector<1x16xf32>,
    %get3A_692 = vector.shape_cast %get3A_691 : vector<1x16xf32> to vector<16xf32>
    %eq3A_693 = arith.constant 2 : i32
    %eq3A_694 = vector.broadcast %eq3A_693 : i32 to vector<16xi32>
    %eq3A_695 = arith.cmpi eq, %get3A_687, %eq3A_694 : vector<16xi32>
    %get3A_696 = arith.constant 2 : i32
    %get3A_697 = arith.index_cast %get3A_696 : i32 to index
    %get3A_698 = arith.constant 0 : index
    %get3A_699 = tpu.vector_load %arg6[%get3A_697, %get3A_698] {strides = array<i32>} : memref<4x16xf32, #tpu.memory_space<vmem>>, vector<1x16xf32>,
    %get3A_700 = vector.shape_cast %get3A_699 : vector<1x16xf32> to vector<16xf32>
    %select_n3A_701 = arith.select %eq3A_695, %get3A_700, %get3A_692 : vector<16xi1>, vector<16xf32>
    %eq3A_702 = arith.constant 1 : i32
    %eq3A_703 = vector.broadcast %eq3A_702 : i32 to vector<16xi32>
    %eq3A_704 = arith.cmpi eq, %get3A_687, %eq3A_703 : vector<16xi32>
    %get3A_705 = arith.constant 1 : i32
    %get3A_706 = arith.index_cast %get3A_705 : i32 to index
    %get3A_707 = arith.constant 0 : index
    %get3A_708 = tpu.vector_load %arg6[%get3A_706, %get3A_707] {strides = array<i32>} : memref<4x16xf32, #tpu.memory_space<vmem>>, vector<1x16xf32>,
    %get3A_709 = vector.shape_cast %get3A_708 : vector<1x16xf32> to vector<16xf32>
    %select_n3A_710 = arith.select %eq3A_704, %get3A_709, %select_n3A_701 : vector<16xi1>, vector<16xf32>
    %eq3A_711 = arith.constant 0 : i32
    %eq3A_712 = vector.broadcast %eq3A_711 : i32 to vector<16xi32>
    %eq3A_713 = arith.cmpi eq, %get3A_687, %eq3A_712 : vector<16xi32>
    %get3A_714 = arith.constant 0 : i32
    %get3A_715 = arith.index_cast %get3A_714 : i32 to index
    %get3A_716 = arith.constant 0 : index
    %get3A_717 = tpu.vector_load %arg6[%get3A_715, %get3A_716] {strides = array<i32>} : memref<4x16xf32, #tpu.memory_space<vmem>>, vector<1x16xf32>,
    %get3A_718 = vector.shape_cast %get3A_717 : vector<1x16xf32> to vector<16xf32>
    %select_n3A_719 = arith.select %eq3A_713, %get3A_718, %select_n3A_710 : vector<16xi1>, vector<16xf32>
    %add3A_720 = arith.addf %add3A_680, %select_n3A_719 : vector<16xf32>
    %add3A_721 = arith.constant 0 : i32
    %add3A_722 = arith.addi %mul3A_2, %add3A_721 : i32
    %get3A_723 = arith.constant 18 : i32
    %get3A_724 = arith.index_cast %get3A_723 : i32 to index
    %get3A_725 = arith.index_cast %add3A_722 : i32 to index
    %get3A_726 = tpu.vector_load %arg5[%get3A_724, %get3A_725] {strides = array<i32>} : memref<32x1024xi32, #tpu.memory_space<vmem>>, vector<1x16xi32>,
    %get3A_727 = vector.shape_cast %get3A_726 : vector<1x16xi32> to vector<16xi32>
    %get3A_728 = arith.constant 3 : i32
    %get3A_729 = arith.index_cast %get3A_728 : i32 to index
    %get3A_730 = arith.constant 0 : index
    %get3A_731 = tpu.vector_load %arg6[%get3A_729, %get3A_730] {strides = array<i32>} : memref<4x16xf32, #tpu.memory_space<vmem>>, vector<1x16xf32>,
    %get3A_732 = vector.shape_cast %get3A_731 : vector<1x16xf32> to vector<16xf32>
    %eq3A_733 = arith.constant 2 : i32
    %eq3A_734 = vector.broadcast %eq3A_733 : i32 to vector<16xi32>
    %eq3A_735 = arith.cmpi eq, %get3A_727, %eq3A_734 : vector<16xi32>
    %get3A_736 = arith.constant 2 : i32
    %get3A_737 = arith.index_cast %get3A_736 : i32 to index
    %get3A_738 = arith.constant 0 : index
    %get3A_739 = tpu.vector_load %arg6[%get3A_737, %get3A_738] {strides = array<i32>} : memref<4x16xf32, #tpu.memory_space<vmem>>, vector<1x16xf32>,
    %get3A_740 = vector.shape_cast %get3A_739 : vector<1x16xf32> to vector<16xf32>
    %select_n3A_741 = arith.select %eq3A_735, %get3A_740, %get3A_732 : vector<16xi1>, vector<16xf32>
    %eq3A_742 = arith.constant 1 : i32
    %eq3A_743 = vector.broadcast %eq3A_742 : i32 to vector<16xi32>
    %eq3A_744 = arith.cmpi eq, %get3A_727, %eq3A_743 : vector<16xi32>
    %get3A_745 = arith.constant 1 : i32
    %get3A_746 = arith.index_cast %get3A_745 : i32 to index
    %get3A_747 = arith.constant 0 : index
    %get3A_748 = tpu.vector_load %arg6[%get3A_746, %get3A_747] {strides = array<i32>} : memref<4x16xf32, #tpu.memory_space<vmem>>, vector<1x16xf32>,
    %get3A_749 = vector.shape_cast %get3A_748 : vector<1x16xf32> to vector<16xf32>
    %select_n3A_750 = arith.select %eq3A_744, %get3A_749, %select_n3A_741 : vector<16xi1>, vector<16xf32>
    %eq3A_751 = arith.constant 0 : i32
    %eq3A_752 = vector.broadcast %eq3A_751 : i32 to vector<16xi32>
    %eq3A_753 = arith.cmpi eq, %get3A_727, %eq3A_752 : vector<16xi32>
    %get3A_754 = arith.constant 0 : i32
    %get3A_755 = arith.index_cast %get3A_754 : i32 to index
    %get3A_756 = arith.constant 0 : index
    %get3A_757 = tpu.vector_load %arg6[%get3A_755, %get3A_756] {strides = array<i32>} : memref<4x16xf32, #tpu.memory_space<vmem>>, vector<1x16xf32>,
    %get3A_758 = vector.shape_cast %get3A_757 : vector<1x16xf32> to vector<16xf32>
    %select_n3A_759 = arith.select %eq3A_753, %get3A_758, %select_n3A_750 : vector<16xi1>, vector<16xf32>
    %add3A_760 = arith.addf %add3A_720, %select_n3A_759 : vector<16xf32>
    %add3A_761 = arith.constant 0 : i32
    %add3A_762 = arith.addi %mul3A_2, %add3A_761 : i32
    %get3A_763 = arith.constant 19 : i32
    %get3A_764 = arith.index_cast %get3A_763 : i32 to index
    %get3A_765 = arith.index_cast %add3A_762 : i32 to index
    %get3A_766 = tpu.vector_load %arg5[%get3A_764, %get3A_765] {strides = array<i32>} : memref<32x1024xi32, #tpu.memory_space<vmem>>, vector<1x16xi32>,
    %get3A_767 = vector.shape_cast %get3A_766 : vector<1x16xi32> to vector<16xi32>
    %get3A_768 = arith.constant 3 : i32
    %get3A_769 = arith.index_cast %get3A_768 : i32 to index
    %get3A_770 = arith.constant 0 : index
    %get3A_771 = tpu.vector_load %arg6[%get3A_769, %get3A_770] {strides = array<i32>} : memref<4x16xf32, #tpu.memory_space<vmem>>, vector<1x16xf32>,
    %get3A_772 = vector.shape_cast %get3A_771 : vector<1x16xf32> to vector<16xf32>
    %eq3A_773 = arith.constant 2 : i32
    %eq3A_774 = vector.broadcast %eq3A_773 : i32 to vector<16xi32>
    %eq3A_775 = arith.cmpi eq, %get3A_767, %eq3A_774 : vector<16xi32>
    %get3A_776 = arith.constant 2 : i32
    %get3A_777 = arith.index_cast %get3A_776 : i32 to index
    %get3A_778 = arith.constant 0 : index
    %get3A_779 = tpu.vector_load %arg6[%get3A_777, %get3A_778] {strides = array<i32>} : memref<4x16xf32, #tpu.memory_space<vmem>>, vector<1x16xf32>,
    %get3A_780 = vector.shape_cast %get3A_779 : vector<1x16xf32> to vector<16xf32>
    %select_n3A_781 = arith.select %eq3A_775, %get3A_780, %get3A_772 : vector<16xi1>, vector<16xf32>
    %eq3A_782 = arith.constant 1 : i32
    %eq3A_783 = vector.broadcast %eq3A_782 : i32 to vector<16xi32>
    %eq3A_784 = arith.cmpi eq, %get3A_767, %eq3A_783 : vector<16xi32>
    %get3A_785 = arith.constant 1 : i32
    %get3A_786 = arith.index_cast %get3A_785 : i32 to index
    %get3A_787 = arith.constant 0 : index
    %get3A_788 = tpu.vector_load %arg6[%get3A_786, %get3A_787] {strides = array<i32>} : memref<4x16xf32, #tpu.memory_space<vmem>>, vector<1x16xf32>,
    %get3A_789 = vector.shape_cast %get3A_788 : vector<1x16xf32> to vector<16xf32>
    %select_n3A_790 = arith.select %eq3A_784, %get3A_789, %select_n3A_781 : vector<16xi1>, vector<16xf32>
    %eq3A_791 = arith.constant 0 : i32
    %eq3A_792 = vector.broadcast %eq3A_791 : i32 to vector<16xi32>
    %eq3A_793 = arith.cmpi eq, %get3A_767, %eq3A_792 : vector<16xi32>
    %get3A_794 = arith.constant 0 : i32
    %get3A_795 = arith.index_cast %get3A_794 : i32 to index
    %get3A_796 = arith.constant 0 : index
    %get3A_797 = tpu.vector_load %arg6[%get3A_795, %get3A_796] {strides = array<i32>} : memref<4x16xf32, #tpu.memory_space<vmem>>, vector<1x16xf32>,
    %get3A_798 = vector.shape_cast %get3A_797 : vector<1x16xf32> to vector<16xf32>
    %select_n3A_799 = arith.select %eq3A_793, %get3A_798, %select_n3A_790 : vector<16xi1>, vector<16xf32>
    %add3A_800 = arith.addf %add3A_760, %select_n3A_799 : vector<16xf32>
    %add3A_801 = arith.constant 0 : i32
    %add3A_802 = arith.addi %mul3A_2, %add3A_801 : i32
    %get3A_803 = arith.constant 20 : i32
    %get3A_804 = arith.index_cast %get3A_803 : i32 to index
    %get3A_805 = arith.index_cast %add3A_802 : i32 to index
    %get3A_806 = tpu.vector_load %arg5[%get3A_804, %get3A_805] {strides = array<i32>} : memref<32x1024xi32, #tpu.memory_space<vmem>>, vector<1x16xi32>,
    %get3A_807 = vector.shape_cast %get3A_806 : vector<1x16xi32> to vector<16xi32>
    %get3A_808 = arith.constant 3 : i32
    %get3A_809 = arith.index_cast %get3A_808 : i32 to index
    %get3A_810 = arith.constant 0 : index
    %get3A_811 = tpu.vector_load %arg6[%get3A_809, %get3A_810] {strides = array<i32>} : memref<4x16xf32, #tpu.memory_space<vmem>>, vector<1x16xf32>,
    %get3A_812 = vector.shape_cast %get3A_811 : vector<1x16xf32> to vector<16xf32>
    %eq3A_813 = arith.constant 2 : i32
    %eq3A_814 = vector.broadcast %eq3A_813 : i32 to vector<16xi32>
    %eq3A_815 = arith.cmpi eq, %get3A_807, %eq3A_814 : vector<16xi32>
    %get3A_816 = arith.constant 2 : i32
    %get3A_817 = arith.index_cast %get3A_816 : i32 to index
    %get3A_818 = arith.constant 0 : index
    %get3A_819 = tpu.vector_load %arg6[%get3A_817, %get3A_818] {strides = array<i32>} : memref<4x16xf32, #tpu.memory_space<vmem>>, vector<1x16xf32>,
    %get3A_820 = vector.shape_cast %get3A_819 : vector<1x16xf32> to vector<16xf32>
    %select_n3A_821 = arith.select %eq3A_815, %get3A_820, %get3A_812 : vector<16xi1>, vector<16xf32>
    %eq3A_822 = arith.constant 1 : i32
    %eq3A_823 = vector.broadcast %eq3A_822 : i32 to vector<16xi32>
    %eq3A_824 = arith.cmpi eq, %get3A_807, %eq3A_823 : vector<16xi32>
    %get3A_825 = arith.constant 1 : i32
    %get3A_826 = arith.index_cast %get3A_825 : i32 to index
    %get3A_827 = arith.constant 0 : index
    %get3A_828 = tpu.vector_load %arg6[%get3A_826, %get3A_827] {strides = array<i32>} : memref<4x16xf32, #tpu.memory_space<vmem>>, vector<1x16xf32>,
    %get3A_829 = vector.shape_cast %get3A_828 : vector<1x16xf32> to vector<16xf32>
    %select_n3A_830 = arith.select %eq3A_824, %get3A_829, %select_n3A_821 : vector<16xi1>, vector<16xf32>
    %eq3A_831 = arith.constant 0 : i32
    %eq3A_832 = vector.broadcast %eq3A_831 : i32 to vector<16xi32>
    %eq3A_833 = arith.cmpi eq, %get3A_807, %eq3A_832 : vector<16xi32>
    %get3A_834 = arith.constant 0 : i32
    %get3A_835 = arith.index_cast %get3A_834 : i32 to index
    %get3A_836 = arith.constant 0 : index
    %get3A_837 = tpu.vector_load %arg6[%get3A_835, %get3A_836] {strides = array<i32>} : memref<4x16xf32, #tpu.memory_space<vmem>>, vector<1x16xf32>,
    %get3A_838 = vector.shape_cast %get3A_837 : vector<1x16xf32> to vector<16xf32>
    %select_n3A_839 = arith.select %eq3A_833, %get3A_838, %select_n3A_830 : vector<16xi1>, vector<16xf32>
    %add3A_840 = arith.addf %add3A_800, %select_n3A_839 : vector<16xf32>
    %add3A_841 = arith.constant 0 : i32
    %add3A_842 = arith.addi %mul3A_2, %add3A_841 : i32
    %get3A_843 = arith.constant 21 : i32
    %get3A_844 = arith.index_cast %get3A_843 : i32 to index
    %get3A_845 = arith.index_cast %add3A_842 : i32 to index
    %get3A_846 = tpu.vector_load %arg5[%get3A_844, %get3A_845] {strides = array<i32>} : memref<32x1024xi32, #tpu.memory_space<vmem>>, vector<1x16xi32>,
    %get3A_847 = vector.shape_cast %get3A_846 : vector<1x16xi32> to vector<16xi32>
    %get3A_848 = arith.constant 3 : i32
    %get3A_849 = arith.index_cast %get3A_848 : i32 to index
    %get3A_850 = arith.constant 0 : index
    %get3A_851 = tpu.vector_load %arg6[%get3A_849, %get3A_850] {strides = array<i32>} : memref<4x16xf32, #tpu.memory_space<vmem>>, vector<1x16xf32>,
    %get3A_852 = vector.shape_cast %get3A_851 : vector<1x16xf32> to vector<16xf32>
    %eq3A_853 = arith.constant 2 : i32
    %eq3A_854 = vector.broadcast %eq3A_853 : i32 to vector<16xi32>
    %eq3A_855 = arith.cmpi eq, %get3A_847, %eq3A_854 : vector<16xi32>
    %get3A_856 = arith.constant 2 : i32
    %get3A_857 = arith.index_cast %get3A_856 : i32 to index
    %get3A_858 = arith.constant 0 : index
    %get3A_859 = tpu.vector_load %arg6[%get3A_857, %get3A_858] {strides = array<i32>} : memref<4x16xf32, #tpu.memory_space<vmem>>, vector<1x16xf32>,
    %get3A_860 = vector.shape_cast %get3A_859 : vector<1x16xf32> to vector<16xf32>
    %select_n3A_861 = arith.select %eq3A_855, %get3A_860, %get3A_852 : vector<16xi1>, vector<16xf32>
    %eq3A_862 = arith.constant 1 : i32
    %eq3A_863 = vector.broadcast %eq3A_862 : i32 to vector<16xi32>
    %eq3A_864 = arith.cmpi eq, %get3A_847, %eq3A_863 : vector<16xi32>
    %get3A_865 = arith.constant 1 : i32
    %get3A_866 = arith.index_cast %get3A_865 : i32 to index
    %get3A_867 = arith.constant 0 : index
    %get3A_868 = tpu.vector_load %arg6[%get3A_866, %get3A_867] {strides = array<i32>} : memref<4x16xf32, #tpu.memory_space<vmem>>, vector<1x16xf32>,
    %get3A_869 = vector.shape_cast %get3A_868 : vector<1x16xf32> to vector<16xf32>
    %select_n3A_870 = arith.select %eq3A_864, %get3A_869, %select_n3A_861 : vector<16xi1>, vector<16xf32>
    %eq3A_871 = arith.constant 0 : i32
    %eq3A_872 = vector.broadcast %eq3A_871 : i32 to vector<16xi32>
    %eq3A_873 = arith.cmpi eq, %get3A_847, %eq3A_872 : vector<16xi32>
    %get3A_874 = arith.constant 0 : i32
    %get3A_875 = arith.index_cast %get3A_874 : i32 to index
    %get3A_876 = arith.constant 0 : index
    %get3A_877 = tpu.vector_load %arg6[%get3A_875, %get3A_876] {strides = array<i32>} : memref<4x16xf32, #tpu.memory_space<vmem>>, vector<1x16xf32>,
    %get3A_878 = vector.shape_cast %get3A_877 : vector<1x16xf32> to vector<16xf32>
    %select_n3A_879 = arith.select %eq3A_873, %get3A_878, %select_n3A_870 : vector<16xi1>, vector<16xf32>
    %add3A_880 = arith.addf %add3A_840, %select_n3A_879 : vector<16xf32>
    %add3A_881 = arith.constant 0 : i32
    %add3A_882 = arith.addi %mul3A_2, %add3A_881 : i32
    %get3A_883 = arith.constant 22 : i32
    %get3A_884 = arith.index_cast %get3A_883 : i32 to index
    %get3A_885 = arith.index_cast %add3A_882 : i32 to index
    %get3A_886 = tpu.vector_load %arg5[%get3A_884, %get3A_885] {strides = array<i32>} : memref<32x1024xi32, #tpu.memory_space<vmem>>, vector<1x16xi32>,
    %get3A_887 = vector.shape_cast %get3A_886 : vector<1x16xi32> to vector<16xi32>
    %get3A_888 = arith.constant 3 : i32
    %get3A_889 = arith.index_cast %get3A_888 : i32 to index
    %get3A_890 = arith.constant 0 : index
    %get3A_891 = tpu.vector_load %arg6[%get3A_889, %get3A_890] {strides = array<i32>} : memref<4x16xf32, #tpu.memory_space<vmem>>, vector<1x16xf32>,
    %get3A_892 = vector.shape_cast %get3A_891 : vector<1x16xf32> to vector<16xf32>
    %eq3A_893 = arith.constant 2 : i32
    %eq3A_894 = vector.broadcast %eq3A_893 : i32 to vector<16xi32>
    %eq3A_895 = arith.cmpi eq, %get3A_887, %eq3A_894 : vector<16xi32>
    %get3A_896 = arith.constant 2 : i32
    %get3A_897 = arith.index_cast %get3A_896 : i32 to index
    %get3A_898 = arith.constant 0 : index
    %get3A_899 = tpu.vector_load %arg6[%get3A_897, %get3A_898] {strides = array<i32>} : memref<4x16xf32, #tpu.memory_space<vmem>>, vector<1x16xf32>,
    %get3A_900 = vector.shape_cast %get3A_899 : vector<1x16xf32> to vector<16xf32>
    %select_n3A_901 = arith.select %eq3A_895, %get3A_900, %get3A_892 : vector<16xi1>, vector<16xf32>
    %eq3A_902 = arith.constant 1 : i32
    %eq3A_903 = vector.broadcast %eq3A_902 : i32 to vector<16xi32>
    %eq3A_904 = arith.cmpi eq, %get3A_887, %eq3A_903 : vector<16xi32>
    %get3A_905 = arith.constant 1 : i32
    %get3A_906 = arith.index_cast %get3A_905 : i32 to index
    %get3A_907 = arith.constant 0 : index
    %get3A_908 = tpu.vector_load %arg6[%get3A_906, %get3A_907] {strides = array<i32>} : memref<4x16xf32, #tpu.memory_space<vmem>>, vector<1x16xf32>,
    %get3A_909 = vector.shape_cast %get3A_908 : vector<1x16xf32> to vector<16xf32>
    %select_n3A_910 = arith.select %eq3A_904, %get3A_909, %select_n3A_901 : vector<16xi1>, vector<16xf32>
    %eq3A_911 = arith.constant 0 : i32
    %eq3A_912 = vector.broadcast %eq3A_911 : i32 to vector<16xi32>
    %eq3A_913 = arith.cmpi eq, %get3A_887, %eq3A_912 : vector<16xi32>
    %get3A_914 = arith.constant 0 : i32
    %get3A_915 = arith.index_cast %get3A_914 : i32 to index
    %get3A_916 = arith.constant 0 : index
    %get3A_917 = tpu.vector_load %arg6[%get3A_915, %get3A_916] {strides = array<i32>} : memref<4x16xf32, #tpu.memory_space<vmem>>, vector<1x16xf32>,
    %get3A_918 = vector.shape_cast %get3A_917 : vector<1x16xf32> to vector<16xf32>
    %select_n3A_919 = arith.select %eq3A_913, %get3A_918, %select_n3A_910 : vector<16xi1>, vector<16xf32>
    %add3A_920 = arith.addf %add3A_880, %select_n3A_919 : vector<16xf32>
    %add3A_921 = arith.constant 0 : i32
    %add3A_922 = arith.addi %mul3A_2, %add3A_921 : i32
    %get3A_923 = arith.constant 23 : i32
    %get3A_924 = arith.index_cast %get3A_923 : i32 to index
    %get3A_925 = arith.index_cast %add3A_922 : i32 to index
    %get3A_926 = tpu.vector_load %arg5[%get3A_924, %get3A_925] {strides = array<i32>} : memref<32x1024xi32, #tpu.memory_space<vmem>>, vector<1x16xi32>,
    %get3A_927 = vector.shape_cast %get3A_926 : vector<1x16xi32> to vector<16xi32>
    %get3A_928 = arith.constant 3 : i32
    %get3A_929 = arith.index_cast %get3A_928 : i32 to index
    %get3A_930 = arith.constant 0 : index
    %get3A_931 = tpu.vector_load %arg6[%get3A_929, %get3A_930] {strides = array<i32>} : memref<4x16xf32, #tpu.memory_space<vmem>>, vector<1x16xf32>,
    %get3A_932 = vector.shape_cast %get3A_931 : vector<1x16xf32> to vector<16xf32>
    %eq3A_933 = arith.constant 2 : i32
    %eq3A_934 = vector.broadcast %eq3A_933 : i32 to vector<16xi32>
    %eq3A_935 = arith.cmpi eq, %get3A_927, %eq3A_934 : vector<16xi32>
    %get3A_936 = arith.constant 2 : i32
    %get3A_937 = arith.index_cast %get3A_936 : i32 to index
    %get3A_938 = arith.constant 0 : index
    %get3A_939 = tpu.vector_load %arg6[%get3A_937, %get3A_938] {strides = array<i32>} : memref<4x16xf32, #tpu.memory_space<vmem>>, vector<1x16xf32>,
    %get3A_940 = vector.shape_cast %get3A_939 : vector<1x16xf32> to vector<16xf32>
    %select_n3A_941 = arith.select %eq3A_935, %get3A_940, %get3A_932 : vector<16xi1>, vector<16xf32>
    %eq3A_942 = arith.constant 1 : i32
    %eq3A_943 = vector.broadcast %eq3A_942 : i32 to vector<16xi32>
    %eq3A_944 = arith.cmpi eq, %get3A_927, %eq3A_943 : vector<16xi32>
    %get3A_945 = arith.constant 1 : i32
    %get3A_946 = arith.index_cast %get3A_945 : i32 to index
    %get3A_947 = arith.constant 0 : index
    %get3A_948 = tpu.vector_load %arg6[%get3A_946, %get3A_947] {strides = array<i32>} : memref<4x16xf32, #tpu.memory_space<vmem>>, vector<1x16xf32>,
    %get3A_949 = vector.shape_cast %get3A_948 : vector<1x16xf32> to vector<16xf32>
    %select_n3A_950 = arith.select %eq3A_944, %get3A_949, %select_n3A_941 : vector<16xi1>, vector<16xf32>
    %eq3A_951 = arith.constant 0 : i32
    %eq3A_952 = vector.broadcast %eq3A_951 : i32 to vector<16xi32>
    %eq3A_953 = arith.cmpi eq, %get3A_927, %eq3A_952 : vector<16xi32>
    %get3A_954 = arith.constant 0 : i32
    %get3A_955 = arith.index_cast %get3A_954 : i32 to index
    %get3A_956 = arith.constant 0 : index
    %get3A_957 = tpu.vector_load %arg6[%get3A_955, %get3A_956] {strides = array<i32>} : memref<4x16xf32, #tpu.memory_space<vmem>>, vector<1x16xf32>,
    %get3A_958 = vector.shape_cast %get3A_957 : vector<1x16xf32> to vector<16xf32>
    %select_n3A_959 = arith.select %eq3A_953, %get3A_958, %select_n3A_950 : vector<16xi1>, vector<16xf32>
    %add3A_960 = arith.addf %add3A_920, %select_n3A_959 : vector<16xf32>
    %add3A_961 = arith.constant 0 : i32
    %add3A_962 = arith.addi %mul3A_2, %add3A_961 : i32
    %get3A_963 = arith.constant 24 : i32
    %get3A_964 = arith.index_cast %get3A_963 : i32 to index
    %get3A_965 = arith.index_cast %add3A_962 : i32 to index
    %get3A_966 = tpu.vector_load %arg5[%get3A_964, %get3A_965] {strides = array<i32>} : memref<32x1024xi32, #tpu.memory_space<vmem>>, vector<1x16xi32>,
    %get3A_967 = vector.shape_cast %get3A_966 : vector<1x16xi32> to vector<16xi32>
    %get3A_968 = arith.constant 3 : i32
    %get3A_969 = arith.index_cast %get3A_968 : i32 to index
    %get3A_970 = arith.constant 0 : index
    %get3A_971 = tpu.vector_load %arg6[%get3A_969, %get3A_970] {strides = array<i32>} : memref<4x16xf32, #tpu.memory_space<vmem>>, vector<1x16xf32>,
    %get3A_972 = vector.shape_cast %get3A_971 : vector<1x16xf32> to vector<16xf32>
    %eq3A_973 = arith.constant 2 : i32
    %eq3A_974 = vector.broadcast %eq3A_973 : i32 to vector<16xi32>
    %eq3A_975 = arith.cmpi eq, %get3A_967, %eq3A_974 : vector<16xi32>
    %get3A_976 = arith.constant 2 : i32
    %get3A_977 = arith.index_cast %get3A_976 : i32 to index
    %get3A_978 = arith.constant 0 : index
    %get3A_979 = tpu.vector_load %arg6[%get3A_977, %get3A_978] {strides = array<i32>} : memref<4x16xf32, #tpu.memory_space<vmem>>, vector<1x16xf32>,
    %get3A_980 = vector.shape_cast %get3A_979 : vector<1x16xf32> to vector<16xf32>
    %select_n3A_981 = arith.select %eq3A_975, %get3A_980, %get3A_972 : vector<16xi1>, vector<16xf32>
    %eq3A_982 = arith.constant 1 : i32
    %eq3A_983 = vector.broadcast %eq3A_982 : i32 to vector<16xi32>
    %eq3A_984 = arith.cmpi eq, %get3A_967, %eq3A_983 : vector<16xi32>
    %get3A_985 = arith.constant 1 : i32
    %get3A_986 = arith.index_cast %get3A_985 : i32 to index
    %get3A_987 = arith.constant 0 : index
    %get3A_988 = tpu.vector_load %arg6[%get3A_986, %get3A_987] {strides = array<i32>} : memref<4x16xf32, #tpu.memory_space<vmem>>, vector<1x16xf32>,
    %get3A_989 = vector.shape_cast %get3A_988 : vector<1x16xf32> to vector<16xf32>
    %select_n3A_990 = arith.select %eq3A_984, %get3A_989, %select_n3A_981 : vector<16xi1>, vector<16xf32>
    %eq3A_991 = arith.constant 0 : i32
    %eq3A_992 = vector.broadcast %eq3A_991 : i32 to vector<16xi32>
    %eq3A_993 = arith.cmpi eq, %get3A_967, %eq3A_992 : vector<16xi32>
    %get3A_994 = arith.constant 0 : i32
    %get3A_995 = arith.index_cast %get3A_994 : i32 to index
    %get3A_996 = arith.constant 0 : index
    %get3A_997 = tpu.vector_load %arg6[%get3A_995, %get3A_996] {strides = array<i32>} : memref<4x16xf32, #tpu.memory_space<vmem>>, vector<1x16xf32>,
    %get3A_998 = vector.shape_cast %get3A_997 : vector<1x16xf32> to vector<16xf32>
    %select_n3A_999 = arith.select %eq3A_993, %get3A_998, %select_n3A_990 : vector<16xi1>, vector<16xf32>
    %add3A_1000 = arith.addf %add3A_960, %select_n3A_999 : vector<16xf32>
    %add3A_1001 = arith.constant 0 : i32
    %add3A_1002 = arith.addi %mul3A_2, %add3A_1001 : i32
    %get3A_1003 = arith.constant 25 : i32
    %get3A_1004 = arith.index_cast %get3A_1003 : i32 to index
    %get3A_1005 = arith.index_cast %add3A_1002 : i32 to index
    %get3A_1006 = tpu.vector_load %arg5[%get3A_1004, %get3A_1005] {strides = array<i32>} : memref<32x1024xi32, #tpu.memory_space<vmem>>, vector<1x16xi32>,
    %get3A_1007 = vector.shape_cast %get3A_1006 : vector<1x16xi32> to vector<16xi32>
    %get3A_1008 = arith.constant 3 : i32
    %get3A_1009 = arith.index_cast %get3A_1008 : i32 to index
    %get3A_1010 = arith.constant 0 : index
    %get3A_1011 = tpu.vector_load %arg6[%get3A_1009, %get3A_1010] {strides = array<i32>} : memref<4x16xf32, #tpu.memory_space<vmem>>, vector<1x16xf32>,
    %get3A_1012 = vector.shape_cast %get3A_1011 : vector<1x16xf32> to vector<16xf32>
    %eq3A_1013 = arith.constant 2 : i32
    %eq3A_1014 = vector.broadcast %eq3A_1013 : i32 to vector<16xi32>
    %eq3A_1015 = arith.cmpi eq, %get3A_1007, %eq3A_1014 : vector<16xi32>
    %get3A_1016 = arith.constant 2 : i32
    %get3A_1017 = arith.index_cast %get3A_1016 : i32 to index
    %get3A_1018 = arith.constant 0 : index
    %get3A_1019 = tpu.vector_load %arg6[%get3A_1017, %get3A_1018] {strides = array<i32>} : memref<4x16xf32, #tpu.memory_space<vmem>>, vector<1x16xf32>,
    %get3A_1020 = vector.shape_cast %get3A_1019 : vector<1x16xf32> to vector<16xf32>
    %select_n3A_1021 = arith.select %eq3A_1015, %get3A_1020, %get3A_1012 : vector<16xi1>, vector<16xf32>
    %eq3A_1022 = arith.constant 1 : i32
    %eq3A_1023 = vector.broadcast %eq3A_1022 : i32 to vector<16xi32>
    %eq3A_1024 = arith.cmpi eq, %get3A_1007, %eq3A_1023 : vector<16xi32>
    %get3A_1025 = arith.constant 1 : i32
    %get3A_1026 = arith.index_cast %get3A_1025 : i32 to index
    %get3A_1027 = arith.constant 0 : index
    %get3A_1028 = tpu.vector_load %arg6[%get3A_1026, %get3A_1027] {strides = array<i32>} : memref<4x16xf32, #tpu.memory_space<vmem>>, vector<1x16xf32>,
    %get3A_1029 = vector.shape_cast %get3A_1028 : vector<1x16xf32> to vector<16xf32>
    %select_n3A_1030 = arith.select %eq3A_1024, %get3A_1029, %select_n3A_1021 : vector<16xi1>, vector<16xf32>
    %eq3A_1031 = arith.constant 0 : i32
    %eq3A_1032 = vector.broadcast %eq3A_1031 : i32 to vector<16xi32>
    %eq3A_1033 = arith.cmpi eq, %get3A_1007, %eq3A_1032 : vector<16xi32>
    %get3A_1034 = arith.constant 0 : i32
    %get3A_1035 = arith.index_cast %get3A_1034 : i32 to index
    %get3A_1036 = arith.constant 0 : index
    %get3A_1037 = tpu.vector_load %arg6[%get3A_1035, %get3A_1036] {strides = array<i32>} : memref<4x16xf32, #tpu.memory_space<vmem>>, vector<1x16xf32>,
    %get3A_1038 = vector.shape_cast %get3A_1037 : vector<1x16xf32> to vector<16xf32>
    %select_n3A_1039 = arith.select %eq3A_1033, %get3A_1038, %select_n3A_1030 : vector<16xi1>, vector<16xf32>
    %add3A_1040 = arith.addf %add3A_1000, %select_n3A_1039 : vector<16xf32>
    %add3A_1041 = arith.constant 0 : i32
    %add3A_1042 = arith.addi %mul3A_2, %add3A_1041 : i32
    %get3A_1043 = arith.constant 26 : i32
    %get3A_1044 = arith.index_cast %get3A_1043 : i32 to index
    %get3A_1045 = arith.index_cast %add3A_1042 : i32 to index
    %get3A_1046 = tpu.vector_load %arg5[%get3A_1044, %get3A_1045] {strides = array<i32>} : memref<32x1024xi32, #tpu.memory_space<vmem>>, vector<1x16xi32>,
    %get3A_1047 = vector.shape_cast %get3A_1046 : vector<1x16xi32> to vector<16xi32>
    %get3A_1048 = arith.constant 3 : i32
    %get3A_1049 = arith.index_cast %get3A_1048 : i32 to index
    %get3A_1050 = arith.constant 0 : index
    %get3A_1051 = tpu.vector_load %arg6[%get3A_1049, %get3A_1050] {strides = array<i32>} : memref<4x16xf32, #tpu.memory_space<vmem>>, vector<1x16xf32>,
    %get3A_1052 = vector.shape_cast %get3A_1051 : vector<1x16xf32> to vector<16xf32>
    %eq3A_1053 = arith.constant 2 : i32
    %eq3A_1054 = vector.broadcast %eq3A_1053 : i32 to vector<16xi32>
    %eq3A_1055 = arith.cmpi eq, %get3A_1047, %eq3A_1054 : vector<16xi32>
    %get3A_1056 = arith.constant 2 : i32
    %get3A_1057 = arith.index_cast %get3A_1056 : i32 to index
    %get3A_1058 = arith.constant 0 : index
    %get3A_1059 = tpu.vector_load %arg6[%get3A_1057, %get3A_1058] {strides = array<i32>} : memref<4x16xf32, #tpu.memory_space<vmem>>, vector<1x16xf32>,
    %get3A_1060 = vector.shape_cast %get3A_1059 : vector<1x16xf32> to vector<16xf32>
    %select_n3A_1061 = arith.select %eq3A_1055, %get3A_1060, %get3A_1052 : vector<16xi1>, vector<16xf32>
    %eq3A_1062 = arith.constant 1 : i32
    %eq3A_1063 = vector.broadcast %eq3A_1062 : i32 to vector<16xi32>
    %eq3A_1064 = arith.cmpi eq, %get3A_1047, %eq3A_1063 : vector<16xi32>
    %get3A_1065 = arith.constant 1 : i32
    %get3A_1066 = arith.index_cast %get3A_1065 : i32 to index
    %get3A_1067 = arith.constant 0 : index
    %get3A_1068 = tpu.vector_load %arg6[%get3A_1066, %get3A_1067] {strides = array<i32>} : memref<4x16xf32, #tpu.memory_space<vmem>>, vector<1x16xf32>,
    %get3A_1069 = vector.shape_cast %get3A_1068 : vector<1x16xf32> to vector<16xf32>
    %select_n3A_1070 = arith.select %eq3A_1064, %get3A_1069, %select_n3A_1061 : vector<16xi1>, vector<16xf32>
    %eq3A_1071 = arith.constant 0 : i32
    %eq3A_1072 = vector.broadcast %eq3A_1071 : i32 to vector<16xi32>
    %eq3A_1073 = arith.cmpi eq, %get3A_1047, %eq3A_1072 : vector<16xi32>
    %get3A_1074 = arith.constant 0 : i32
    %get3A_1075 = arith.index_cast %get3A_1074 : i32 to index
    %get3A_1076 = arith.constant 0 : index
    %get3A_1077 = tpu.vector_load %arg6[%get3A_1075, %get3A_1076] {strides = array<i32>} : memref<4x16xf32, #tpu.memory_space<vmem>>, vector<1x16xf32>,
    %get3A_1078 = vector.shape_cast %get3A_1077 : vector<1x16xf32> to vector<16xf32>
    %select_n3A_1079 = arith.select %eq3A_1073, %get3A_1078, %select_n3A_1070 : vector<16xi1>, vector<16xf32>
    %add3A_1080 = arith.addf %add3A_1040, %select_n3A_1079 : vector<16xf32>
    %add3A_1081 = arith.constant 0 : i32
    %add3A_1082 = arith.addi %mul3A_2, %add3A_1081 : i32
    %get3A_1083 = arith.constant 27 : i32
    %get3A_1084 = arith.index_cast %get3A_1083 : i32 to index
    %get3A_1085 = arith.index_cast %add3A_1082 : i32 to index
    %get3A_1086 = tpu.vector_load %arg5[%get3A_1084, %get3A_1085] {strides = array<i32>} : memref<32x1024xi32, #tpu.memory_space<vmem>>, vector<1x16xi32>,
    %get3A_1087 = vector.shape_cast %get3A_1086 : vector<1x16xi32> to vector<16xi32>
    %get3A_1088 = arith.constant 3 : i32
    %get3A_1089 = arith.index_cast %get3A_1088 : i32 to index
    %get3A_1090 = arith.constant 0 : index
    %get3A_1091 = tpu.vector_load %arg6[%get3A_1089, %get3A_1090] {strides = array<i32>} : memref<4x16xf32, #tpu.memory_space<vmem>>, vector<1x16xf32>,
    %get3A_1092 = vector.shape_cast %get3A_1091 : vector<1x16xf32> to vector<16xf32>
    %eq3A_1093 = arith.constant 2 : i32
    %eq3A_1094 = vector.broadcast %eq3A_1093 : i32 to vector<16xi32>
    %eq3A_1095 = arith.cmpi eq, %get3A_1087, %eq3A_1094 : vector<16xi32>
    %get3A_1096 = arith.constant 2 : i32
    %get3A_1097 = arith.index_cast %get3A_1096 : i32 to index
    %get3A_1098 = arith.constant 0 : index
    %get3A_1099 = tpu.vector_load %arg6[%get3A_1097, %get3A_1098] {strides = array<i32>} : memref<4x16xf32, #tpu.memory_space<vmem>>, vector<1x16xf32>,
    %get3A_1100 = vector.shape_cast %get3A_1099 : vector<1x16xf32> to vector<16xf32>
    %select_n3A_1101 = arith.select %eq3A_1095, %get3A_1100, %get3A_1092 : vector<16xi1>, vector<16xf32>
    %eq3A_1102 = arith.constant 1 : i32
    %eq3A_1103 = vector.broadcast %eq3A_1102 : i32 to vector<16xi32>
    %eq3A_1104 = arith.cmpi eq, %get3A_1087, %eq3A_1103 : vector<16xi32>
    %get3A_1105 = arith.constant 1 : i32
    %get3A_1106 = arith.index_cast %get3A_1105 : i32 to index
    %get3A_1107 = arith.constant 0 : index
    %get3A_1108 = tpu.vector_load %arg6[%get3A_1106, %get3A_1107] {strides = array<i32>} : memref<4x16xf32, #tpu.memory_space<vmem>>, vector<1x16xf32>,
    %get3A_1109 = vector.shape_cast %get3A_1108 : vector<1x16xf32> to vector<16xf32>
    %select_n3A_1110 = arith.select %eq3A_1104, %get3A_1109, %select_n3A_1101 : vector<16xi1>, vector<16xf32>
    %eq3A_1111 = arith.constant 0 : i32
    %eq3A_1112 = vector.broadcast %eq3A_1111 : i32 to vector<16xi32>
    %eq3A_1113 = arith.cmpi eq, %get3A_1087, %eq3A_1112 : vector<16xi32>
    %get3A_1114 = arith.constant 0 : i32
    %get3A_1115 = arith.index_cast %get3A_1114 : i32 to index
    %get3A_1116 = arith.constant 0 : index
    %get3A_1117 = tpu.vector_load %arg6[%get3A_1115, %get3A_1116] {strides = array<i32>} : memref<4x16xf32, #tpu.memory_space<vmem>>, vector<1x16xf32>,
    %get3A_1118 = vector.shape_cast %get3A_1117 : vector<1x16xf32> to vector<16xf32>
    %select_n3A_1119 = arith.select %eq3A_1113, %get3A_1118, %select_n3A_1110 : vector<16xi1>, vector<16xf32>
    %add3A_1120 = arith.addf %add3A_1080, %select_n3A_1119 : vector<16xf32>
    %add3A_1121 = arith.constant 0 : i32
    %add3A_1122 = arith.addi %mul3A_2, %add3A_1121 : i32
    %get3A_1123 = arith.constant 28 : i32
    %get3A_1124 = arith.index_cast %get3A_1123 : i32 to index
    %get3A_1125 = arith.index_cast %add3A_1122 : i32 to index
    %get3A_1126 = tpu.vector_load %arg5[%get3A_1124, %get3A_1125] {strides = array<i32>} : memref<32x1024xi32, #tpu.memory_space<vmem>>, vector<1x16xi32>,
    %get3A_1127 = vector.shape_cast %get3A_1126 : vector<1x16xi32> to vector<16xi32>
    %get3A_1128 = arith.constant 3 : i32
    %get3A_1129 = arith.index_cast %get3A_1128 : i32 to index
    %get3A_1130 = arith.constant 0 : index
    %get3A_1131 = tpu.vector_load %arg6[%get3A_1129, %get3A_1130] {strides = array<i32>} : memref<4x16xf32, #tpu.memory_space<vmem>>, vector<1x16xf32>,
    %get3A_1132 = vector.shape_cast %get3A_1131 : vector<1x16xf32> to vector<16xf32>
    %eq3A_1133 = arith.constant 2 : i32
    %eq3A_1134 = vector.broadcast %eq3A_1133 : i32 to vector<16xi32>
    %eq3A_1135 = arith.cmpi eq, %get3A_1127, %eq3A_1134 : vector<16xi32>
    %get3A_1136 = arith.constant 2 : i32
    %get3A_1137 = arith.index_cast %get3A_1136 : i32 to index
    %get3A_1138 = arith.constant 0 : index
    %get3A_1139 = tpu.vector_load %arg6[%get3A_1137, %get3A_1138] {strides = array<i32>} : memref<4x16xf32, #tpu.memory_space<vmem>>, vector<1x16xf32>,
    %get3A_1140 = vector.shape_cast %get3A_1139 : vector<1x16xf32> to vector<16xf32>
    %select_n3A_1141 = arith.select %eq3A_1135, %get3A_1140, %get3A_1132 : vector<16xi1>, vector<16xf32>
    %eq3A_1142 = arith.constant 1 : i32
    %eq3A_1143 = vector.broadcast %eq3A_1142 : i32 to vector<16xi32>
    %eq3A_1144 = arith.cmpi eq, %get3A_1127, %eq3A_1143 : vector<16xi32>
    %get3A_1145 = arith.constant 1 : i32
    %get3A_1146 = arith.index_cast %get3A_1145 : i32 to index
    %get3A_1147 = arith.constant 0 : index
    %get3A_1148 = tpu.vector_load %arg6[%get3A_1146, %get3A_1147] {strides = array<i32>} : memref<4x16xf32, #tpu.memory_space<vmem>>, vector<1x16xf32>,
    %get3A_1149 = vector.shape_cast %get3A_1148 : vector<1x16xf32> to vector<16xf32>
    %select_n3A_1150 = arith.select %eq3A_1144, %get3A_1149, %select_n3A_1141 : vector<16xi1>, vector<16xf32>
    %eq3A_1151 = arith.constant 0 : i32
    %eq3A_1152 = vector.broadcast %eq3A_1151 : i32 to vector<16xi32>
    %eq3A_1153 = arith.cmpi eq, %get3A_1127, %eq3A_1152 : vector<16xi32>
    %get3A_1154 = arith.constant 0 : i32
    %get3A_1155 = arith.index_cast %get3A_1154 : i32 to index
    %get3A_1156 = arith.constant 0 : index
    %get3A_1157 = tpu.vector_load %arg6[%get3A_1155, %get3A_1156] {strides = array<i32>} : memref<4x16xf32, #tpu.memory_space<vmem>>, vector<1x16xf32>,
    %get3A_1158 = vector.shape_cast %get3A_1157 : vector<1x16xf32> to vector<16xf32>
    %select_n3A_1159 = arith.select %eq3A_1153, %get3A_1158, %select_n3A_1150 : vector<16xi1>, vector<16xf32>
    %add3A_1160 = arith.addf %add3A_1120, %select_n3A_1159 : vector<16xf32>
    %add3A_1161 = arith.constant 0 : i32
    %add3A_1162 = arith.addi %mul3A_2, %add3A_1161 : i32
    %get3A_1163 = arith.constant 29 : i32
    %get3A_1164 = arith.index_cast %get3A_1163 : i32 to index
    %get3A_1165 = arith.index_cast %add3A_1162 : i32 to index
    %get3A_1166 = tpu.vector_load %arg5[%get3A_1164, %get3A_1165] {strides = array<i32>} : memref<32x1024xi32, #tpu.memory_space<vmem>>, vector<1x16xi32>,
    %get3A_1167 = vector.shape_cast %get3A_1166 : vector<1x16xi32> to vector<16xi32>
    %get3A_1168 = arith.constant 3 : i32
    %get3A_1169 = arith.index_cast %get3A_1168 : i32 to index
    %get3A_1170 = arith.constant 0 : index
    %get3A_1171 = tpu.vector_load %arg6[%get3A_1169, %get3A_1170] {strides = array<i32>} : memref<4x16xf32, #tpu.memory_space<vmem>>, vector<1x16xf32>,
    %get3A_1172 = vector.shape_cast %get3A_1171 : vector<1x16xf32> to vector<16xf32>
    %eq3A_1173 = arith.constant 2 : i32
    %eq3A_1174 = vector.broadcast %eq3A_1173 : i32 to vector<16xi32>
    %eq3A_1175 = arith.cmpi eq, %get3A_1167, %eq3A_1174 : vector<16xi32>
    %get3A_1176 = arith.constant 2 : i32
    %get3A_1177 = arith.index_cast %get3A_1176 : i32 to index
    %get3A_1178 = arith.constant 0 : index
    %get3A_1179 = tpu.vector_load %arg6[%get3A_1177, %get3A_1178] {strides = array<i32>} : memref<4x16xf32, #tpu.memory_space<vmem>>, vector<1x16xf32>,
    %get3A_1180 = vector.shape_cast %get3A_1179 : vector<1x16xf32> to vector<16xf32>
    %select_n3A_1181 = arith.select %eq3A_1175, %get3A_1180, %get3A_1172 : vector<16xi1>, vector<16xf32>
    %eq3A_1182 = arith.constant 1 : i32
    %eq3A_1183 = vector.broadcast %eq3A_1182 : i32 to vector<16xi32>
    %eq3A_1184 = arith.cmpi eq, %get3A_1167, %eq3A_1183 : vector<16xi32>
    %get3A_1185 = arith.constant 1 : i32
    %get3A_1186 = arith.index_cast %get3A_1185 : i32 to index
    %get3A_1187 = arith.constant 0 : index
    %get3A_1188 = tpu.vector_load %arg6[%get3A_1186, %get3A_1187] {strides = array<i32>} : memref<4x16xf32, #tpu.memory_space<vmem>>, vector<1x16xf32>,
    %get3A_1189 = vector.shape_cast %get3A_1188 : vector<1x16xf32> to vector<16xf32>
    %select_n3A_1190 = arith.select %eq3A_1184, %get3A_1189, %select_n3A_1181 : vector<16xi1>, vector<16xf32>
    %eq3A_1191 = arith.constant 0 : i32
    %eq3A_1192 = vector.broadcast %eq3A_1191 : i32 to vector<16xi32>
    %eq3A_1193 = arith.cmpi eq, %get3A_1167, %eq3A_1192 : vector<16xi32>
    %get3A_1194 = arith.constant 0 : i32
    %get3A_1195 = arith.index_cast %get3A_1194 : i32 to index
    %get3A_1196 = arith.constant 0 : index
    %get3A_1197 = tpu.vector_load %arg6[%get3A_1195, %get3A_1196] {strides = array<i32>} : memref<4x16xf32, #tpu.memory_space<vmem>>, vector<1x16xf32>,
    %get3A_1198 = vector.shape_cast %get3A_1197 : vector<1x16xf32> to vector<16xf32>
    %select_n3A_1199 = arith.select %eq3A_1193, %get3A_1198, %select_n3A_1190 : vector<16xi1>, vector<16xf32>
    %add3A_1200 = arith.addf %add3A_1160, %select_n3A_1199 : vector<16xf32>
    %add3A_1201 = arith.constant 0 : i32
    %add3A_1202 = arith.addi %mul3A_2, %add3A_1201 : i32
    %get3A_1203 = arith.constant 30 : i32
    %get3A_1204 = arith.index_cast %get3A_1203 : i32 to index
    %get3A_1205 = arith.index_cast %add3A_1202 : i32 to index
    %get3A_1206 = tpu.vector_load %arg5[%get3A_1204, %get3A_1205] {strides = array<i32>} : memref<32x1024xi32, #tpu.memory_space<vmem>>, vector<1x16xi32>,
    %get3A_1207 = vector.shape_cast %get3A_1206 : vector<1x16xi32> to vector<16xi32>
    %get3A_1208 = arith.constant 3 : i32
    %get3A_1209 = arith.index_cast %get3A_1208 : i32 to index
    %get3A_1210 = arith.constant 0 : index
    %get3A_1211 = tpu.vector_load %arg6[%get3A_1209, %get3A_1210] {strides = array<i32>} : memref<4x16xf32, #tpu.memory_space<vmem>>, vector<1x16xf32>,
    %get3A_1212 = vector.shape_cast %get3A_1211 : vector<1x16xf32> to vector<16xf32>
    %eq3A_1213 = arith.constant 2 : i32
    %eq3A_1214 = vector.broadcast %eq3A_1213 : i32 to vector<16xi32>
    %eq3A_1215 = arith.cmpi eq, %get3A_1207, %eq3A_1214 : vector<16xi32>
    %get3A_1216 = arith.constant 2 : i32
    %get3A_1217 = arith.index_cast %get3A_1216 : i32 to index
    %get3A_1218 = arith.constant 0 : index
    %get3A_1219 = tpu.vector_load %arg6[%get3A_1217, %get3A_1218] {strides = array<i32>} : memref<4x16xf32, #tpu.memory_space<vmem>>, vector<1x16xf32>,
    %get3A_1220 = vector.shape_cast %get3A_1219 : vector<1x16xf32> to vector<16xf32>
    %select_n3A_1221 = arith.select %eq3A_1215, %get3A_1220, %get3A_1212 : vector<16xi1>, vector<16xf32>
    %eq3A_1222 = arith.constant 1 : i32
    %eq3A_1223 = vector.broadcast %eq3A_1222 : i32 to vector<16xi32>
    %eq3A_1224 = arith.cmpi eq, %get3A_1207, %eq3A_1223 : vector<16xi32>
    %get3A_1225 = arith.constant 1 : i32
    %get3A_1226 = arith.index_cast %get3A_1225 : i32 to index
    %get3A_1227 = arith.constant 0 : index
    %get3A_1228 = tpu.vector_load %arg6[%get3A_1226, %get3A_1227] {strides = array<i32>} : memref<4x16xf32, #tpu.memory_space<vmem>>, vector<1x16xf32>,
    %get3A_1229 = vector.shape_cast %get3A_1228 : vector<1x16xf32> to vector<16xf32>
    %select_n3A_1230 = arith.select %eq3A_1224, %get3A_1229, %select_n3A_1221 : vector<16xi1>, vector<16xf32>
    %eq3A_1231 = arith.constant 0 : i32
    %eq3A_1232 = vector.broadcast %eq3A_1231 : i32 to vector<16xi32>
    %eq3A_1233 = arith.cmpi eq, %get3A_1207, %eq3A_1232 : vector<16xi32>
    %get3A_1234 = arith.constant 0 : i32
    %get3A_1235 = arith.index_cast %get3A_1234 : i32 to index
    %get3A_1236 = arith.constant 0 : index
    %get3A_1237 = tpu.vector_load %arg6[%get3A_1235, %get3A_1236] {strides = array<i32>} : memref<4x16xf32, #tpu.memory_space<vmem>>, vector<1x16xf32>,
    %get3A_1238 = vector.shape_cast %get3A_1237 : vector<1x16xf32> to vector<16xf32>
    %select_n3A_1239 = arith.select %eq3A_1233, %get3A_1238, %select_n3A_1230 : vector<16xi1>, vector<16xf32>
    %add3A_1240 = arith.addf %add3A_1200, %select_n3A_1239 : vector<16xf32>
    %add3A_1241 = arith.constant 0 : i32
    %add3A_1242 = arith.addi %mul3A_2, %add3A_1241 : i32
    %get3A_1243 = arith.constant 31 : i32
    %get3A_1244 = arith.index_cast %get3A_1243 : i32 to index
    %get3A_1245 = arith.index_cast %add3A_1242 : i32 to index
    %get3A_1246 = tpu.vector_load %arg5[%get3A_1244, %get3A_1245] {strides = array<i32>} : memref<32x1024xi32, #tpu.memory_space<vmem>>, vector<1x16xi32>,
    %get3A_1247 = vector.shape_cast %get3A_1246 : vector<1x16xi32> to vector<16xi32>
    %get3A_1248 = arith.constant 3 : i32
    %get3A_1249 = arith.index_cast %get3A_1248 : i32 to index
    %get3A_1250 = arith.constant 0 : index
    %get3A_1251 = tpu.vector_load %arg6[%get3A_1249, %get3A_1250] {strides = array<i32>} : memref<4x16xf32, #tpu.memory_space<vmem>>, vector<1x16xf32>,
    %get3A_1252 = vector.shape_cast %get3A_1251 : vector<1x16xf32> to vector<16xf32>
    %eq3A_1253 = arith.constant 2 : i32
    %eq3A_1254 = vector.broadcast %eq3A_1253 : i32 to vector<16xi32>
    %eq3A_1255 = arith.cmpi eq, %get3A_1247, %eq3A_1254 : vector<16xi32>
    %get3A_1256 = arith.constant 2 : i32
    %get3A_1257 = arith.index_cast %get3A_1256 : i32 to index
    %get3A_1258 = arith.constant 0 : index
    %get3A_1259 = tpu.vector_load %arg6[%get3A_1257, %get3A_1258] {strides = array<i32>} : memref<4x16xf32, #tpu.memory_space<vmem>>, vector<1x16xf32>,
    %get3A_1260 = vector.shape_cast %get3A_1259 : vector<1x16xf32> to vector<16xf32>
    %select_n3A_1261 = arith.select %eq3A_1255, %get3A_1260, %get3A_1252 : vector<16xi1>, vector<16xf32>
    %eq3A_1262 = arith.constant 1 : i32
    %eq3A_1263 = vector.broadcast %eq3A_1262 : i32 to vector<16xi32>
    %eq3A_1264 = arith.cmpi eq, %get3A_1247, %eq3A_1263 : vector<16xi32>
    %get3A_1265 = arith.constant 1 : i32
    %get3A_1266 = arith.index_cast %get3A_1265 : i32 to index
    %get3A_1267 = arith.constant 0 : index
    %get3A_1268 = tpu.vector_load %arg6[%get3A_1266, %get3A_1267] {strides = array<i32>} : memref<4x16xf32, #tpu.memory_space<vmem>>, vector<1x16xf32>,
    %get3A_1269 = vector.shape_cast %get3A_1268 : vector<1x16xf32> to vector<16xf32>
    %select_n3A_1270 = arith.select %eq3A_1264, %get3A_1269, %select_n3A_1261 : vector<16xi1>, vector<16xf32>
    %eq3A_1271 = arith.constant 0 : i32
    %eq3A_1272 = vector.broadcast %eq3A_1271 : i32 to vector<16xi32>
    %eq3A_1273 = arith.cmpi eq, %get3A_1247, %eq3A_1272 : vector<16xi32>
    %get3A_1274 = arith.constant 0 : i32
    %get3A_1275 = arith.index_cast %get3A_1274 : i32 to index
    %get3A_1276 = arith.constant 0 : index
    %get3A_1277 = tpu.vector_load %arg6[%get3A_1275, %get3A_1276] {strides = array<i32>} : memref<4x16xf32, #tpu.memory_space<vmem>>, vector<1x16xf32>,
    %get3A_1278 = vector.shape_cast %get3A_1277 : vector<1x16xf32> to vector<16xf32>
    %select_n3A_1279 = arith.select %eq3A_1273, %get3A_1278, %select_n3A_1270 : vector<16xi1>, vector<16xf32>
    %add3A_1280 = arith.addf %add3A_1240, %select_n3A_1279 : vector<16xf32>
    %swap3A = arith.constant 0 : index
    %swap3A_1281 = tpu.vector_load %arg7[%swap3A] {strides = array<i32>} : memref<32xf32, #tpu.memory_space<vmem>>, vector<16xf32>,
    %swap3A_1282 = vector.shape_cast %swap3A_1281 : vector<16xf32> to vector<16xf32>
    %swap3A_1283 = vector.shape_cast %add3A_1280 : vector<16xf32> to vector<16xf32>
    tpu.vector_store %arg7[%swap3A], %swap3A_1283 {strides = array<i32>} : memref<32xf32, #tpu.memory_space<vmem>>, vector<16xf32>,
    %broadcast_in_dim3A_1284 = arith.constant 0.000000e+00 : f32
    %broadcast_in_dim3A_1285 = vector.broadcast %broadcast_in_dim3A_1284 : f32 to vector<16xf32>
    %add3A_1286 = arith.constant 16 : i32
    %add3A_1287 = arith.addi %mul3A_2, %add3A_1286 : i32
    %get3A_1288 = arith.constant 0 : i32
    %get3A_1289 = arith.index_cast %get3A_1288 : i32 to index
    %get3A_1290 = arith.index_cast %add3A_1287 : i32 to index
    %get3A_1291 = tpu.vector_load %arg5[%get3A_1289, %get3A_1290] {strides = array<i32>} : memref<32x1024xi32, #tpu.memory_space<vmem>>, vector<1x16xi32>,
    %get3A_1292 = vector.shape_cast %get3A_1291 : vector<1x16xi32> to vector<16xi32>
    %get3A_1293 = arith.constant 3 : i32
    %get3A_1294 = arith.index_cast %get3A_1293 : i32 to index
    %get3A_1295 = arith.constant 0 : index
    %get3A_1296 = tpu.vector_load %arg6[%get3A_1294, %get3A_1295] {strides = array<i32>} : memref<4x16xf32, #tpu.memory_space<vmem>>, vector<1x16xf32>,
    %get3A_1297 = vector.shape_cast %get3A_1296 : vector<1x16xf32> to vector<16xf32>
    %eq3A_1298 = arith.constant 2 : i32
    %eq3A_1299 = vector.broadcast %eq3A_1298 : i32 to vector<16xi32>
    %eq3A_1300 = arith.cmpi eq, %get3A_1292, %eq3A_1299 : vector<16xi32>
    %get3A_1301 = arith.constant 2 : i32
    %get3A_1302 = arith.index_cast %get3A_1301 : i32 to index
    %get3A_1303 = arith.constant 0 : index
    %get3A_1304 = tpu.vector_load %arg6[%get3A_1302, %get3A_1303] {strides = array<i32>} : memref<4x16xf32, #tpu.memory_space<vmem>>, vector<1x16xf32>,
    %get3A_1305 = vector.shape_cast %get3A_1304 : vector<1x16xf32> to vector<16xf32>
    %select_n3A_1306 = arith.select %eq3A_1300, %get3A_1305, %get3A_1297 : vector<16xi1>, vector<16xf32>
    %eq3A_1307 = arith.constant 1 : i32
    %eq3A_1308 = vector.broadcast %eq3A_1307 : i32 to vector<16xi32>
    %eq3A_1309 = arith.cmpi eq, %get3A_1292, %eq3A_1308 : vector<16xi32>
    %get3A_1310 = arith.constant 1 : i32
    %get3A_1311 = arith.index_cast %get3A_1310 : i32 to index
    %get3A_1312 = arith.constant 0 : index
    %get3A_1313 = tpu.vector_load %arg6[%get3A_1311, %get3A_1312] {strides = array<i32>} : memref<4x16xf32, #tpu.memory_space<vmem>>, vector<1x16xf32>,
    %get3A_1314 = vector.shape_cast %get3A_1313 : vector<1x16xf32> to vector<16xf32>
    %select_n3A_1315 = arith.select %eq3A_1309, %get3A_1314, %select_n3A_1306 : vector<16xi1>, vector<16xf32>
    %eq3A_1316 = arith.constant 0 : i32
    %eq3A_1317 = vector.broadcast %eq3A_1316 : i32 to vector<16xi32>
    %eq3A_1318 = arith.cmpi eq, %get3A_1292, %eq3A_1317 : vector<16xi32>
    %get3A_1319 = arith.constant 0 : i32
    %get3A_1320 = arith.index_cast %get3A_1319 : i32 to index
    %get3A_1321 = arith.constant 0 : index
    %get3A_1322 = tpu.vector_load %arg6[%get3A_1320, %get3A_1321] {strides = array<i32>} : memref<4x16xf32, #tpu.memory_space<vmem>>, vector<1x16xf32>,
    %get3A_1323 = vector.shape_cast %get3A_1322 : vector<1x16xf32> to vector<16xf32>
    %select_n3A_1324 = arith.select %eq3A_1318, %get3A_1323, %select_n3A_1315 : vector<16xi1>, vector<16xf32>
    %add3A_1325 = arith.addf %broadcast_in_dim3A_1285, %select_n3A_1324 : vector<16xf32>
    %add3A_1326 = arith.constant 16 : i32
    %add3A_1327 = arith.addi %mul3A_2, %add3A_1326 : i32
    %get3A_1328 = arith.constant 1 : i32
    %get3A_1329 = arith.index_cast %get3A_1328 : i32 to index
    %get3A_1330 = arith.index_cast %add3A_1327 : i32 to index
    %get3A_1331 = tpu.vector_load %arg5[%get3A_1329, %get3A_1330] {strides = array<i32>} : memref<32x1024xi32, #tpu.memory_space<vmem>>, vector<1x16xi32>,
    %get3A_1332 = vector.shape_cast %get3A_1331 : vector<1x16xi32> to vector<16xi32>
    %get3A_1333 = arith.constant 3 : i32
    %get3A_1334 = arith.index_cast %get3A_1333 : i32 to index
    %get3A_1335 = arith.constant 0 : index
    %get3A_1336 = tpu.vector_load %arg6[%get3A_1334, %get3A_1335] {strides = array<i32>} : memref<4x16xf32, #tpu.memory_space<vmem>>, vector<1x16xf32>,
    %get3A_1337 = vector.shape_cast %get3A_1336 : vector<1x16xf32> to vector<16xf32>
    %eq3A_1338 = arith.constant 2 : i32
    %eq3A_1339 = vector.broadcast %eq3A_1338 : i32 to vector<16xi32>
    %eq3A_1340 = arith.cmpi eq, %get3A_1332, %eq3A_1339 : vector<16xi32>
    %get3A_1341 = arith.constant 2 : i32
    %get3A_1342 = arith.index_cast %get3A_1341 : i32 to index
    %get3A_1343 = arith.constant 0 : index
    %get3A_1344 = tpu.vector_load %arg6[%get3A_1342, %get3A_1343] {strides = array<i32>} : memref<4x16xf32, #tpu.memory_space<vmem>>, vector<1x16xf32>,
    %get3A_1345 = vector.shape_cast %get3A_1344 : vector<1x16xf32> to vector<16xf32>
    %select_n3A_1346 = arith.select %eq3A_1340, %get3A_1345, %get3A_1337 : vector<16xi1>, vector<16xf32>
    %eq3A_1347 = arith.constant 1 : i32
    %eq3A_1348 = vector.broadcast %eq3A_1347 : i32 to vector<16xi32>
    %eq3A_1349 = arith.cmpi eq, %get3A_1332, %eq3A_1348 : vector<16xi32>
    %get3A_1350 = arith.constant 1 : i32
    %get3A_1351 = arith.index_cast %get3A_1350 : i32 to index
    %get3A_1352 = arith.constant 0 : index
    %get3A_1353 = tpu.vector_load %arg6[%get3A_1351, %get3A_1352] {strides = array<i32>} : memref<4x16xf32, #tpu.memory_space<vmem>>, vector<1x16xf32>,
    %get3A_1354 = vector.shape_cast %get3A_1353 : vector<1x16xf32> to vector<16xf32>
    %select_n3A_1355 = arith.select %eq3A_1349, %get3A_1354, %select_n3A_1346 : vector<16xi1>, vector<16xf32>
    %eq3A_1356 = arith.constant 0 : i32
    %eq3A_1357 = vector.broadcast %eq3A_1356 : i32 to vector<16xi32>
    %eq3A_1358 = arith.cmpi eq, %get3A_1332, %eq3A_1357 : vector<16xi32>
    %get3A_1359 = arith.constant 0 : i32
    %get3A_1360 = arith.index_cast %get3A_1359 : i32 to index
    %get3A_1361 = arith.constant 0 : index
    %get3A_1362 = tpu.vector_load %arg6[%get3A_1360, %get3A_1361] {strides = array<i32>} : memref<4x16xf32, #tpu.memory_space<vmem>>, vector<1x16xf32>,
    %get3A_1363 = vector.shape_cast %get3A_1362 : vector<1x16xf32> to vector<16xf32>
    %select_n3A_1364 = arith.select %eq3A_1358, %get3A_1363, %select_n3A_1355 : vector<16xi1>, vector<16xf32>
    %add3A_1365 = arith.addf %add3A_1325, %select_n3A_1364 : vector<16xf32>
    %add3A_1366 = arith.constant 16 : i32
    %add3A_1367 = arith.addi %mul3A_2, %add3A_1366 : i32
    %get3A_1368 = arith.constant 2 : i32
    %get3A_1369 = arith.index_cast %get3A_1368 : i32 to index
    %get3A_1370 = arith.index_cast %add3A_1367 : i32 to index
    %get3A_1371 = tpu.vector_load %arg5[%get3A_1369, %get3A_1370] {strides = array<i32>} : memref<32x1024xi32, #tpu.memory_space<vmem>>, vector<1x16xi32>,
    %get3A_1372 = vector.shape_cast %get3A_1371 : vector<1x16xi32> to vector<16xi32>
    %get3A_1373 = arith.constant 3 : i32
    %get3A_1374 = arith.index_cast %get3A_1373 : i32 to index
    %get3A_1375 = arith.constant 0 : index
    %get3A_1376 = tpu.vector_load %arg6[%get3A_1374, %get3A_1375] {strides = array<i32>} : memref<4x16xf32, #tpu.memory_space<vmem>>, vector<1x16xf32>,
    %get3A_1377 = vector.shape_cast %get3A_1376 : vector<1x16xf32> to vector<16xf32>
    %eq3A_1378 = arith.constant 2 : i32
    %eq3A_1379 = vector.broadcast %eq3A_1378 : i32 to vector<16xi32>
    %eq3A_1380 = arith.cmpi eq, %get3A_1372, %eq3A_1379 : vector<16xi32>
    %get3A_1381 = arith.constant 2 : i32
    %get3A_1382 = arith.index_cast %get3A_1381 : i32 to index
    %get3A_1383 = arith.constant 0 : index
    %get3A_1384 = tpu.vector_load %arg6[%get3A_1382, %get3A_1383] {strides = array<i32>} : memref<4x16xf32, #tpu.memory_space<vmem>>, vector<1x16xf32>,
    %get3A_1385 = vector.shape_cast %get3A_1384 : vector<1x16xf32> to vector<16xf32>
    %select_n3A_1386 = arith.select %eq3A_1380, %get3A_1385, %get3A_1377 : vector<16xi1>, vector<16xf32>
    %eq3A_1387 = arith.constant 1 : i32
    %eq3A_1388 = vector.broadcast %eq3A_1387 : i32 to vector<16xi32>
    %eq3A_1389 = arith.cmpi eq, %get3A_1372, %eq3A_1388 : vector<16xi32>
    %get3A_1390 = arith.constant 1 : i32
    %get3A_1391 = arith.index_cast %get3A_1390 : i32 to index
    %get3A_1392 = arith.constant 0 : index
    %get3A_1393 = tpu.vector_load %arg6[%get3A_1391, %get3A_1392] {strides = array<i32>} : memref<4x16xf32, #tpu.memory_space<vmem>>, vector<1x16xf32>,
    %get3A_1394 = vector.shape_cast %get3A_1393 : vector<1x16xf32> to vector<16xf32>
    %select_n3A_1395 = arith.select %eq3A_1389, %get3A_1394, %select_n3A_1386 : vector<16xi1>, vector<16xf32>
    %eq3A_1396 = arith.constant 0 : i32
    %eq3A_1397 = vector.broadcast %eq3A_1396 : i32 to vector<16xi32>
    %eq3A_1398 = arith.cmpi eq, %get3A_1372, %eq3A_1397 : vector<16xi32>
    %get3A_1399 = arith.constant 0 : i32
    %get3A_1400 = arith.index_cast %get3A_1399 : i32 to index
    %get3A_1401 = arith.constant 0 : index
    %get3A_1402 = tpu.vector_load %arg6[%get3A_1400, %get3A_1401] {strides = array<i32>} : memref<4x16xf32, #tpu.memory_space<vmem>>, vector<1x16xf32>,
    %get3A_1403 = vector.shape_cast %get3A_1402 : vector<1x16xf32> to vector<16xf32>
    %select_n3A_1404 = arith.select %eq3A_1398, %get3A_1403, %select_n3A_1395 : vector<16xi1>, vector<16xf32>
    %add3A_1405 = arith.addf %add3A_1365, %select_n3A_1404 : vector<16xf32>
    %add3A_1406 = arith.constant 16 : i32
    %add3A_1407 = arith.addi %mul3A_2, %add3A_1406 : i32
    %get3A_1408 = arith.constant 3 : i32
    %get3A_1409 = arith.index_cast %get3A_1408 : i32 to index
    %get3A_1410 = arith.index_cast %add3A_1407 : i32 to index
    %get3A_1411 = tpu.vector_load %arg5[%get3A_1409, %get3A_1410] {strides = array<i32>} : memref<32x1024xi32, #tpu.memory_space<vmem>>, vector<1x16xi32>,
    %get3A_1412 = vector.shape_cast %get3A_1411 : vector<1x16xi32> to vector<16xi32>
    %get3A_1413 = arith.constant 3 : i32
    %get3A_1414 = arith.index_cast %get3A_1413 : i32 to index
    %get3A_1415 = arith.constant 0 : index
    %get3A_1416 = tpu.vector_load %arg6[%get3A_1414, %get3A_1415] {strides = array<i32>} : memref<4x16xf32, #tpu.memory_space<vmem>>, vector<1x16xf32>,
    %get3A_1417 = vector.shape_cast %get3A_1416 : vector<1x16xf32> to vector<16xf32>
    %eq3A_1418 = arith.constant 2 : i32
    %eq3A_1419 = vector.broadcast %eq3A_1418 : i32 to vector<16xi32>
    %eq3A_1420 = arith.cmpi eq, %get3A_1412, %eq3A_1419 : vector<16xi32>
    %get3A_1421 = arith.constant 2 : i32
    %get3A_1422 = arith.index_cast %get3A_1421 : i32 to index
    %get3A_1423 = arith.constant 0 : index
    %get3A_1424 = tpu.vector_load %arg6[%get3A_1422, %get3A_1423] {strides = array<i32>} : memref<4x16xf32, #tpu.memory_space<vmem>>, vector<1x16xf32>,
    %get3A_1425 = vector.shape_cast %get3A_1424 : vector<1x16xf32> to vector<16xf32>
    %select_n3A_1426 = arith.select %eq3A_1420, %get3A_1425, %get3A_1417 : vector<16xi1>, vector<16xf32>
    %eq3A_1427 = arith.constant 1 : i32
    %eq3A_1428 = vector.broadcast %eq3A_1427 : i32 to vector<16xi32>
    %eq3A_1429 = arith.cmpi eq, %get3A_1412, %eq3A_1428 : vector<16xi32>
    %get3A_1430 = arith.constant 1 : i32
    %get3A_1431 = arith.index_cast %get3A_1430 : i32 to index
    %get3A_1432 = arith.constant 0 : index
    %get3A_1433 = tpu.vector_load %arg6[%get3A_1431, %get3A_1432] {strides = array<i32>} : memref<4x16xf32, #tpu.memory_space<vmem>>, vector<1x16xf32>,
    %get3A_1434 = vector.shape_cast %get3A_1433 : vector<1x16xf32> to vector<16xf32>
    %select_n3A_1435 = arith.select %eq3A_1429, %get3A_1434, %select_n3A_1426 : vector<16xi1>, vector<16xf32>
    %eq3A_1436 = arith.constant 0 : i32
    %eq3A_1437 = vector.broadcast %eq3A_1436 : i32 to vector<16xi32>
    %eq3A_1438 = arith.cmpi eq, %get3A_1412, %eq3A_1437 : vector<16xi32>
    %get3A_1439 = arith.constant 0 : i32
    %get3A_1440 = arith.index_cast %get3A_1439 : i32 to index
    %get3A_1441 = arith.constant 0 : index
    %get3A_1442 = tpu.vector_load %arg6[%get3A_1440, %get3A_1441] {strides = array<i32>} : memref<4x16xf32, #tpu.memory_space<vmem>>, vector<1x16xf32>,
    %get3A_1443 = vector.shape_cast %get3A_1442 : vector<1x16xf32> to vector<16xf32>
    %select_n3A_1444 = arith.select %eq3A_1438, %get3A_1443, %select_n3A_1435 : vector<16xi1>, vector<16xf32>
    %add3A_1445 = arith.addf %add3A_1405, %select_n3A_1444 : vector<16xf32>
    %add3A_1446 = arith.constant 16 : i32
    %add3A_1447 = arith.addi %mul3A_2, %add3A_1446 : i32
    %get3A_1448 = arith.constant 4 : i32
    %get3A_1449 = arith.index_cast %get3A_1448 : i32 to index
    %get3A_1450 = arith.index_cast %add3A_1447 : i32 to index
    %get3A_1451 = tpu.vector_load %arg5[%get3A_1449, %get3A_1450] {strides = array<i32>} : memref<32x1024xi32, #tpu.memory_space<vmem>>, vector<1x16xi32>,
    %get3A_1452 = vector.shape_cast %get3A_1451 : vector<1x16xi32> to vector<16xi32>
    %get3A_1453 = arith.constant 3 : i32
    %get3A_1454 = arith.index_cast %get3A_1453 : i32 to index
    %get3A_1455 = arith.constant 0 : index
    %get3A_1456 = tpu.vector_load %arg6[%get3A_1454, %get3A_1455] {strides = array<i32>} : memref<4x16xf32, #tpu.memory_space<vmem>>, vector<1x16xf32>,
    %get3A_1457 = vector.shape_cast %get3A_1456 : vector<1x16xf32> to vector<16xf32>
    %eq3A_1458 = arith.constant 2 : i32
    %eq3A_1459 = vector.broadcast %eq3A_1458 : i32 to vector<16xi32>
    %eq3A_1460 = arith.cmpi eq, %get3A_1452, %eq3A_1459 : vector<16xi32>
    %get3A_1461 = arith.constant 2 : i32
    %get3A_1462 = arith.index_cast %get3A_1461 : i32 to index
    %get3A_1463 = arith.constant 0 : index
    %get3A_1464 = tpu.vector_load %arg6[%get3A_1462, %get3A_1463] {strides = array<i32>} : memref<4x16xf32, #tpu.memory_space<vmem>>, vector<1x16xf32>,
    %get3A_1465 = vector.shape_cast %get3A_1464 : vector<1x16xf32> to vector<16xf32>
    %select_n3A_1466 = arith.select %eq3A_1460, %get3A_1465, %get3A_1457 : vector<16xi1>, vector<16xf32>
    %eq3A_1467 = arith.constant 1 : i32
    %eq3A_1468 = vector.broadcast %eq3A_1467 : i32 to vector<16xi32>
    %eq3A_1469 = arith.cmpi eq, %get3A_1452, %eq3A_1468 : vector<16xi32>
    %get3A_1470 = arith.constant 1 : i32
    %get3A_1471 = arith.index_cast %get3A_1470 : i32 to index
    %get3A_1472 = arith.constant 0 : index
    %get3A_1473 = tpu.vector_load %arg6[%get3A_1471, %get3A_1472] {strides = array<i32>} : memref<4x16xf32, #tpu.memory_space<vmem>>, vector<1x16xf32>,
    %get3A_1474 = vector.shape_cast %get3A_1473 : vector<1x16xf32> to vector<16xf32>
    %select_n3A_1475 = arith.select %eq3A_1469, %get3A_1474, %select_n3A_1466 : vector<16xi1>, vector<16xf32>
    %eq3A_1476 = arith.constant 0 : i32
    %eq3A_1477 = vector.broadcast %eq3A_1476 : i32 to vector<16xi32>
    %eq3A_1478 = arith.cmpi eq, %get3A_1452, %eq3A_1477 : vector<16xi32>
    %get3A_1479 = arith.constant 0 : i32
    %get3A_1480 = arith.index_cast %get3A_1479 : i32 to index
    %get3A_1481 = arith.constant 0 : index
    %get3A_1482 = tpu.vector_load %arg6[%get3A_1480, %get3A_1481] {strides = array<i32>} : memref<4x16xf32, #tpu.memory_space<vmem>>, vector<1x16xf32>,
    %get3A_1483 = vector.shape_cast %get3A_1482 : vector<1x16xf32> to vector<16xf32>
    %select_n3A_1484 = arith.select %eq3A_1478, %get3A_1483, %select_n3A_1475 : vector<16xi1>, vector<16xf32>
    %add3A_1485 = arith.addf %add3A_1445, %select_n3A_1484 : vector<16xf32>
    %add3A_1486 = arith.constant 16 : i32
    %add3A_1487 = arith.addi %mul3A_2, %add3A_1486 : i32
    %get3A_1488 = arith.constant 5 : i32
    %get3A_1489 = arith.index_cast %get3A_1488 : i32 to index
    %get3A_1490 = arith.index_cast %add3A_1487 : i32 to index
    %get3A_1491 = tpu.vector_load %arg5[%get3A_1489, %get3A_1490] {strides = array<i32>} : memref<32x1024xi32, #tpu.memory_space<vmem>>, vector<1x16xi32>,
    %get3A_1492 = vector.shape_cast %get3A_1491 : vector<1x16xi32> to vector<16xi32>
    %get3A_1493 = arith.constant 3 : i32
    %get3A_1494 = arith.index_cast %get3A_1493 : i32 to index
    %get3A_1495 = arith.constant 0 : index
    %get3A_1496 = tpu.vector_load %arg6[%get3A_1494, %get3A_1495] {strides = array<i32>} : memref<4x16xf32, #tpu.memory_space<vmem>>, vector<1x16xf32>,
    %get3A_1497 = vector.shape_cast %get3A_1496 : vector<1x16xf32> to vector<16xf32>
    %eq3A_1498 = arith.constant 2 : i32
    %eq3A_1499 = vector.broadcast %eq3A_1498 : i32 to vector<16xi32>
    %eq3A_1500 = arith.cmpi eq, %get3A_1492, %eq3A_1499 : vector<16xi32>
    %get3A_1501 = arith.constant 2 : i32
    %get3A_1502 = arith.index_cast %get3A_1501 : i32 to index
    %get3A_1503 = arith.constant 0 : index
    %get3A_1504 = tpu.vector_load %arg6[%get3A_1502, %get3A_1503] {strides = array<i32>} : memref<4x16xf32, #tpu.memory_space<vmem>>, vector<1x16xf32>,
    %get3A_1505 = vector.shape_cast %get3A_1504 : vector<1x16xf32> to vector<16xf32>
    %select_n3A_1506 = arith.select %eq3A_1500, %get3A_1505, %get3A_1497 : vector<16xi1>, vector<16xf32>
    %eq3A_1507 = arith.constant 1 : i32
    %eq3A_1508 = vector.broadcast %eq3A_1507 : i32 to vector<16xi32>
    %eq3A_1509 = arith.cmpi eq, %get3A_1492, %eq3A_1508 : vector<16xi32>
    %get3A_1510 = arith.constant 1 : i32
    %get3A_1511 = arith.index_cast %get3A_1510 : i32 to index
    %get3A_1512 = arith.constant 0 : index
    %get3A_1513 = tpu.vector_load %arg6[%get3A_1511, %get3A_1512] {strides = array<i32>} : memref<4x16xf32, #tpu.memory_space<vmem>>, vector<1x16xf32>,
    %get3A_1514 = vector.shape_cast %get3A_1513 : vector<1x16xf32> to vector<16xf32>
    %select_n3A_1515 = arith.select %eq3A_1509, %get3A_1514, %select_n3A_1506 : vector<16xi1>, vector<16xf32>
    %eq3A_1516 = arith.constant 0 : i32
    %eq3A_1517 = vector.broadcast %eq3A_1516 : i32 to vector<16xi32>
    %eq3A_1518 = arith.cmpi eq, %get3A_1492, %eq3A_1517 : vector<16xi32>
    %get3A_1519 = arith.constant 0 : i32
    %get3A_1520 = arith.index_cast %get3A_1519 : i32 to index
    %get3A_1521 = arith.constant 0 : index
    %get3A_1522 = tpu.vector_load %arg6[%get3A_1520, %get3A_1521] {strides = array<i32>} : memref<4x16xf32, #tpu.memory_space<vmem>>, vector<1x16xf32>,
    %get3A_1523 = vector.shape_cast %get3A_1522 : vector<1x16xf32> to vector<16xf32>
    %select_n3A_1524 = arith.select %eq3A_1518, %get3A_1523, %select_n3A_1515 : vector<16xi1>, vector<16xf32>
    %add3A_1525 = arith.addf %add3A_1485, %select_n3A_1524 : vector<16xf32>
    %add3A_1526 = arith.constant 16 : i32
    %add3A_1527 = arith.addi %mul3A_2, %add3A_1526 : i32
    %get3A_1528 = arith.constant 6 : i32
    %get3A_1529 = arith.index_cast %get3A_1528 : i32 to index
    %get3A_1530 = arith.index_cast %add3A_1527 : i32 to index
    %get3A_1531 = tpu.vector_load %arg5[%get3A_1529, %get3A_1530] {strides = array<i32>} : memref<32x1024xi32, #tpu.memory_space<vmem>>, vector<1x16xi32>,
    %get3A_1532 = vector.shape_cast %get3A_1531 : vector<1x16xi32> to vector<16xi32>
    %get3A_1533 = arith.constant 3 : i32
    %get3A_1534 = arith.index_cast %get3A_1533 : i32 to index
    %get3A_1535 = arith.constant 0 : index
    %get3A_1536 = tpu.vector_load %arg6[%get3A_1534, %get3A_1535] {strides = array<i32>} : memref<4x16xf32, #tpu.memory_space<vmem>>, vector<1x16xf32>,
    %get3A_1537 = vector.shape_cast %get3A_1536 : vector<1x16xf32> to vector<16xf32>
    %eq3A_1538 = arith.constant 2 : i32
    %eq3A_1539 = vector.broadcast %eq3A_1538 : i32 to vector<16xi32>
    %eq3A_1540 = arith.cmpi eq, %get3A_1532, %eq3A_1539 : vector<16xi32>
    %get3A_1541 = arith.constant 2 : i32
    %get3A_1542 = arith.index_cast %get3A_1541 : i32 to index
    %get3A_1543 = arith.constant 0 : index
    %get3A_1544 = tpu.vector_load %arg6[%get3A_1542, %get3A_1543] {strides = array<i32>} : memref<4x16xf32, #tpu.memory_space<vmem>>, vector<1x16xf32>,
    %get3A_1545 = vector.shape_cast %get3A_1544 : vector<1x16xf32> to vector<16xf32>
    %select_n3A_1546 = arith.select %eq3A_1540, %get3A_1545, %get3A_1537 : vector<16xi1>, vector<16xf32>
    %eq3A_1547 = arith.constant 1 : i32
    %eq3A_1548 = vector.broadcast %eq3A_1547 : i32 to vector<16xi32>
    %eq3A_1549 = arith.cmpi eq, %get3A_1532, %eq3A_1548 : vector<16xi32>
    %get3A_1550 = arith.constant 1 : i32
    %get3A_1551 = arith.index_cast %get3A_1550 : i32 to index
    %get3A_1552 = arith.constant 0 : index
    %get3A_1553 = tpu.vector_load %arg6[%get3A_1551, %get3A_1552] {strides = array<i32>} : memref<4x16xf32, #tpu.memory_space<vmem>>, vector<1x16xf32>,
    %get3A_1554 = vector.shape_cast %get3A_1553 : vector<1x16xf32> to vector<16xf32>
    %select_n3A_1555 = arith.select %eq3A_1549, %get3A_1554, %select_n3A_1546 : vector<16xi1>, vector<16xf32>
    %eq3A_1556 = arith.constant 0 : i32
    %eq3A_1557 = vector.broadcast %eq3A_1556 : i32 to vector<16xi32>
    %eq3A_1558 = arith.cmpi eq, %get3A_1532, %eq3A_1557 : vector<16xi32>
    %get3A_1559 = arith.constant 0 : i32
    %get3A_1560 = arith.index_cast %get3A_1559 : i32 to index
    %get3A_1561 = arith.constant 0 : index
    %get3A_1562 = tpu.vector_load %arg6[%get3A_1560, %get3A_1561] {strides = array<i32>} : memref<4x16xf32, #tpu.memory_space<vmem>>, vector<1x16xf32>,
    %get3A_1563 = vector.shape_cast %get3A_1562 : vector<1x16xf32> to vector<16xf32>
    %select_n3A_1564 = arith.select %eq3A_1558, %get3A_1563, %select_n3A_1555 : vector<16xi1>, vector<16xf32>
    %add3A_1565 = arith.addf %add3A_1525, %select_n3A_1564 : vector<16xf32>
    %add3A_1566 = arith.constant 16 : i32
    %add3A_1567 = arith.addi %mul3A_2, %add3A_1566 : i32
    %get3A_1568 = arith.constant 7 : i32
    %get3A_1569 = arith.index_cast %get3A_1568 : i32 to index
    %get3A_1570 = arith.index_cast %add3A_1567 : i32 to index
    %get3A_1571 = tpu.vector_load %arg5[%get3A_1569, %get3A_1570] {strides = array<i32>} : memref<32x1024xi32, #tpu.memory_space<vmem>>, vector<1x16xi32>,
    %get3A_1572 = vector.shape_cast %get3A_1571 : vector<1x16xi32> to vector<16xi32>
    %get3A_1573 = arith.constant 3 : i32
    %get3A_1574 = arith.index_cast %get3A_1573 : i32 to index
    %get3A_1575 = arith.constant 0 : index
    %get3A_1576 = tpu.vector_load %arg6[%get3A_1574, %get3A_1575] {strides = array<i32>} : memref<4x16xf32, #tpu.memory_space<vmem>>, vector<1x16xf32>,
    %get3A_1577 = vector.shape_cast %get3A_1576 : vector<1x16xf32> to vector<16xf32>
    %eq3A_1578 = arith.constant 2 : i32
    %eq3A_1579 = vector.broadcast %eq3A_1578 : i32 to vector<16xi32>
    %eq3A_1580 = arith.cmpi eq, %get3A_1572, %eq3A_1579 : vector<16xi32>
    %get3A_1581 = arith.constant 2 : i32
    %get3A_1582 = arith.index_cast %get3A_1581 : i32 to index
    %get3A_1583 = arith.constant 0 : index
    %get3A_1584 = tpu.vector_load %arg6[%get3A_1582, %get3A_1583] {strides = array<i32>} : memref<4x16xf32, #tpu.memory_space<vmem>>, vector<1x16xf32>,
    %get3A_1585 = vector.shape_cast %get3A_1584 : vector<1x16xf32> to vector<16xf32>
    %select_n3A_1586 = arith.select %eq3A_1580, %get3A_1585, %get3A_1577 : vector<16xi1>, vector<16xf32>
    %eq3A_1587 = arith.constant 1 : i32
    %eq3A_1588 = vector.broadcast %eq3A_1587 : i32 to vector<16xi32>
    %eq3A_1589 = arith.cmpi eq, %get3A_1572, %eq3A_1588 : vector<16xi32>
    %get3A_1590 = arith.constant 1 : i32
    %get3A_1591 = arith.index_cast %get3A_1590 : i32 to index
    %get3A_1592 = arith.constant 0 : index
    %get3A_1593 = tpu.vector_load %arg6[%get3A_1591, %get3A_1592] {strides = array<i32>} : memref<4x16xf32, #tpu.memory_space<vmem>>, vector<1x16xf32>,
    %get3A_1594 = vector.shape_cast %get3A_1593 : vector<1x16xf32> to vector<16xf32>
    %select_n3A_1595 = arith.select %eq3A_1589, %get3A_1594, %select_n3A_1586 : vector<16xi1>, vector<16xf32>
    %eq3A_1596 = arith.constant 0 : i32
    %eq3A_1597 = vector.broadcast %eq3A_1596 : i32 to vector<16xi32>
    %eq3A_1598 = arith.cmpi eq, %get3A_1572, %eq3A_1597 : vector<16xi32>
    %get3A_1599 = arith.constant 0 : i32
    %get3A_1600 = arith.index_cast %get3A_1599 : i32 to index
    %get3A_1601 = arith.constant 0 : index
    %get3A_1602 = tpu.vector_load %arg6[%get3A_1600, %get3A_1601] {strides = array<i32>} : memref<4x16xf32, #tpu.memory_space<vmem>>, vector<1x16xf32>,
    %get3A_1603 = vector.shape_cast %get3A_1602 : vector<1x16xf32> to vector<16xf32>
    %select_n3A_1604 = arith.select %eq3A_1598, %get3A_1603, %select_n3A_1595 : vector<16xi1>, vector<16xf32>
    %add3A_1605 = arith.addf %add3A_1565, %select_n3A_1604 : vector<16xf32>
    %add3A_1606 = arith.constant 16 : i32
    %add3A_1607 = arith.addi %mul3A_2, %add3A_1606 : i32
    %get3A_1608 = arith.constant 8 : i32
    %get3A_1609 = arith.index_cast %get3A_1608 : i32 to index
    %get3A_1610 = arith.index_cast %add3A_1607 : i32 to index
    %get3A_1611 = tpu.vector_load %arg5[%get3A_1609, %get3A_1610] {strides = array<i32>} : memref<32x1024xi32, #tpu.memory_space<vmem>>, vector<1x16xi32>,
    %get3A_1612 = vector.shape_cast %get3A_1611 : vector<1x16xi32> to vector<16xi32>
    %get3A_1613 = arith.constant 3 : i32
    %get3A_1614 = arith.index_cast %get3A_1613 : i32 to index
    %get3A_1615 = arith.constant 0 : index
    %get3A_1616 = tpu.vector_load %arg6[%get3A_1614, %get3A_1615] {strides = array<i32>} : memref<4x16xf32, #tpu.memory_space<vmem>>, vector<1x16xf32>,
    %get3A_1617 = vector.shape_cast %get3A_1616 : vector<1x16xf32> to vector<16xf32>
    %eq3A_1618 = arith.constant 2 : i32
    %eq3A_1619 = vector.broadcast %eq3A_1618 : i32 to vector<16xi32>
    %eq3A_1620 = arith.cmpi eq, %get3A_1612, %eq3A_1619 : vector<16xi32>
    %get3A_1621 = arith.constant 2 : i32
    %get3A_1622 = arith.index_cast %get3A_1621 : i32 to index
    %get3A_1623 = arith.constant 0 : index
    %get3A_1624 = tpu.vector_load %arg6[%get3A_1622, %get3A_1623] {strides = array<i32>} : memref<4x16xf32, #tpu.memory_space<vmem>>, vector<1x16xf32>,
    %get3A_1625 = vector.shape_cast %get3A_1624 : vector<1x16xf32> to vector<16xf32>
    %select_n3A_1626 = arith.select %eq3A_1620, %get3A_1625, %get3A_1617 : vector<16xi1>, vector<16xf32>
    %eq3A_1627 = arith.constant 1 : i32
    %eq3A_1628 = vector.broadcast %eq3A_1627 : i32 to vector<16xi32>
    %eq3A_1629 = arith.cmpi eq, %get3A_1612, %eq3A_1628 : vector<16xi32>
    %get3A_1630 = arith.constant 1 : i32
    %get3A_1631 = arith.index_cast %get3A_1630 : i32 to index
    %get3A_1632 = arith.constant 0 : index
    %get3A_1633 = tpu.vector_load %arg6[%get3A_1631, %get3A_1632] {strides = array<i32>} : memref<4x16xf32, #tpu.memory_space<vmem>>, vector<1x16xf32>,
    %get3A_1634 = vector.shape_cast %get3A_1633 : vector<1x16xf32> to vector<16xf32>
    %select_n3A_1635 = arith.select %eq3A_1629, %get3A_1634, %select_n3A_1626 : vector<16xi1>, vector<16xf32>
    %eq3A_1636 = arith.constant 0 : i32
    %eq3A_1637 = vector.broadcast %eq3A_1636 : i32 to vector<16xi32>
    %eq3A_1638 = arith.cmpi eq, %get3A_1612, %eq3A_1637 : vector<16xi32>
    %get3A_1639 = arith.constant 0 : i32
    %get3A_1640 = arith.index_cast %get3A_1639 : i32 to index
    %get3A_1641 = arith.constant 0 : index
    %get3A_1642 = tpu.vector_load %arg6[%get3A_1640, %get3A_1641] {strides = array<i32>} : memref<4x16xf32, #tpu.memory_space<vmem>>, vector<1x16xf32>,
    %get3A_1643 = vector.shape_cast %get3A_1642 : vector<1x16xf32> to vector<16xf32>
    %select_n3A_1644 = arith.select %eq3A_1638, %get3A_1643, %select_n3A_1635 : vector<16xi1>, vector<16xf32>
    %add3A_1645 = arith.addf %add3A_1605, %select_n3A_1644 : vector<16xf32>
    %add3A_1646 = arith.constant 16 : i32
    %add3A_1647 = arith.addi %mul3A_2, %add3A_1646 : i32
    %get3A_1648 = arith.constant 9 : i32
    %get3A_1649 = arith.index_cast %get3A_1648 : i32 to index
    %get3A_1650 = arith.index_cast %add3A_1647 : i32 to index
    %get3A_1651 = tpu.vector_load %arg5[%get3A_1649, %get3A_1650] {strides = array<i32>} : memref<32x1024xi32, #tpu.memory_space<vmem>>, vector<1x16xi32>,
    %get3A_1652 = vector.shape_cast %get3A_1651 : vector<1x16xi32> to vector<16xi32>
    %get3A_1653 = arith.constant 3 : i32
    %get3A_1654 = arith.index_cast %get3A_1653 : i32 to index
    %get3A_1655 = arith.constant 0 : index
    %get3A_1656 = tpu.vector_load %arg6[%get3A_1654, %get3A_1655] {strides = array<i32>} : memref<4x16xf32, #tpu.memory_space<vmem>>, vector<1x16xf32>,
    %get3A_1657 = vector.shape_cast %get3A_1656 : vector<1x16xf32> to vector<16xf32>
    %eq3A_1658 = arith.constant 2 : i32
    %eq3A_1659 = vector.broadcast %eq3A_1658 : i32 to vector<16xi32>
    %eq3A_1660 = arith.cmpi eq, %get3A_1652, %eq3A_1659 : vector<16xi32>
    %get3A_1661 = arith.constant 2 : i32
    %get3A_1662 = arith.index_cast %get3A_1661 : i32 to index
    %get3A_1663 = arith.constant 0 : index
    %get3A_1664 = tpu.vector_load %arg6[%get3A_1662, %get3A_1663] {strides = array<i32>} : memref<4x16xf32, #tpu.memory_space<vmem>>, vector<1x16xf32>,
    %get3A_1665 = vector.shape_cast %get3A_1664 : vector<1x16xf32> to vector<16xf32>
    %select_n3A_1666 = arith.select %eq3A_1660, %get3A_1665, %get3A_1657 : vector<16xi1>, vector<16xf32>
    %eq3A_1667 = arith.constant 1 : i32
    %eq3A_1668 = vector.broadcast %eq3A_1667 : i32 to vector<16xi32>
    %eq3A_1669 = arith.cmpi eq, %get3A_1652, %eq3A_1668 : vector<16xi32>
    %get3A_1670 = arith.constant 1 : i32
    %get3A_1671 = arith.index_cast %get3A_1670 : i32 to index
    %get3A_1672 = arith.constant 0 : index
    %get3A_1673 = tpu.vector_load %arg6[%get3A_1671, %get3A_1672] {strides = array<i32>} : memref<4x16xf32, #tpu.memory_space<vmem>>, vector<1x16xf32>,
    %get3A_1674 = vector.shape_cast %get3A_1673 : vector<1x16xf32> to vector<16xf32>
    %select_n3A_1675 = arith.select %eq3A_1669, %get3A_1674, %select_n3A_1666 : vector<16xi1>, vector<16xf32>
    %eq3A_1676 = arith.constant 0 : i32
    %eq3A_1677 = vector.broadcast %eq3A_1676 : i32 to vector<16xi32>
    %eq3A_1678 = arith.cmpi eq, %get3A_1652, %eq3A_1677 : vector<16xi32>
    %get3A_1679 = arith.constant 0 : i32
    %get3A_1680 = arith.index_cast %get3A_1679 : i32 to index
    %get3A_1681 = arith.constant 0 : index
    %get3A_1682 = tpu.vector_load %arg6[%get3A_1680, %get3A_1681] {strides = array<i32>} : memref<4x16xf32, #tpu.memory_space<vmem>>, vector<1x16xf32>,
    %get3A_1683 = vector.shape_cast %get3A_1682 : vector<1x16xf32> to vector<16xf32>
    %select_n3A_1684 = arith.select %eq3A_1678, %get3A_1683, %select_n3A_1675 : vector<16xi1>, vector<16xf32>
    %add3A_1685 = arith.addf %add3A_1645, %select_n3A_1684 : vector<16xf32>
    %add3A_1686 = arith.constant 16 : i32
    %add3A_1687 = arith.addi %mul3A_2, %add3A_1686 : i32
    %get3A_1688 = arith.constant 10 : i32
    %get3A_1689 = arith.index_cast %get3A_1688 : i32 to index
    %get3A_1690 = arith.index_cast %add3A_1687 : i32 to index
    %get3A_1691 = tpu.vector_load %arg5[%get3A_1689, %get3A_1690] {strides = array<i32>} : memref<32x1024xi32, #tpu.memory_space<vmem>>, vector<1x16xi32>,
    %get3A_1692 = vector.shape_cast %get3A_1691 : vector<1x16xi32> to vector<16xi32>
    %get3A_1693 = arith.constant 3 : i32
    %get3A_1694 = arith.index_cast %get3A_1693 : i32 to index
    %get3A_1695 = arith.constant 0 : index
    %get3A_1696 = tpu.vector_load %arg6[%get3A_1694, %get3A_1695] {strides = array<i32>} : memref<4x16xf32, #tpu.memory_space<vmem>>, vector<1x16xf32>,
    %get3A_1697 = vector.shape_cast %get3A_1696 : vector<1x16xf32> to vector<16xf32>
    %eq3A_1698 = arith.constant 2 : i32
    %eq3A_1699 = vector.broadcast %eq3A_1698 : i32 to vector<16xi32>
    %eq3A_1700 = arith.cmpi eq, %get3A_1692, %eq3A_1699 : vector<16xi32>
    %get3A_1701 = arith.constant 2 : i32
    %get3A_1702 = arith.index_cast %get3A_1701 : i32 to index
    %get3A_1703 = arith.constant 0 : index
    %get3A_1704 = tpu.vector_load %arg6[%get3A_1702, %get3A_1703] {strides = array<i32>} : memref<4x16xf32, #tpu.memory_space<vmem>>, vector<1x16xf32>,
    %get3A_1705 = vector.shape_cast %get3A_1704 : vector<1x16xf32> to vector<16xf32>
    %select_n3A_1706 = arith.select %eq3A_1700, %get3A_1705, %get3A_1697 : vector<16xi1>, vector<16xf32>
    %eq3A_1707 = arith.constant 1 : i32
    %eq3A_1708 = vector.broadcast %eq3A_1707 : i32 to vector<16xi32>
    %eq3A_1709 = arith.cmpi eq, %get3A_1692, %eq3A_1708 : vector<16xi32>
    %get3A_1710 = arith.constant 1 : i32
    %get3A_1711 = arith.index_cast %get3A_1710 : i32 to index
    %get3A_1712 = arith.constant 0 : index
    %get3A_1713 = tpu.vector_load %arg6[%get3A_1711, %get3A_1712] {strides = array<i32>} : memref<4x16xf32, #tpu.memory_space<vmem>>, vector<1x16xf32>,
    %get3A_1714 = vector.shape_cast %get3A_1713 : vector<1x16xf32> to vector<16xf32>
    %select_n3A_1715 = arith.select %eq3A_1709, %get3A_1714, %select_n3A_1706 : vector<16xi1>, vector<16xf32>
    %eq3A_1716 = arith.constant 0 : i32
    %eq3A_1717 = vector.broadcast %eq3A_1716 : i32 to vector<16xi32>
    %eq3A_1718 = arith.cmpi eq, %get3A_1692, %eq3A_1717 : vector<16xi32>
    %get3A_1719 = arith.constant 0 : i32
    %get3A_1720 = arith.index_cast %get3A_1719 : i32 to index
    %get3A_1721 = arith.constant 0 : index
    %get3A_1722 = tpu.vector_load %arg6[%get3A_1720, %get3A_1721] {strides = array<i32>} : memref<4x16xf32, #tpu.memory_space<vmem>>, vector<1x16xf32>,
    %get3A_1723 = vector.shape_cast %get3A_1722 : vector<1x16xf32> to vector<16xf32>
    %select_n3A_1724 = arith.select %eq3A_1718, %get3A_1723, %select_n3A_1715 : vector<16xi1>, vector<16xf32>
    %add3A_1725 = arith.addf %add3A_1685, %select_n3A_1724 : vector<16xf32>
    %add3A_1726 = arith.constant 16 : i32
    %add3A_1727 = arith.addi %mul3A_2, %add3A_1726 : i32
    %get3A_1728 = arith.constant 11 : i32
    %get3A_1729 = arith.index_cast %get3A_1728 : i32 to index
    %get3A_1730 = arith.index_cast %add3A_1727 : i32 to index
    %get3A_1731 = tpu.vector_load %arg5[%get3A_1729, %get3A_1730] {strides = array<i32>} : memref<32x1024xi32, #tpu.memory_space<vmem>>, vector<1x16xi32>,
    %get3A_1732 = vector.shape_cast %get3A_1731 : vector<1x16xi32> to vector<16xi32>
    %get3A_1733 = arith.constant 3 : i32
    %get3A_1734 = arith.index_cast %get3A_1733 : i32 to index
    %get3A_1735 = arith.constant 0 : index
    %get3A_1736 = tpu.vector_load %arg6[%get3A_1734, %get3A_1735] {strides = array<i32>} : memref<4x16xf32, #tpu.memory_space<vmem>>, vector<1x16xf32>,
    %get3A_1737 = vector.shape_cast %get3A_1736 : vector<1x16xf32> to vector<16xf32>
    %eq3A_1738 = arith.constant 2 : i32
    %eq3A_1739 = vector.broadcast %eq3A_1738 : i32 to vector<16xi32>
    %eq3A_1740 = arith.cmpi eq, %get3A_1732, %eq3A_1739 : vector<16xi32>
    %get3A_1741 = arith.constant 2 : i32
    %get3A_1742 = arith.index_cast %get3A_1741 : i32 to index
    %get3A_1743 = arith.constant 0 : index
    %get3A_1744 = tpu.vector_load %arg6[%get3A_1742, %get3A_1743] {strides = array<i32>} : memref<4x16xf32, #tpu.memory_space<vmem>>, vector<1x16xf32>,
    %get3A_1745 = vector.shape_cast %get3A_1744 : vector<1x16xf32> to vector<16xf32>
    %select_n3A_1746 = arith.select %eq3A_1740, %get3A_1745, %get3A_1737 : vector<16xi1>, vector<16xf32>
    %eq3A_1747 = arith.constant 1 : i32
    %eq3A_1748 = vector.broadcast %eq3A_1747 : i32 to vector<16xi32>
    %eq3A_1749 = arith.cmpi eq, %get3A_1732, %eq3A_1748 : vector<16xi32>
    %get3A_1750 = arith.constant 1 : i32
    %get3A_1751 = arith.index_cast %get3A_1750 : i32 to index
    %get3A_1752 = arith.constant 0 : index
    %get3A_1753 = tpu.vector_load %arg6[%get3A_1751, %get3A_1752] {strides = array<i32>} : memref<4x16xf32, #tpu.memory_space<vmem>>, vector<1x16xf32>,
    %get3A_1754 = vector.shape_cast %get3A_1753 : vector<1x16xf32> to vector<16xf32>
    %select_n3A_1755 = arith.select %eq3A_1749, %get3A_1754, %select_n3A_1746 : vector<16xi1>, vector<16xf32>
    %eq3A_1756 = arith.constant 0 : i32
    %eq3A_1757 = vector.broadcast %eq3A_1756 : i32 to vector<16xi32>
    %eq3A_1758 = arith.cmpi eq, %get3A_1732, %eq3A_1757 : vector<16xi32>
    %get3A_1759 = arith.constant 0 : i32
    %get3A_1760 = arith.index_cast %get3A_1759 : i32 to index
    %get3A_1761 = arith.constant 0 : index
    %get3A_1762 = tpu.vector_load %arg6[%get3A_1760, %get3A_1761] {strides = array<i32>} : memref<4x16xf32, #tpu.memory_space<vmem>>, vector<1x16xf32>,
    %get3A_1763 = vector.shape_cast %get3A_1762 : vector<1x16xf32> to vector<16xf32>
    %select_n3A_1764 = arith.select %eq3A_1758, %get3A_1763, %select_n3A_1755 : vector<16xi1>, vector<16xf32>
    %add3A_1765 = arith.addf %add3A_1725, %select_n3A_1764 : vector<16xf32>
    %add3A_1766 = arith.constant 16 : i32
    %add3A_1767 = arith.addi %mul3A_2, %add3A_1766 : i32
    %get3A_1768 = arith.constant 12 : i32
    %get3A_1769 = arith.index_cast %get3A_1768 : i32 to index
    %get3A_1770 = arith.index_cast %add3A_1767 : i32 to index
    %get3A_1771 = tpu.vector_load %arg5[%get3A_1769, %get3A_1770] {strides = array<i32>} : memref<32x1024xi32, #tpu.memory_space<vmem>>, vector<1x16xi32>,
    %get3A_1772 = vector.shape_cast %get3A_1771 : vector<1x16xi32> to vector<16xi32>
    %get3A_1773 = arith.constant 3 : i32
    %get3A_1774 = arith.index_cast %get3A_1773 : i32 to index
    %get3A_1775 = arith.constant 0 : index
    %get3A_1776 = tpu.vector_load %arg6[%get3A_1774, %get3A_1775] {strides = array<i32>} : memref<4x16xf32, #tpu.memory_space<vmem>>, vector<1x16xf32>,
    %get3A_1777 = vector.shape_cast %get3A_1776 : vector<1x16xf32> to vector<16xf32>
    %eq3A_1778 = arith.constant 2 : i32
    %eq3A_1779 = vector.broadcast %eq3A_1778 : i32 to vector<16xi32>
    %eq3A_1780 = arith.cmpi eq, %get3A_1772, %eq3A_1779 : vector<16xi32>
    %get3A_1781 = arith.constant 2 : i32
    %get3A_1782 = arith.index_cast %get3A_1781 : i32 to index
    %get3A_1783 = arith.constant 0 : index
    %get3A_1784 = tpu.vector_load %arg6[%get3A_1782, %get3A_1783] {strides = array<i32>} : memref<4x16xf32, #tpu.memory_space<vmem>>, vector<1x16xf32>,
    %get3A_1785 = vector.shape_cast %get3A_1784 : vector<1x16xf32> to vector<16xf32>
    %select_n3A_1786 = arith.select %eq3A_1780, %get3A_1785, %get3A_1777 : vector<16xi1>, vector<16xf32>
    %eq3A_1787 = arith.constant 1 : i32
    %eq3A_1788 = vector.broadcast %eq3A_1787 : i32 to vector<16xi32>
    %eq3A_1789 = arith.cmpi eq, %get3A_1772, %eq3A_1788 : vector<16xi32>
    %get3A_1790 = arith.constant 1 : i32
    %get3A_1791 = arith.index_cast %get3A_1790 : i32 to index
    %get3A_1792 = arith.constant 0 : index
    %get3A_1793 = tpu.vector_load %arg6[%get3A_1791, %get3A_1792] {strides = array<i32>} : memref<4x16xf32, #tpu.memory_space<vmem>>, vector<1x16xf32>,
    %get3A_1794 = vector.shape_cast %get3A_1793 : vector<1x16xf32> to vector<16xf32>
    %select_n3A_1795 = arith.select %eq3A_1789, %get3A_1794, %select_n3A_1786 : vector<16xi1>, vector<16xf32>
    %eq3A_1796 = arith.constant 0 : i32
    %eq3A_1797 = vector.broadcast %eq3A_1796 : i32 to vector<16xi32>
    %eq3A_1798 = arith.cmpi eq, %get3A_1772, %eq3A_1797 : vector<16xi32>
    %get3A_1799 = arith.constant 0 : i32
    %get3A_1800 = arith.index_cast %get3A_1799 : i32 to index
    %get3A_1801 = arith.constant 0 : index
    %get3A_1802 = tpu.vector_load %arg6[%get3A_1800, %get3A_1801] {strides = array<i32>} : memref<4x16xf32, #tpu.memory_space<vmem>>, vector<1x16xf32>,
    %get3A_1803 = vector.shape_cast %get3A_1802 : vector<1x16xf32> to vector<16xf32>
    %select_n3A_1804 = arith.select %eq3A_1798, %get3A_1803, %select_n3A_1795 : vector<16xi1>, vector<16xf32>
    %add3A_1805 = arith.addf %add3A_1765, %select_n3A_1804 : vector<16xf32>
    %add3A_1806 = arith.constant 16 : i32
    %add3A_1807 = arith.addi %mul3A_2, %add3A_1806 : i32
    %get3A_1808 = arith.constant 13 : i32
    %get3A_1809 = arith.index_cast %get3A_1808 : i32 to index
    %get3A_1810 = arith.index_cast %add3A_1807 : i32 to index
    %get3A_1811 = tpu.vector_load %arg5[%get3A_1809, %get3A_1810] {strides = array<i32>} : memref<32x1024xi32, #tpu.memory_space<vmem>>, vector<1x16xi32>,
    %get3A_1812 = vector.shape_cast %get3A_1811 : vector<1x16xi32> to vector<16xi32>
    %get3A_1813 = arith.constant 3 : i32
    %get3A_1814 = arith.index_cast %get3A_1813 : i32 to index
    %get3A_1815 = arith.constant 0 : index
    %get3A_1816 = tpu.vector_load %arg6[%get3A_1814, %get3A_1815] {strides = array<i32>} : memref<4x16xf32, #tpu.memory_space<vmem>>, vector<1x16xf32>,
    %get3A_1817 = vector.shape_cast %get3A_1816 : vector<1x16xf32> to vector<16xf32>
    %eq3A_1818 = arith.constant 2 : i32
    %eq3A_1819 = vector.broadcast %eq3A_1818 : i32 to vector<16xi32>
    %eq3A_1820 = arith.cmpi eq, %get3A_1812, %eq3A_1819 : vector<16xi32>
    %get3A_1821 = arith.constant 2 : i32
    %get3A_1822 = arith.index_cast %get3A_1821 : i32 to index
    %get3A_1823 = arith.constant 0 : index
    %get3A_1824 = tpu.vector_load %arg6[%get3A_1822, %get3A_1823] {strides = array<i32>} : memref<4x16xf32, #tpu.memory_space<vmem>>, vector<1x16xf32>,
    %get3A_1825 = vector.shape_cast %get3A_1824 : vector<1x16xf32> to vector<16xf32>
    %select_n3A_1826 = arith.select %eq3A_1820, %get3A_1825, %get3A_1817 : vector<16xi1>, vector<16xf32>
    %eq3A_1827 = arith.constant 1 : i32
    %eq3A_1828 = vector.broadcast %eq3A_1827 : i32 to vector<16xi32>
    %eq3A_1829 = arith.cmpi eq, %get3A_1812, %eq3A_1828 : vector<16xi32>
    %get3A_1830 = arith.constant 1 : i32
    %get3A_1831 = arith.index_cast %get3A_1830 : i32 to index
    %get3A_1832 = arith.constant 0 : index
    %get3A_1833 = tpu.vector_load %arg6[%get3A_1831, %get3A_1832] {strides = array<i32>} : memref<4x16xf32, #tpu.memory_space<vmem>>, vector<1x16xf32>,
    %get3A_1834 = vector.shape_cast %get3A_1833 : vector<1x16xf32> to vector<16xf32>
    %select_n3A_1835 = arith.select %eq3A_1829, %get3A_1834, %select_n3A_1826 : vector<16xi1>, vector<16xf32>
    %eq3A_1836 = arith.constant 0 : i32
    %eq3A_1837 = vector.broadcast %eq3A_1836 : i32 to vector<16xi32>
    %eq3A_1838 = arith.cmpi eq, %get3A_1812, %eq3A_1837 : vector<16xi32>
    %get3A_1839 = arith.constant 0 : i32
    %get3A_1840 = arith.index_cast %get3A_1839 : i32 to index
    %get3A_1841 = arith.constant 0 : index
    %get3A_1842 = tpu.vector_load %arg6[%get3A_1840, %get3A_1841] {strides = array<i32>} : memref<4x16xf32, #tpu.memory_space<vmem>>, vector<1x16xf32>,
    %get3A_1843 = vector.shape_cast %get3A_1842 : vector<1x16xf32> to vector<16xf32>
    %select_n3A_1844 = arith.select %eq3A_1838, %get3A_1843, %select_n3A_1835 : vector<16xi1>, vector<16xf32>
    %add3A_1845 = arith.addf %add3A_1805, %select_n3A_1844 : vector<16xf32>
    %add3A_1846 = arith.constant 16 : i32
    %add3A_1847 = arith.addi %mul3A_2, %add3A_1846 : i32
    %get3A_1848 = arith.constant 14 : i32
    %get3A_1849 = arith.index_cast %get3A_1848 : i32 to index
    %get3A_1850 = arith.index_cast %add3A_1847 : i32 to index
    %get3A_1851 = tpu.vector_load %arg5[%get3A_1849, %get3A_1850] {strides = array<i32>} : memref<32x1024xi32, #tpu.memory_space<vmem>>, vector<1x16xi32>,
    %get3A_1852 = vector.shape_cast %get3A_1851 : vector<1x16xi32> to vector<16xi32>
    %get3A_1853 = arith.constant 3 : i32
    %get3A_1854 = arith.index_cast %get3A_1853 : i32 to index
    %get3A_1855 = arith.constant 0 : index
    %get3A_1856 = tpu.vector_load %arg6[%get3A_1854, %get3A_1855] {strides = array<i32>} : memref<4x16xf32, #tpu.memory_space<vmem>>, vector<1x16xf32>,
    %get3A_1857 = vector.shape_cast %get3A_1856 : vector<1x16xf32> to vector<16xf32>
    %eq3A_1858 = arith.constant 2 : i32
    %eq3A_1859 = vector.broadcast %eq3A_1858 : i32 to vector<16xi32>
    %eq3A_1860 = arith.cmpi eq, %get3A_1852, %eq3A_1859 : vector<16xi32>
    %get3A_1861 = arith.constant 2 : i32
    %get3A_1862 = arith.index_cast %get3A_1861 : i32 to index
    %get3A_1863 = arith.constant 0 : index
    %get3A_1864 = tpu.vector_load %arg6[%get3A_1862, %get3A_1863] {strides = array<i32>} : memref<4x16xf32, #tpu.memory_space<vmem>>, vector<1x16xf32>,
    %get3A_1865 = vector.shape_cast %get3A_1864 : vector<1x16xf32> to vector<16xf32>
    %select_n3A_1866 = arith.select %eq3A_1860, %get3A_1865, %get3A_1857 : vector<16xi1>, vector<16xf32>
    %eq3A_1867 = arith.constant 1 : i32
    %eq3A_1868 = vector.broadcast %eq3A_1867 : i32 to vector<16xi32>
    %eq3A_1869 = arith.cmpi eq, %get3A_1852, %eq3A_1868 : vector<16xi32>
    %get3A_1870 = arith.constant 1 : i32
    %get3A_1871 = arith.index_cast %get3A_1870 : i32 to index
    %get3A_1872 = arith.constant 0 : index
    %get3A_1873 = tpu.vector_load %arg6[%get3A_1871, %get3A_1872] {strides = array<i32>} : memref<4x16xf32, #tpu.memory_space<vmem>>, vector<1x16xf32>,
    %get3A_1874 = vector.shape_cast %get3A_1873 : vector<1x16xf32> to vector<16xf32>
    %select_n3A_1875 = arith.select %eq3A_1869, %get3A_1874, %select_n3A_1866 : vector<16xi1>, vector<16xf32>
    %eq3A_1876 = arith.constant 0 : i32
    %eq3A_1877 = vector.broadcast %eq3A_1876 : i32 to vector<16xi32>
    %eq3A_1878 = arith.cmpi eq, %get3A_1852, %eq3A_1877 : vector<16xi32>
    %get3A_1879 = arith.constant 0 : i32
    %get3A_1880 = arith.index_cast %get3A_1879 : i32 to index
    %get3A_1881 = arith.constant 0 : index
    %get3A_1882 = tpu.vector_load %arg6[%get3A_1880, %get3A_1881] {strides = array<i32>} : memref<4x16xf32, #tpu.memory_space<vmem>>, vector<1x16xf32>,
    %get3A_1883 = vector.shape_cast %get3A_1882 : vector<1x16xf32> to vector<16xf32>
    %select_n3A_1884 = arith.select %eq3A_1878, %get3A_1883, %select_n3A_1875 : vector<16xi1>, vector<16xf32>
    %add3A_1885 = arith.addf %add3A_1845, %select_n3A_1884 : vector<16xf32>
    %add3A_1886 = arith.constant 16 : i32
    %add3A_1887 = arith.addi %mul3A_2, %add3A_1886 : i32
    %get3A_1888 = arith.constant 15 : i32
    %get3A_1889 = arith.index_cast %get3A_1888 : i32 to index
    %get3A_1890 = arith.index_cast %add3A_1887 : i32 to index
    %get3A_1891 = tpu.vector_load %arg5[%get3A_1889, %get3A_1890] {strides = array<i32>} : memref<32x1024xi32, #tpu.memory_space<vmem>>, vector<1x16xi32>,
    %get3A_1892 = vector.shape_cast %get3A_1891 : vector<1x16xi32> to vector<16xi32>
    %get3A_1893 = arith.constant 3 : i32
    %get3A_1894 = arith.index_cast %get3A_1893 : i32 to index
    %get3A_1895 = arith.constant 0 : index
    %get3A_1896 = tpu.vector_load %arg6[%get3A_1894, %get3A_1895] {strides = array<i32>} : memref<4x16xf32, #tpu.memory_space<vmem>>, vector<1x16xf32>,
    %get3A_1897 = vector.shape_cast %get3A_1896 : vector<1x16xf32> to vector<16xf32>
    %eq3A_1898 = arith.constant 2 : i32
    %eq3A_1899 = vector.broadcast %eq3A_1898 : i32 to vector<16xi32>
    %eq3A_1900 = arith.cmpi eq, %get3A_1892, %eq3A_1899 : vector<16xi32>
    %get3A_1901 = arith.constant 2 : i32
    %get3A_1902 = arith.index_cast %get3A_1901 : i32 to index
    %get3A_1903 = arith.constant 0 : index
    %get3A_1904 = tpu.vector_load %arg6[%get3A_1902, %get3A_1903] {strides = array<i32>} : memref<4x16xf32, #tpu.memory_space<vmem>>, vector<1x16xf32>,
    %get3A_1905 = vector.shape_cast %get3A_1904 : vector<1x16xf32> to vector<16xf32>
    %select_n3A_1906 = arith.select %eq3A_1900, %get3A_1905, %get3A_1897 : vector<16xi1>, vector<16xf32>
    %eq3A_1907 = arith.constant 1 : i32
    %eq3A_1908 = vector.broadcast %eq3A_1907 : i32 to vector<16xi32>
    %eq3A_1909 = arith.cmpi eq, %get3A_1892, %eq3A_1908 : vector<16xi32>
    %get3A_1910 = arith.constant 1 : i32
    %get3A_1911 = arith.index_cast %get3A_1910 : i32 to index
    %get3A_1912 = arith.constant 0 : index
    %get3A_1913 = tpu.vector_load %arg6[%get3A_1911, %get3A_1912] {strides = array<i32>} : memref<4x16xf32, #tpu.memory_space<vmem>>, vector<1x16xf32>,
    %get3A_1914 = vector.shape_cast %get3A_1913 : vector<1x16xf32> to vector<16xf32>
    %select_n3A_1915 = arith.select %eq3A_1909, %get3A_1914, %select_n3A_1906 : vector<16xi1>, vector<16xf32>
    %eq3A_1916 = arith.constant 0 : i32
    %eq3A_1917 = vector.broadcast %eq3A_1916 : i32 to vector<16xi32>
    %eq3A_1918 = arith.cmpi eq, %get3A_1892, %eq3A_1917 : vector<16xi32>
    %get3A_1919 = arith.constant 0 : i32
    %get3A_1920 = arith.index_cast %get3A_1919 : i32 to index
    %get3A_1921 = arith.constant 0 : index
    %get3A_1922 = tpu.vector_load %arg6[%get3A_1920, %get3A_1921] {strides = array<i32>} : memref<4x16xf32, #tpu.memory_space<vmem>>, vector<1x16xf32>,
    %get3A_1923 = vector.shape_cast %get3A_1922 : vector<1x16xf32> to vector<16xf32>
    %select_n3A_1924 = arith.select %eq3A_1918, %get3A_1923, %select_n3A_1915 : vector<16xi1>, vector<16xf32>
    %add3A_1925 = arith.addf %add3A_1885, %select_n3A_1924 : vector<16xf32>
    %add3A_1926 = arith.constant 16 : i32
    %add3A_1927 = arith.addi %mul3A_2, %add3A_1926 : i32
    %get3A_1928 = arith.constant 16 : i32
    %get3A_1929 = arith.index_cast %get3A_1928 : i32 to index
    %get3A_1930 = arith.index_cast %add3A_1927 : i32 to index
    %get3A_1931 = tpu.vector_load %arg5[%get3A_1929, %get3A_1930] {strides = array<i32>} : memref<32x1024xi32, #tpu.memory_space<vmem>>, vector<1x16xi32>,
    %get3A_1932 = vector.shape_cast %get3A_1931 : vector<1x16xi32> to vector<16xi32>
    %get3A_1933 = arith.constant 3 : i32
    %get3A_1934 = arith.index_cast %get3A_1933 : i32 to index
    %get3A_1935 = arith.constant 0 : index
    %get3A_1936 = tpu.vector_load %arg6[%get3A_1934, %get3A_1935] {strides = array<i32>} : memref<4x16xf32, #tpu.memory_space<vmem>>, vector<1x16xf32>,
    %get3A_1937 = vector.shape_cast %get3A_1936 : vector<1x16xf32> to vector<16xf32>
    %eq3A_1938 = arith.constant 2 : i32
    %eq3A_1939 = vector.broadcast %eq3A_1938 : i32 to vector<16xi32>
    %eq3A_1940 = arith.cmpi eq, %get3A_1932, %eq3A_1939 : vector<16xi32>
    %get3A_1941 = arith.constant 2 : i32
    %get3A_1942 = arith.index_cast %get3A_1941 : i32 to index
    %get3A_1943 = arith.constant 0 : index
    %get3A_1944 = tpu.vector_load %arg6[%get3A_1942, %get3A_1943] {strides = array<i32>} : memref<4x16xf32, #tpu.memory_space<vmem>>, vector<1x16xf32>,
    %get3A_1945 = vector.shape_cast %get3A_1944 : vector<1x16xf32> to vector<16xf32>
    %select_n3A_1946 = arith.select %eq3A_1940, %get3A_1945, %get3A_1937 : vector<16xi1>, vector<16xf32>
    %eq3A_1947 = arith.constant 1 : i32
    %eq3A_1948 = vector.broadcast %eq3A_1947 : i32 to vector<16xi32>
    %eq3A_1949 = arith.cmpi eq, %get3A_1932, %eq3A_1948 : vector<16xi32>
    %get3A_1950 = arith.constant 1 : i32
    %get3A_1951 = arith.index_cast %get3A_1950 : i32 to index
    %get3A_1952 = arith.constant 0 : index
    %get3A_1953 = tpu.vector_load %arg6[%get3A_1951, %get3A_1952] {strides = array<i32>} : memref<4x16xf32, #tpu.memory_space<vmem>>, vector<1x16xf32>,
    %get3A_1954 = vector.shape_cast %get3A_1953 : vector<1x16xf32> to vector<16xf32>
    %select_n3A_1955 = arith.select %eq3A_1949, %get3A_1954, %select_n3A_1946 : vector<16xi1>, vector<16xf32>
    %eq3A_1956 = arith.constant 0 : i32
    %eq3A_1957 = vector.broadcast %eq3A_1956 : i32 to vector<16xi32>
    %eq3A_1958 = arith.cmpi eq, %get3A_1932, %eq3A_1957 : vector<16xi32>
    %get3A_1959 = arith.constant 0 : i32
    %get3A_1960 = arith.index_cast %get3A_1959 : i32 to index
    %get3A_1961 = arith.constant 0 : index
    %get3A_1962 = tpu.vector_load %arg6[%get3A_1960, %get3A_1961] {strides = array<i32>} : memref<4x16xf32, #tpu.memory_space<vmem>>, vector<1x16xf32>,
    %get3A_1963 = vector.shape_cast %get3A_1962 : vector<1x16xf32> to vector<16xf32>
    %select_n3A_1964 = arith.select %eq3A_1958, %get3A_1963, %select_n3A_1955 : vector<16xi1>, vector<16xf32>
    %add3A_1965 = arith.addf %add3A_1925, %select_n3A_1964 : vector<16xf32>
    %add3A_1966 = arith.constant 16 : i32
    %add3A_1967 = arith.addi %mul3A_2, %add3A_1966 : i32
    %get3A_1968 = arith.constant 17 : i32
    %get3A_1969 = arith.index_cast %get3A_1968 : i32 to index
    %get3A_1970 = arith.index_cast %add3A_1967 : i32 to index
    %get3A_1971 = tpu.vector_load %arg5[%get3A_1969, %get3A_1970] {strides = array<i32>} : memref<32x1024xi32, #tpu.memory_space<vmem>>, vector<1x16xi32>,
    %get3A_1972 = vector.shape_cast %get3A_1971 : vector<1x16xi32> to vector<16xi32>
    %get3A_1973 = arith.constant 3 : i32
    %get3A_1974 = arith.index_cast %get3A_1973 : i32 to index
    %get3A_1975 = arith.constant 0 : index
    %get3A_1976 = tpu.vector_load %arg6[%get3A_1974, %get3A_1975] {strides = array<i32>} : memref<4x16xf32, #tpu.memory_space<vmem>>, vector<1x16xf32>,
    %get3A_1977 = vector.shape_cast %get3A_1976 : vector<1x16xf32> to vector<16xf32>
    %eq3A_1978 = arith.constant 2 : i32
    %eq3A_1979 = vector.broadcast %eq3A_1978 : i32 to vector<16xi32>
    %eq3A_1980 = arith.cmpi eq, %get3A_1972, %eq3A_1979 : vector<16xi32>
    %get3A_1981 = arith.constant 2 : i32
    %get3A_1982 = arith.index_cast %get3A_1981 : i32 to index
    %get3A_1983 = arith.constant 0 : index
    %get3A_1984 = tpu.vector_load %arg6[%get3A_1982, %get3A_1983] {strides = array<i32>} : memref<4x16xf32, #tpu.memory_space<vmem>>, vector<1x16xf32>,
    %get3A_1985 = vector.shape_cast %get3A_1984 : vector<1x16xf32> to vector<16xf32>
    %select_n3A_1986 = arith.select %eq3A_1980, %get3A_1985, %get3A_1977 : vector<16xi1>, vector<16xf32>
    %eq3A_1987 = arith.constant 1 : i32
    %eq3A_1988 = vector.broadcast %eq3A_1987 : i32 to vector<16xi32>
    %eq3A_1989 = arith.cmpi eq, %get3A_1972, %eq3A_1988 : vector<16xi32>
    %get3A_1990 = arith.constant 1 : i32
    %get3A_1991 = arith.index_cast %get3A_1990 : i32 to index
    %get3A_1992 = arith.constant 0 : index
    %get3A_1993 = tpu.vector_load %arg6[%get3A_1991, %get3A_1992] {strides = array<i32>} : memref<4x16xf32, #tpu.memory_space<vmem>>, vector<1x16xf32>,
    %get3A_1994 = vector.shape_cast %get3A_1993 : vector<1x16xf32> to vector<16xf32>
    %select_n3A_1995 = arith.select %eq3A_1989, %get3A_1994, %select_n3A_1986 : vector<16xi1>, vector<16xf32>
    %eq3A_1996 = arith.constant 0 : i32
    %eq3A_1997 = vector.broadcast %eq3A_1996 : i32 to vector<16xi32>
    %eq3A_1998 = arith.cmpi eq, %get3A_1972, %eq3A_1997 : vector<16xi32>
    %get3A_1999 = arith.constant 0 : i32
    %get3A_2000 = arith.index_cast %get3A_1999 : i32 to index
    %get3A_2001 = arith.constant 0 : index
    %get3A_2002 = tpu.vector_load %arg6[%get3A_2000, %get3A_2001] {strides = array<i32>} : memref<4x16xf32, #tpu.memory_space<vmem>>, vector<1x16xf32>,
    %get3A_2003 = vector.shape_cast %get3A_2002 : vector<1x16xf32> to vector<16xf32>
    %select_n3A_2004 = arith.select %eq3A_1998, %get3A_2003, %select_n3A_1995 : vector<16xi1>, vector<16xf32>
    %add3A_2005 = arith.addf %add3A_1965, %select_n3A_2004 : vector<16xf32>
    %add3A_2006 = arith.constant 16 : i32
    %add3A_2007 = arith.addi %mul3A_2, %add3A_2006 : i32
    %get3A_2008 = arith.constant 18 : i32
    %get3A_2009 = arith.index_cast %get3A_2008 : i32 to index
    %get3A_2010 = arith.index_cast %add3A_2007 : i32 to index
    %get3A_2011 = tpu.vector_load %arg5[%get3A_2009, %get3A_2010] {strides = array<i32>} : memref<32x1024xi32, #tpu.memory_space<vmem>>, vector<1x16xi32>,
    %get3A_2012 = vector.shape_cast %get3A_2011 : vector<1x16xi32> to vector<16xi32>
    %get3A_2013 = arith.constant 3 : i32
    %get3A_2014 = arith.index_cast %get3A_2013 : i32 to index
    %get3A_2015 = arith.constant 0 : index
    %get3A_2016 = tpu.vector_load %arg6[%get3A_2014, %get3A_2015] {strides = array<i32>} : memref<4x16xf32, #tpu.memory_space<vmem>>, vector<1x16xf32>,
    %get3A_2017 = vector.shape_cast %get3A_2016 : vector<1x16xf32> to vector<16xf32>
    %eq3A_2018 = arith.constant 2 : i32
    %eq3A_2019 = vector.broadcast %eq3A_2018 : i32 to vector<16xi32>
    %eq3A_2020 = arith.cmpi eq, %get3A_2012, %eq3A_2019 : vector<16xi32>
    %get3A_2021 = arith.constant 2 : i32
    %get3A_2022 = arith.index_cast %get3A_2021 : i32 to index
    %get3A_2023 = arith.constant 0 : index
    %get3A_2024 = tpu.vector_load %arg6[%get3A_2022, %get3A_2023] {strides = array<i32>} : memref<4x16xf32, #tpu.memory_space<vmem>>, vector<1x16xf32>,
    %get3A_2025 = vector.shape_cast %get3A_2024 : vector<1x16xf32> to vector<16xf32>
    %select_n3A_2026 = arith.select %eq3A_2020, %get3A_2025, %get3A_2017 : vector<16xi1>, vector<16xf32>
    %eq3A_2027 = arith.constant 1 : i32
    %eq3A_2028 = vector.broadcast %eq3A_2027 : i32 to vector<16xi32>
    %eq3A_2029 = arith.cmpi eq, %get3A_2012, %eq3A_2028 : vector<16xi32>
    %get3A_2030 = arith.constant 1 : i32
    %get3A_2031 = arith.index_cast %get3A_2030 : i32 to index
    %get3A_2032 = arith.constant 0 : index
    %get3A_2033 = tpu.vector_load %arg6[%get3A_2031, %get3A_2032] {strides = array<i32>} : memref<4x16xf32, #tpu.memory_space<vmem>>, vector<1x16xf32>,
    %get3A_2034 = vector.shape_cast %get3A_2033 : vector<1x16xf32> to vector<16xf32>
    %select_n3A_2035 = arith.select %eq3A_2029, %get3A_2034, %select_n3A_2026 : vector<16xi1>, vector<16xf32>
    %eq3A_2036 = arith.constant 0 : i32
    %eq3A_2037 = vector.broadcast %eq3A_2036 : i32 to vector<16xi32>
    %eq3A_2038 = arith.cmpi eq, %get3A_2012, %eq3A_2037 : vector<16xi32>
    %get3A_2039 = arith.constant 0 : i32
    %get3A_2040 = arith.index_cast %get3A_2039 : i32 to index
    %get3A_2041 = arith.constant 0 : index
    %get3A_2042 = tpu.vector_load %arg6[%get3A_2040, %get3A_2041] {strides = array<i32>} : memref<4x16xf32, #tpu.memory_space<vmem>>, vector<1x16xf32>,
    %get3A_2043 = vector.shape_cast %get3A_2042 : vector<1x16xf32> to vector<16xf32>
    %select_n3A_2044 = arith.select %eq3A_2038, %get3A_2043, %select_n3A_2035 : vector<16xi1>, vector<16xf32>
    %add3A_2045 = arith.addf %add3A_2005, %select_n3A_2044 : vector<16xf32>
    %add3A_2046 = arith.constant 16 : i32
    %add3A_2047 = arith.addi %mul3A_2, %add3A_2046 : i32
    %get3A_2048 = arith.constant 19 : i32
    %get3A_2049 = arith.index_cast %get3A_2048 : i32 to index
    %get3A_2050 = arith.index_cast %add3A_2047 : i32 to index
    %get3A_2051 = tpu.vector_load %arg5[%get3A_2049, %get3A_2050] {strides = array<i32>} : memref<32x1024xi32, #tpu.memory_space<vmem>>, vector<1x16xi32>,
    %get3A_2052 = vector.shape_cast %get3A_2051 : vector<1x16xi32> to vector<16xi32>
    %get3A_2053 = arith.constant 3 : i32
    %get3A_2054 = arith.index_cast %get3A_2053 : i32 to index
    %get3A_2055 = arith.constant 0 : index
    %get3A_2056 = tpu.vector_load %arg6[%get3A_2054, %get3A_2055] {strides = array<i32>} : memref<4x16xf32, #tpu.memory_space<vmem>>, vector<1x16xf32>,
    %get3A_2057 = vector.shape_cast %get3A_2056 : vector<1x16xf32> to vector<16xf32>
    %eq3A_2058 = arith.constant 2 : i32
    %eq3A_2059 = vector.broadcast %eq3A_2058 : i32 to vector<16xi32>
    %eq3A_2060 = arith.cmpi eq, %get3A_2052, %eq3A_2059 : vector<16xi32>
    %get3A_2061 = arith.constant 2 : i32
    %get3A_2062 = arith.index_cast %get3A_2061 : i32 to index
    %get3A_2063 = arith.constant 0 : index
    %get3A_2064 = tpu.vector_load %arg6[%get3A_2062, %get3A_2063] {strides = array<i32>} : memref<4x16xf32, #tpu.memory_space<vmem>>, vector<1x16xf32>,
    %get3A_2065 = vector.shape_cast %get3A_2064 : vector<1x16xf32> to vector<16xf32>
    %select_n3A_2066 = arith.select %eq3A_2060, %get3A_2065, %get3A_2057 : vector<16xi1>, vector<16xf32>
    %eq3A_2067 = arith.constant 1 : i32
    %eq3A_2068 = vector.broadcast %eq3A_2067 : i32 to vector<16xi32>
    %eq3A_2069 = arith.cmpi eq, %get3A_2052, %eq3A_2068 : vector<16xi32>
    %get3A_2070 = arith.constant 1 : i32
    %get3A_2071 = arith.index_cast %get3A_2070 : i32 to index
    %get3A_2072 = arith.constant 0 : index
    %get3A_2073 = tpu.vector_load %arg6[%get3A_2071, %get3A_2072] {strides = array<i32>} : memref<4x16xf32, #tpu.memory_space<vmem>>, vector<1x16xf32>,
    %get3A_2074 = vector.shape_cast %get3A_2073 : vector<1x16xf32> to vector<16xf32>
    %select_n3A_2075 = arith.select %eq3A_2069, %get3A_2074, %select_n3A_2066 : vector<16xi1>, vector<16xf32>
    %eq3A_2076 = arith.constant 0 : i32
    %eq3A_2077 = vector.broadcast %eq3A_2076 : i32 to vector<16xi32>
    %eq3A_2078 = arith.cmpi eq, %get3A_2052, %eq3A_2077 : vector<16xi32>
    %get3A_2079 = arith.constant 0 : i32
    %get3A_2080 = arith.index_cast %get3A_2079 : i32 to index
    %get3A_2081 = arith.constant 0 : index
    %get3A_2082 = tpu.vector_load %arg6[%get3A_2080, %get3A_2081] {strides = array<i32>} : memref<4x16xf32, #tpu.memory_space<vmem>>, vector<1x16xf32>,
    %get3A_2083 = vector.shape_cast %get3A_2082 : vector<1x16xf32> to vector<16xf32>
    %select_n3A_2084 = arith.select %eq3A_2078, %get3A_2083, %select_n3A_2075 : vector<16xi1>, vector<16xf32>
    %add3A_2085 = arith.addf %add3A_2045, %select_n3A_2084 : vector<16xf32>
    %add3A_2086 = arith.constant 16 : i32
    %add3A_2087 = arith.addi %mul3A_2, %add3A_2086 : i32
    %get3A_2088 = arith.constant 20 : i32
    %get3A_2089 = arith.index_cast %get3A_2088 : i32 to index
    %get3A_2090 = arith.index_cast %add3A_2087 : i32 to index
    %get3A_2091 = tpu.vector_load %arg5[%get3A_2089, %get3A_2090] {strides = array<i32>} : memref<32x1024xi32, #tpu.memory_space<vmem>>, vector<1x16xi32>,
    %get3A_2092 = vector.shape_cast %get3A_2091 : vector<1x16xi32> to vector<16xi32>
    %get3A_2093 = arith.constant 3 : i32
    %get3A_2094 = arith.index_cast %get3A_2093 : i32 to index
    %get3A_2095 = arith.constant 0 : index
    %get3A_2096 = tpu.vector_load %arg6[%get3A_2094, %get3A_2095] {strides = array<i32>} : memref<4x16xf32, #tpu.memory_space<vmem>>, vector<1x16xf32>,
    %get3A_2097 = vector.shape_cast %get3A_2096 : vector<1x16xf32> to vector<16xf32>
    %eq3A_2098 = arith.constant 2 : i32
    %eq3A_2099 = vector.broadcast %eq3A_2098 : i32 to vector<16xi32>
    %eq3A_2100 = arith.cmpi eq, %get3A_2092, %eq3A_2099 : vector<16xi32>
    %get3A_2101 = arith.constant 2 : i32
    %get3A_2102 = arith.index_cast %get3A_2101 : i32 to index
    %get3A_2103 = arith.constant 0 : index
    %get3A_2104 = tpu.vector_load %arg6[%get3A_2102, %get3A_2103] {strides = array<i32>} : memref<4x16xf32, #tpu.memory_space<vmem>>, vector<1x16xf32>,
    %get3A_2105 = vector.shape_cast %get3A_2104 : vector<1x16xf32> to vector<16xf32>
    %select_n3A_2106 = arith.select %eq3A_2100, %get3A_2105, %get3A_2097 : vector<16xi1>, vector<16xf32>
    %eq3A_2107 = arith.constant 1 : i32
    %eq3A_2108 = vector.broadcast %eq3A_2107 : i32 to vector<16xi32>
    %eq3A_2109 = arith.cmpi eq, %get3A_2092, %eq3A_2108 : vector<16xi32>
    %get3A_2110 = arith.constant 1 : i32
    %get3A_2111 = arith.index_cast %get3A_2110 : i32 to index
    %get3A_2112 = arith.constant 0 : index
    %get3A_2113 = tpu.vector_load %arg6[%get3A_2111, %get3A_2112] {strides = array<i32>} : memref<4x16xf32, #tpu.memory_space<vmem>>, vector<1x16xf32>,
    %get3A_2114 = vector.shape_cast %get3A_2113 : vector<1x16xf32> to vector<16xf32>
    %select_n3A_2115 = arith.select %eq3A_2109, %get3A_2114, %select_n3A_2106 : vector<16xi1>, vector<16xf32>
    %eq3A_2116 = arith.constant 0 : i32
    %eq3A_2117 = vector.broadcast %eq3A_2116 : i32 to vector<16xi32>
    %eq3A_2118 = arith.cmpi eq, %get3A_2092, %eq3A_2117 : vector<16xi32>
    %get3A_2119 = arith.constant 0 : i32
    %get3A_2120 = arith.index_cast %get3A_2119 : i32 to index
    %get3A_2121 = arith.constant 0 : index
    %get3A_2122 = tpu.vector_load %arg6[%get3A_2120, %get3A_2121] {strides = array<i32>} : memref<4x16xf32, #tpu.memory_space<vmem>>, vector<1x16xf32>,
    %get3A_2123 = vector.shape_cast %get3A_2122 : vector<1x16xf32> to vector<16xf32>
    %select_n3A_2124 = arith.select %eq3A_2118, %get3A_2123, %select_n3A_2115 : vector<16xi1>, vector<16xf32>
    %add3A_2125 = arith.addf %add3A_2085, %select_n3A_2124 : vector<16xf32>
    %add3A_2126 = arith.constant 16 : i32
    %add3A_2127 = arith.addi %mul3A_2, %add3A_2126 : i32
    %get3A_2128 = arith.constant 21 : i32
    %get3A_2129 = arith.index_cast %get3A_2128 : i32 to index
    %get3A_2130 = arith.index_cast %add3A_2127 : i32 to index
    %get3A_2131 = tpu.vector_load %arg5[%get3A_2129, %get3A_2130] {strides = array<i32>} : memref<32x1024xi32, #tpu.memory_space<vmem>>, vector<1x16xi32>,
    %get3A_2132 = vector.shape_cast %get3A_2131 : vector<1x16xi32> to vector<16xi32>
    %get3A_2133 = arith.constant 3 : i32
    %get3A_2134 = arith.index_cast %get3A_2133 : i32 to index
    %get3A_2135 = arith.constant 0 : index
    %get3A_2136 = tpu.vector_load %arg6[%get3A_2134, %get3A_2135] {strides = array<i32>} : memref<4x16xf32, #tpu.memory_space<vmem>>, vector<1x16xf32>,
    %get3A_2137 = vector.shape_cast %get3A_2136 : vector<1x16xf32> to vector<16xf32>
    %eq3A_2138 = arith.constant 2 : i32
    %eq3A_2139 = vector.broadcast %eq3A_2138 : i32 to vector<16xi32>
    %eq3A_2140 = arith.cmpi eq, %get3A_2132, %eq3A_2139 : vector<16xi32>
    %get3A_2141 = arith.constant 2 : i32
    %get3A_2142 = arith.index_cast %get3A_2141 : i32 to index
    %get3A_2143 = arith.constant 0 : index
    %get3A_2144 = tpu.vector_load %arg6[%get3A_2142, %get3A_2143] {strides = array<i32>} : memref<4x16xf32, #tpu.memory_space<vmem>>, vector<1x16xf32>,
    %get3A_2145 = vector.shape_cast %get3A_2144 : vector<1x16xf32> to vector<16xf32>
    %select_n3A_2146 = arith.select %eq3A_2140, %get3A_2145, %get3A_2137 : vector<16xi1>, vector<16xf32>
    %eq3A_2147 = arith.constant 1 : i32
    %eq3A_2148 = vector.broadcast %eq3A_2147 : i32 to vector<16xi32>
    %eq3A_2149 = arith.cmpi eq, %get3A_2132, %eq3A_2148 : vector<16xi32>
    %get3A_2150 = arith.constant 1 : i32
    %get3A_2151 = arith.index_cast %get3A_2150 : i32 to index
    %get3A_2152 = arith.constant 0 : index
    %get3A_2153 = tpu.vector_load %arg6[%get3A_2151, %get3A_2152] {strides = array<i32>} : memref<4x16xf32, #tpu.memory_space<vmem>>, vector<1x16xf32>,
    %get3A_2154 = vector.shape_cast %get3A_2153 : vector<1x16xf32> to vector<16xf32>
    %select_n3A_2155 = arith.select %eq3A_2149, %get3A_2154, %select_n3A_2146 : vector<16xi1>, vector<16xf32>
    %eq3A_2156 = arith.constant 0 : i32
    %eq3A_2157 = vector.broadcast %eq3A_2156 : i32 to vector<16xi32>
    %eq3A_2158 = arith.cmpi eq, %get3A_2132, %eq3A_2157 : vector<16xi32>
    %get3A_2159 = arith.constant 0 : i32
    %get3A_2160 = arith.index_cast %get3A_2159 : i32 to index
    %get3A_2161 = arith.constant 0 : index
    %get3A_2162 = tpu.vector_load %arg6[%get3A_2160, %get3A_2161] {strides = array<i32>} : memref<4x16xf32, #tpu.memory_space<vmem>>, vector<1x16xf32>,
    %get3A_2163 = vector.shape_cast %get3A_2162 : vector<1x16xf32> to vector<16xf32>
    %select_n3A_2164 = arith.select %eq3A_2158, %get3A_2163, %select_n3A_2155 : vector<16xi1>, vector<16xf32>
    %add3A_2165 = arith.addf %add3A_2125, %select_n3A_2164 : vector<16xf32>
    %add3A_2166 = arith.constant 16 : i32
    %add3A_2167 = arith.addi %mul3A_2, %add3A_2166 : i32
    %get3A_2168 = arith.constant 22 : i32
    %get3A_2169 = arith.index_cast %get3A_2168 : i32 to index
    %get3A_2170 = arith.index_cast %add3A_2167 : i32 to index
    %get3A_2171 = tpu.vector_load %arg5[%get3A_2169, %get3A_2170] {strides = array<i32>} : memref<32x1024xi32, #tpu.memory_space<vmem>>, vector<1x16xi32>,
    %get3A_2172 = vector.shape_cast %get3A_2171 : vector<1x16xi32> to vector<16xi32>
    %get3A_2173 = arith.constant 3 : i32
    %get3A_2174 = arith.index_cast %get3A_2173 : i32 to index
    %get3A_2175 = arith.constant 0 : index
    %get3A_2176 = tpu.vector_load %arg6[%get3A_2174, %get3A_2175] {strides = array<i32>} : memref<4x16xf32, #tpu.memory_space<vmem>>, vector<1x16xf32>,
    %get3A_2177 = vector.shape_cast %get3A_2176 : vector<1x16xf32> to vector<16xf32>
    %eq3A_2178 = arith.constant 2 : i32
    %eq3A_2179 = vector.broadcast %eq3A_2178 : i32 to vector<16xi32>
    %eq3A_2180 = arith.cmpi eq, %get3A_2172, %eq3A_2179 : vector<16xi32>
    %get3A_2181 = arith.constant 2 : i32
    %get3A_2182 = arith.index_cast %get3A_2181 : i32 to index
    %get3A_2183 = arith.constant 0 : index
    %get3A_2184 = tpu.vector_load %arg6[%get3A_2182, %get3A_2183] {strides = array<i32>} : memref<4x16xf32, #tpu.memory_space<vmem>>, vector<1x16xf32>,
    %get3A_2185 = vector.shape_cast %get3A_2184 : vector<1x16xf32> to vector<16xf32>
    %select_n3A_2186 = arith.select %eq3A_2180, %get3A_2185, %get3A_2177 : vector<16xi1>, vector<16xf32>
    %eq3A_2187 = arith.constant 1 : i32
    %eq3A_2188 = vector.broadcast %eq3A_2187 : i32 to vector<16xi32>
    %eq3A_2189 = arith.cmpi eq, %get3A_2172, %eq3A_2188 : vector<16xi32>
    %get3A_2190 = arith.constant 1 : i32
    %get3A_2191 = arith.index_cast %get3A_2190 : i32 to index
    %get3A_2192 = arith.constant 0 : index
    %get3A_2193 = tpu.vector_load %arg6[%get3A_2191, %get3A_2192] {strides = array<i32>} : memref<4x16xf32, #tpu.memory_space<vmem>>, vector<1x16xf32>,
    %get3A_2194 = vector.shape_cast %get3A_2193 : vector<1x16xf32> to vector<16xf32>
    %select_n3A_2195 = arith.select %eq3A_2189, %get3A_2194, %select_n3A_2186 : vector<16xi1>, vector<16xf32>
    %eq3A_2196 = arith.constant 0 : i32
    %eq3A_2197 = vector.broadcast %eq3A_2196 : i32 to vector<16xi32>
    %eq3A_2198 = arith.cmpi eq, %get3A_2172, %eq3A_2197 : vector<16xi32>
    %get3A_2199 = arith.constant 0 : i32
    %get3A_2200 = arith.index_cast %get3A_2199 : i32 to index
    %get3A_2201 = arith.constant 0 : index
    %get3A_2202 = tpu.vector_load %arg6[%get3A_2200, %get3A_2201] {strides = array<i32>} : memref<4x16xf32, #tpu.memory_space<vmem>>, vector<1x16xf32>,
    %get3A_2203 = vector.shape_cast %get3A_2202 : vector<1x16xf32> to vector<16xf32>
    %select_n3A_2204 = arith.select %eq3A_2198, %get3A_2203, %select_n3A_2195 : vector<16xi1>, vector<16xf32>
    %add3A_2205 = arith.addf %add3A_2165, %select_n3A_2204 : vector<16xf32>
    %add3A_2206 = arith.constant 16 : i32
    %add3A_2207 = arith.addi %mul3A_2, %add3A_2206 : i32
    %get3A_2208 = arith.constant 23 : i32
    %get3A_2209 = arith.index_cast %get3A_2208 : i32 to index
    %get3A_2210 = arith.index_cast %add3A_2207 : i32 to index
    %get3A_2211 = tpu.vector_load %arg5[%get3A_2209, %get3A_2210] {strides = array<i32>} : memref<32x1024xi32, #tpu.memory_space<vmem>>, vector<1x16xi32>,
    %get3A_2212 = vector.shape_cast %get3A_2211 : vector<1x16xi32> to vector<16xi32>
    %get3A_2213 = arith.constant 3 : i32
    %get3A_2214 = arith.index_cast %get3A_2213 : i32 to index
    %get3A_2215 = arith.constant 0 : index
    %get3A_2216 = tpu.vector_load %arg6[%get3A_2214, %get3A_2215] {strides = array<i32>} : memref<4x16xf32, #tpu.memory_space<vmem>>, vector<1x16xf32>,
    %get3A_2217 = vector.shape_cast %get3A_2216 : vector<1x16xf32> to vector<16xf32>
    %eq3A_2218 = arith.constant 2 : i32
    %eq3A_2219 = vector.broadcast %eq3A_2218 : i32 to vector<16xi32>
    %eq3A_2220 = arith.cmpi eq, %get3A_2212, %eq3A_2219 : vector<16xi32>
    %get3A_2221 = arith.constant 2 : i32
    %get3A_2222 = arith.index_cast %get3A_2221 : i32 to index
    %get3A_2223 = arith.constant 0 : index
    %get3A_2224 = tpu.vector_load %arg6[%get3A_2222, %get3A_2223] {strides = array<i32>} : memref<4x16xf32, #tpu.memory_space<vmem>>, vector<1x16xf32>,
    %get3A_2225 = vector.shape_cast %get3A_2224 : vector<1x16xf32> to vector<16xf32>
    %select_n3A_2226 = arith.select %eq3A_2220, %get3A_2225, %get3A_2217 : vector<16xi1>, vector<16xf32>
    %eq3A_2227 = arith.constant 1 : i32
    %eq3A_2228 = vector.broadcast %eq3A_2227 : i32 to vector<16xi32>
    %eq3A_2229 = arith.cmpi eq, %get3A_2212, %eq3A_2228 : vector<16xi32>
    %get3A_2230 = arith.constant 1 : i32
    %get3A_2231 = arith.index_cast %get3A_2230 : i32 to index
    %get3A_2232 = arith.constant 0 : index
    %get3A_2233 = tpu.vector_load %arg6[%get3A_2231, %get3A_2232] {strides = array<i32>} : memref<4x16xf32, #tpu.memory_space<vmem>>, vector<1x16xf32>,
    %get3A_2234 = vector.shape_cast %get3A_2233 : vector<1x16xf32> to vector<16xf32>
    %select_n3A_2235 = arith.select %eq3A_2229, %get3A_2234, %select_n3A_2226 : vector<16xi1>, vector<16xf32>
    %eq3A_2236 = arith.constant 0 : i32
    %eq3A_2237 = vector.broadcast %eq3A_2236 : i32 to vector<16xi32>
    %eq3A_2238 = arith.cmpi eq, %get3A_2212, %eq3A_2237 : vector<16xi32>
    %get3A_2239 = arith.constant 0 : i32
    %get3A_2240 = arith.index_cast %get3A_2239 : i32 to index
    %get3A_2241 = arith.constant 0 : index
    %get3A_2242 = tpu.vector_load %arg6[%get3A_2240, %get3A_2241] {strides = array<i32>} : memref<4x16xf32, #tpu.memory_space<vmem>>, vector<1x16xf32>,
    %get3A_2243 = vector.shape_cast %get3A_2242 : vector<1x16xf32> to vector<16xf32>
    %select_n3A_2244 = arith.select %eq3A_2238, %get3A_2243, %select_n3A_2235 : vector<16xi1>, vector<16xf32>
    %add3A_2245 = arith.addf %add3A_2205, %select_n3A_2244 : vector<16xf32>
    %add3A_2246 = arith.constant 16 : i32
    %add3A_2247 = arith.addi %mul3A_2, %add3A_2246 : i32
    %get3A_2248 = arith.constant 24 : i32
    %get3A_2249 = arith.index_cast %get3A_2248 : i32 to index
    %get3A_2250 = arith.index_cast %add3A_2247 : i32 to index
    %get3A_2251 = tpu.vector_load %arg5[%get3A_2249, %get3A_2250] {strides = array<i32>} : memref<32x1024xi32, #tpu.memory_space<vmem>>, vector<1x16xi32>,
    %get3A_2252 = vector.shape_cast %get3A_2251 : vector<1x16xi32> to vector<16xi32>
    %get3A_2253 = arith.constant 3 : i32
    %get3A_2254 = arith.index_cast %get3A_2253 : i32 to index
    %get3A_2255 = arith.constant 0 : index
    %get3A_2256 = tpu.vector_load %arg6[%get3A_2254, %get3A_2255] {strides = array<i32>} : memref<4x16xf32, #tpu.memory_space<vmem>>, vector<1x16xf32>,
    %get3A_2257 = vector.shape_cast %get3A_2256 : vector<1x16xf32> to vector<16xf32>
    %eq3A_2258 = arith.constant 2 : i32
    %eq3A_2259 = vector.broadcast %eq3A_2258 : i32 to vector<16xi32>
    %eq3A_2260 = arith.cmpi eq, %get3A_2252, %eq3A_2259 : vector<16xi32>
    %get3A_2261 = arith.constant 2 : i32
    %get3A_2262 = arith.index_cast %get3A_2261 : i32 to index
    %get3A_2263 = arith.constant 0 : index
    %get3A_2264 = tpu.vector_load %arg6[%get3A_2262, %get3A_2263] {strides = array<i32>} : memref<4x16xf32, #tpu.memory_space<vmem>>, vector<1x16xf32>,
    %get3A_2265 = vector.shape_cast %get3A_2264 : vector<1x16xf32> to vector<16xf32>
    %select_n3A_2266 = arith.select %eq3A_2260, %get3A_2265, %get3A_2257 : vector<16xi1>, vector<16xf32>
    %eq3A_2267 = arith.constant 1 : i32
    %eq3A_2268 = vector.broadcast %eq3A_2267 : i32 to vector<16xi32>
    %eq3A_2269 = arith.cmpi eq, %get3A_2252, %eq3A_2268 : vector<16xi32>
    %get3A_2270 = arith.constant 1 : i32
    %get3A_2271 = arith.index_cast %get3A_2270 : i32 to index
    %get3A_2272 = arith.constant 0 : index
    %get3A_2273 = tpu.vector_load %arg6[%get3A_2271, %get3A_2272] {strides = array<i32>} : memref<4x16xf32, #tpu.memory_space<vmem>>, vector<1x16xf32>,
    %get3A_2274 = vector.shape_cast %get3A_2273 : vector<1x16xf32> to vector<16xf32>
    %select_n3A_2275 = arith.select %eq3A_2269, %get3A_2274, %select_n3A_2266 : vector<16xi1>, vector<16xf32>
    %eq3A_2276 = arith.constant 0 : i32
    %eq3A_2277 = vector.broadcast %eq3A_2276 : i32 to vector<16xi32>
    %eq3A_2278 = arith.cmpi eq, %get3A_2252, %eq3A_2277 : vector<16xi32>
    %get3A_2279 = arith.constant 0 : i32
    %get3A_2280 = arith.index_cast %get3A_2279 : i32 to index
    %get3A_2281 = arith.constant 0 : index
    %get3A_2282 = tpu.vector_load %arg6[%get3A_2280, %get3A_2281] {strides = array<i32>} : memref<4x16xf32, #tpu.memory_space<vmem>>, vector<1x16xf32>,
    %get3A_2283 = vector.shape_cast %get3A_2282 : vector<1x16xf32> to vector<16xf32>
    %select_n3A_2284 = arith.select %eq3A_2278, %get3A_2283, %select_n3A_2275 : vector<16xi1>, vector<16xf32>
    %add3A_2285 = arith.addf %add3A_2245, %select_n3A_2284 : vector<16xf32>
    %add3A_2286 = arith.constant 16 : i32
    %add3A_2287 = arith.addi %mul3A_2, %add3A_2286 : i32
    %get3A_2288 = arith.constant 25 : i32
    %get3A_2289 = arith.index_cast %get3A_2288 : i32 to index
    %get3A_2290 = arith.index_cast %add3A_2287 : i32 to index
    %get3A_2291 = tpu.vector_load %arg5[%get3A_2289, %get3A_2290] {strides = array<i32>} : memref<32x1024xi32, #tpu.memory_space<vmem>>, vector<1x16xi32>,
    %get3A_2292 = vector.shape_cast %get3A_2291 : vector<1x16xi32> to vector<16xi32>
    %get3A_2293 = arith.constant 3 : i32
    %get3A_2294 = arith.index_cast %get3A_2293 : i32 to index
    %get3A_2295 = arith.constant 0 : index
    %get3A_2296 = tpu.vector_load %arg6[%get3A_2294, %get3A_2295] {strides = array<i32>} : memref<4x16xf32, #tpu.memory_space<vmem>>, vector<1x16xf32>,
    %get3A_2297 = vector.shape_cast %get3A_2296 : vector<1x16xf32> to vector<16xf32>
    %eq3A_2298 = arith.constant 2 : i32
    %eq3A_2299 = vector.broadcast %eq3A_2298 : i32 to vector<16xi32>
    %eq3A_2300 = arith.cmpi eq, %get3A_2292, %eq3A_2299 : vector<16xi32>
    %get3A_2301 = arith.constant 2 : i32
    %get3A_2302 = arith.index_cast %get3A_2301 : i32 to index
    %get3A_2303 = arith.constant 0 : index
    %get3A_2304 = tpu.vector_load %arg6[%get3A_2302, %get3A_2303] {strides = array<i32>} : memref<4x16xf32, #tpu.memory_space<vmem>>, vector<1x16xf32>,
    %get3A_2305 = vector.shape_cast %get3A_2304 : vector<1x16xf32> to vector<16xf32>
    %select_n3A_2306 = arith.select %eq3A_2300, %get3A_2305, %get3A_2297 : vector<16xi1>, vector<16xf32>
    %eq3A_2307 = arith.constant 1 : i32
    %eq3A_2308 = vector.broadcast %eq3A_2307 : i32 to vector<16xi32>
    %eq3A_2309 = arith.cmpi eq, %get3A_2292, %eq3A_2308 : vector<16xi32>
    %get3A_2310 = arith.constant 1 : i32
    %get3A_2311 = arith.index_cast %get3A_2310 : i32 to index
    %get3A_2312 = arith.constant 0 : index
    %get3A_2313 = tpu.vector_load %arg6[%get3A_2311, %get3A_2312] {strides = array<i32>} : memref<4x16xf32, #tpu.memory_space<vmem>>, vector<1x16xf32>,
    %get3A_2314 = vector.shape_cast %get3A_2313 : vector<1x16xf32> to vector<16xf32>
    %select_n3A_2315 = arith.select %eq3A_2309, %get3A_2314, %select_n3A_2306 : vector<16xi1>, vector<16xf32>
    %eq3A_2316 = arith.constant 0 : i32
    %eq3A_2317 = vector.broadcast %eq3A_2316 : i32 to vector<16xi32>
    %eq3A_2318 = arith.cmpi eq, %get3A_2292, %eq3A_2317 : vector<16xi32>
    %get3A_2319 = arith.constant 0 : i32
    %get3A_2320 = arith.index_cast %get3A_2319 : i32 to index
    %get3A_2321 = arith.constant 0 : index
    %get3A_2322 = tpu.vector_load %arg6[%get3A_2320, %get3A_2321] {strides = array<i32>} : memref<4x16xf32, #tpu.memory_space<vmem>>, vector<1x16xf32>,
    %get3A_2323 = vector.shape_cast %get3A_2322 : vector<1x16xf32> to vector<16xf32>
    %select_n3A_2324 = arith.select %eq3A_2318, %get3A_2323, %select_n3A_2315 : vector<16xi1>, vector<16xf32>
    %add3A_2325 = arith.addf %add3A_2285, %select_n3A_2324 : vector<16xf32>
    %add3A_2326 = arith.constant 16 : i32
    %add3A_2327 = arith.addi %mul3A_2, %add3A_2326 : i32
    %get3A_2328 = arith.constant 26 : i32
    %get3A_2329 = arith.index_cast %get3A_2328 : i32 to index
    %get3A_2330 = arith.index_cast %add3A_2327 : i32 to index
    %get3A_2331 = tpu.vector_load %arg5[%get3A_2329, %get3A_2330] {strides = array<i32>} : memref<32x1024xi32, #tpu.memory_space<vmem>>, vector<1x16xi32>,
    %get3A_2332 = vector.shape_cast %get3A_2331 : vector<1x16xi32> to vector<16xi32>
    %get3A_2333 = arith.constant 3 : i32
    %get3A_2334 = arith.index_cast %get3A_2333 : i32 to index
    %get3A_2335 = arith.constant 0 : index
    %get3A_2336 = tpu.vector_load %arg6[%get3A_2334, %get3A_2335] {strides = array<i32>} : memref<4x16xf32, #tpu.memory_space<vmem>>, vector<1x16xf32>,
    %get3A_2337 = vector.shape_cast %get3A_2336 : vector<1x16xf32> to vector<16xf32>
    %eq3A_2338 = arith.constant 2 : i32
    %eq3A_2339 = vector.broadcast %eq3A_2338 : i32 to vector<16xi32>
    %eq3A_2340 = arith.cmpi eq, %get3A_2332, %eq3A_2339 : vector<16xi32>
    %get3A_2341 = arith.constant 2 : i32
    %get3A_2342 = arith.index_cast %get3A_2341 : i32 to index
    %get3A_2343 = arith.constant 0 : index
    %get3A_2344 = tpu.vector_load %arg6[%get3A_2342, %get3A_2343] {strides = array<i32>} : memref<4x16xf32, #tpu.memory_space<vmem>>, vector<1x16xf32>,
    %get3A_2345 = vector.shape_cast %get3A_2344 : vector<1x16xf32> to vector<16xf32>
    %select_n3A_2346 = arith.select %eq3A_2340, %get3A_2345, %get3A_2337 : vector<16xi1>, vector<16xf32>
    %eq3A_2347 = arith.constant 1 : i32
    %eq3A_2348 = vector.broadcast %eq3A_2347 : i32 to vector<16xi32>
    %eq3A_2349 = arith.cmpi eq, %get3A_2332, %eq3A_2348 : vector<16xi32>
    %get3A_2350 = arith.constant 1 : i32
    %get3A_2351 = arith.index_cast %get3A_2350 : i32 to index
    %get3A_2352 = arith.constant 0 : index
    %get3A_2353 = tpu.vector_load %arg6[%get3A_2351, %get3A_2352] {strides = array<i32>} : memref<4x16xf32, #tpu.memory_space<vmem>>, vector<1x16xf32>,
    %get3A_2354 = vector.shape_cast %get3A_2353 : vector<1x16xf32> to vector<16xf32>
    %select_n3A_2355 = arith.select %eq3A_2349, %get3A_2354, %select_n3A_2346 : vector<16xi1>, vector<16xf32>
    %eq3A_2356 = arith.constant 0 : i32
    %eq3A_2357 = vector.broadcast %eq3A_2356 : i32 to vector<16xi32>
    %eq3A_2358 = arith.cmpi eq, %get3A_2332, %eq3A_2357 : vector<16xi32>
    %get3A_2359 = arith.constant 0 : i32
    %get3A_2360 = arith.index_cast %get3A_2359 : i32 to index
    %get3A_2361 = arith.constant 0 : index
    %get3A_2362 = tpu.vector_load %arg6[%get3A_2360, %get3A_2361] {strides = array<i32>} : memref<4x16xf32, #tpu.memory_space<vmem>>, vector<1x16xf32>,
    %get3A_2363 = vector.shape_cast %get3A_2362 : vector<1x16xf32> to vector<16xf32>
    %select_n3A_2364 = arith.select %eq3A_2358, %get3A_2363, %select_n3A_2355 : vector<16xi1>, vector<16xf32>
    %add3A_2365 = arith.addf %add3A_2325, %select_n3A_2364 : vector<16xf32>
    %add3A_2366 = arith.constant 16 : i32
    %add3A_2367 = arith.addi %mul3A_2, %add3A_2366 : i32
    %get3A_2368 = arith.constant 27 : i32
    %get3A_2369 = arith.index_cast %get3A_2368 : i32 to index
    %get3A_2370 = arith.index_cast %add3A_2367 : i32 to index
    %get3A_2371 = tpu.vector_load %arg5[%get3A_2369, %get3A_2370] {strides = array<i32>} : memref<32x1024xi32, #tpu.memory_space<vmem>>, vector<1x16xi32>,
    %get3A_2372 = vector.shape_cast %get3A_2371 : vector<1x16xi32> to vector<16xi32>
    %get3A_2373 = arith.constant 3 : i32
    %get3A_2374 = arith.index_cast %get3A_2373 : i32 to index
    %get3A_2375 = arith.constant 0 : index
    %get3A_2376 = tpu.vector_load %arg6[%get3A_2374, %get3A_2375] {strides = array<i32>} : memref<4x16xf32, #tpu.memory_space<vmem>>, vector<1x16xf32>,
    %get3A_2377 = vector.shape_cast %get3A_2376 : vector<1x16xf32> to vector<16xf32>
    %eq3A_2378 = arith.constant 2 : i32
    %eq3A_2379 = vector.broadcast %eq3A_2378 : i32 to vector<16xi32>
    %eq3A_2380 = arith.cmpi eq, %get3A_2372, %eq3A_2379 : vector<16xi32>
    %get3A_2381 = arith.constant 2 : i32
    %get3A_2382 = arith.index_cast %get3A_2381 : i32 to index
    %get3A_2383 = arith.constant 0 : index
    %get3A_2384 = tpu.vector_load %arg6[%get3A_2382, %get3A_2383] {strides = array<i32>} : memref<4x16xf32, #tpu.memory_space<vmem>>, vector<1x16xf32>,
    %get3A_2385 = vector.shape_cast %get3A_2384 : vector<1x16xf32> to vector<16xf32>
    %select_n3A_2386 = arith.select %eq3A_2380, %get3A_2385, %get3A_2377 : vector<16xi1>, vector<16xf32>
    %eq3A_2387 = arith.constant 1 : i32
    %eq3A_2388 = vector.broadcast %eq3A_2387 : i32 to vector<16xi32>
    %eq3A_2389 = arith.cmpi eq, %get3A_2372, %eq3A_2388 : vector<16xi32>
    %get3A_2390 = arith.constant 1 : i32
    %get3A_2391 = arith.index_cast %get3A_2390 : i32 to index
    %get3A_2392 = arith.constant 0 : index
    %get3A_2393 = tpu.vector_load %arg6[%get3A_2391, %get3A_2392] {strides = array<i32>} : memref<4x16xf32, #tpu.memory_space<vmem>>, vector<1x16xf32>,
    %get3A_2394 = vector.shape_cast %get3A_2393 : vector<1x16xf32> to vector<16xf32>
    %select_n3A_2395 = arith.select %eq3A_2389, %get3A_2394, %select_n3A_2386 : vector<16xi1>, vector<16xf32>
    %eq3A_2396 = arith.constant 0 : i32
    %eq3A_2397 = vector.broadcast %eq3A_2396 : i32 to vector<16xi32>
    %eq3A_2398 = arith.cmpi eq, %get3A_2372, %eq3A_2397 : vector<16xi32>
    %get3A_2399 = arith.constant 0 : i32
    %get3A_2400 = arith.index_cast %get3A_2399 : i32 to index
    %get3A_2401 = arith.constant 0 : index
    %get3A_2402 = tpu.vector_load %arg6[%get3A_2400, %get3A_2401] {strides = array<i32>} : memref<4x16xf32, #tpu.memory_space<vmem>>, vector<1x16xf32>,
    %get3A_2403 = vector.shape_cast %get3A_2402 : vector<1x16xf32> to vector<16xf32>
    %select_n3A_2404 = arith.select %eq3A_2398, %get3A_2403, %select_n3A_2395 : vector<16xi1>, vector<16xf32>
    %add3A_2405 = arith.addf %add3A_2365, %select_n3A_2404 : vector<16xf32>
    %add3A_2406 = arith.constant 16 : i32
    %add3A_2407 = arith.addi %mul3A_2, %add3A_2406 : i32
    %get3A_2408 = arith.constant 28 : i32
    %get3A_2409 = arith.index_cast %get3A_2408 : i32 to index
    %get3A_2410 = arith.index_cast %add3A_2407 : i32 to index
    %get3A_2411 = tpu.vector_load %arg5[%get3A_2409, %get3A_2410] {strides = array<i32>} : memref<32x1024xi32, #tpu.memory_space<vmem>>, vector<1x16xi32>,
    %get3A_2412 = vector.shape_cast %get3A_2411 : vector<1x16xi32> to vector<16xi32>
    %get3A_2413 = arith.constant 3 : i32
    %get3A_2414 = arith.index_cast %get3A_2413 : i32 to index
    %get3A_2415 = arith.constant 0 : index
    %get3A_2416 = tpu.vector_load %arg6[%get3A_2414, %get3A_2415] {strides = array<i32>} : memref<4x16xf32, #tpu.memory_space<vmem>>, vector<1x16xf32>,
    %get3A_2417 = vector.shape_cast %get3A_2416 : vector<1x16xf32> to vector<16xf32>
    %eq3A_2418 = arith.constant 2 : i32
    %eq3A_2419 = vector.broadcast %eq3A_2418 : i32 to vector<16xi32>
    %eq3A_2420 = arith.cmpi eq, %get3A_2412, %eq3A_2419 : vector<16xi32>
    %get3A_2421 = arith.constant 2 : i32
    %get3A_2422 = arith.index_cast %get3A_2421 : i32 to index
    %get3A_2423 = arith.constant 0 : index
    %get3A_2424 = tpu.vector_load %arg6[%get3A_2422, %get3A_2423] {strides = array<i32>} : memref<4x16xf32, #tpu.memory_space<vmem>>, vector<1x16xf32>,
    %get3A_2425 = vector.shape_cast %get3A_2424 : vector<1x16xf32> to vector<16xf32>
    %select_n3A_2426 = arith.select %eq3A_2420, %get3A_2425, %get3A_2417 : vector<16xi1>, vector<16xf32>
    %eq3A_2427 = arith.constant 1 : i32
    %eq3A_2428 = vector.broadcast %eq3A_2427 : i32 to vector<16xi32>
    %eq3A_2429 = arith.cmpi eq, %get3A_2412, %eq3A_2428 : vector<16xi32>
    %get3A_2430 = arith.constant 1 : i32
    %get3A_2431 = arith.index_cast %get3A_2430 : i32 to index
    %get3A_2432 = arith.constant 0 : index
    %get3A_2433 = tpu.vector_load %arg6[%get3A_2431, %get3A_2432] {strides = array<i32>} : memref<4x16xf32, #tpu.memory_space<vmem>>, vector<1x16xf32>,
    %get3A_2434 = vector.shape_cast %get3A_2433 : vector<1x16xf32> to vector<16xf32>
    %select_n3A_2435 = arith.select %eq3A_2429, %get3A_2434, %select_n3A_2426 : vector<16xi1>, vector<16xf32>
    %eq3A_2436 = arith.constant 0 : i32
    %eq3A_2437 = vector.broadcast %eq3A_2436 : i32 to vector<16xi32>
    %eq3A_2438 = arith.cmpi eq, %get3A_2412, %eq3A_2437 : vector<16xi32>
    %get3A_2439 = arith.constant 0 : i32
    %get3A_2440 = arith.index_cast %get3A_2439 : i32 to index
    %get3A_2441 = arith.constant 0 : index
    %get3A_2442 = tpu.vector_load %arg6[%get3A_2440, %get3A_2441] {strides = array<i32>} : memref<4x16xf32, #tpu.memory_space<vmem>>, vector<1x16xf32>,
    %get3A_2443 = vector.shape_cast %get3A_2442 : vector<1x16xf32> to vector<16xf32>
    %select_n3A_2444 = arith.select %eq3A_2438, %get3A_2443, %select_n3A_2435 : vector<16xi1>, vector<16xf32>
    %add3A_2445 = arith.addf %add3A_2405, %select_n3A_2444 : vector<16xf32>
    %add3A_2446 = arith.constant 16 : i32
    %add3A_2447 = arith.addi %mul3A_2, %add3A_2446 : i32
    %get3A_2448 = arith.constant 29 : i32
    %get3A_2449 = arith.index_cast %get3A_2448 : i32 to index
    %get3A_2450 = arith.index_cast %add3A_2447 : i32 to index
    %get3A_2451 = tpu.vector_load %arg5[%get3A_2449, %get3A_2450] {strides = array<i32>} : memref<32x1024xi32, #tpu.memory_space<vmem>>, vector<1x16xi32>,
    %get3A_2452 = vector.shape_cast %get3A_2451 : vector<1x16xi32> to vector<16xi32>
    %get3A_2453 = arith.constant 3 : i32
    %get3A_2454 = arith.index_cast %get3A_2453 : i32 to index
    %get3A_2455 = arith.constant 0 : index
    %get3A_2456 = tpu.vector_load %arg6[%get3A_2454, %get3A_2455] {strides = array<i32>} : memref<4x16xf32, #tpu.memory_space<vmem>>, vector<1x16xf32>,
    %get3A_2457 = vector.shape_cast %get3A_2456 : vector<1x16xf32> to vector<16xf32>
    %eq3A_2458 = arith.constant 2 : i32
    %eq3A_2459 = vector.broadcast %eq3A_2458 : i32 to vector<16xi32>
    %eq3A_2460 = arith.cmpi eq, %get3A_2452, %eq3A_2459 : vector<16xi32>
    %get3A_2461 = arith.constant 2 : i32
    %get3A_2462 = arith.index_cast %get3A_2461 : i32 to index
    %get3A_2463 = arith.constant 0 : index
    %get3A_2464 = tpu.vector_load %arg6[%get3A_2462, %get3A_2463] {strides = array<i32>} : memref<4x16xf32, #tpu.memory_space<vmem>>, vector<1x16xf32>,
    %get3A_2465 = vector.shape_cast %get3A_2464 : vector<1x16xf32> to vector<16xf32>
    %select_n3A_2466 = arith.select %eq3A_2460, %get3A_2465, %get3A_2457 : vector<16xi1>, vector<16xf32>
    %eq3A_2467 = arith.constant 1 : i32
    %eq3A_2468 = vector.broadcast %eq3A_2467 : i32 to vector<16xi32>
    %eq3A_2469 = arith.cmpi eq, %get3A_2452, %eq3A_2468 : vector<16xi32>
    %get3A_2470 = arith.constant 1 : i32
    %get3A_2471 = arith.index_cast %get3A_2470 : i32 to index
    %get3A_2472 = arith.constant 0 : index
    %get3A_2473 = tpu.vector_load %arg6[%get3A_2471, %get3A_2472] {strides = array<i32>} : memref<4x16xf32, #tpu.memory_space<vmem>>, vector<1x16xf32>,
    %get3A_2474 = vector.shape_cast %get3A_2473 : vector<1x16xf32> to vector<16xf32>
    %select_n3A_2475 = arith.select %eq3A_2469, %get3A_2474, %select_n3A_2466 : vector<16xi1>, vector<16xf32>
    %eq3A_2476 = arith.constant 0 : i32
    %eq3A_2477 = vector.broadcast %eq3A_2476 : i32 to vector<16xi32>
    %eq3A_2478 = arith.cmpi eq, %get3A_2452, %eq3A_2477 : vector<16xi32>
    %get3A_2479 = arith.constant 0 : i32
    %get3A_2480 = arith.index_cast %get3A_2479 : i32 to index
    %get3A_2481 = arith.constant 0 : index
    %get3A_2482 = tpu.vector_load %arg6[%get3A_2480, %get3A_2481] {strides = array<i32>} : memref<4x16xf32, #tpu.memory_space<vmem>>, vector<1x16xf32>,
    %get3A_2483 = vector.shape_cast %get3A_2482 : vector<1x16xf32> to vector<16xf32>
    %select_n3A_2484 = arith.select %eq3A_2478, %get3A_2483, %select_n3A_2475 : vector<16xi1>, vector<16xf32>
    %add3A_2485 = arith.addf %add3A_2445, %select_n3A_2484 : vector<16xf32>
    %add3A_2486 = arith.constant 16 : i32
    %add3A_2487 = arith.addi %mul3A_2, %add3A_2486 : i32
    %get3A_2488 = arith.constant 30 : i32
    %get3A_2489 = arith.index_cast %get3A_2488 : i32 to index
    %get3A_2490 = arith.index_cast %add3A_2487 : i32 to index
    %get3A_2491 = tpu.vector_load %arg5[%get3A_2489, %get3A_2490] {strides = array<i32>} : memref<32x1024xi32, #tpu.memory_space<vmem>>, vector<1x16xi32>,
    %get3A_2492 = vector.shape_cast %get3A_2491 : vector<1x16xi32> to vector<16xi32>
    %get3A_2493 = arith.constant 3 : i32
    %get3A_2494 = arith.index_cast %get3A_2493 : i32 to index
    %get3A_2495 = arith.constant 0 : index
    %get3A_2496 = tpu.vector_load %arg6[%get3A_2494, %get3A_2495] {strides = array<i32>} : memref<4x16xf32, #tpu.memory_space<vmem>>, vector<1x16xf32>,
    %get3A_2497 = vector.shape_cast %get3A_2496 : vector<1x16xf32> to vector<16xf32>
    %eq3A_2498 = arith.constant 2 : i32
    %eq3A_2499 = vector.broadcast %eq3A_2498 : i32 to vector<16xi32>
    %eq3A_2500 = arith.cmpi eq, %get3A_2492, %eq3A_2499 : vector<16xi32>
    %get3A_2501 = arith.constant 2 : i32
    %get3A_2502 = arith.index_cast %get3A_2501 : i32 to index
    %get3A_2503 = arith.constant 0 : index
    %get3A_2504 = tpu.vector_load %arg6[%get3A_2502, %get3A_2503] {strides = array<i32>} : memref<4x16xf32, #tpu.memory_space<vmem>>, vector<1x16xf32>,
    %get3A_2505 = vector.shape_cast %get3A_2504 : vector<1x16xf32> to vector<16xf32>
    %select_n3A_2506 = arith.select %eq3A_2500, %get3A_2505, %get3A_2497 : vector<16xi1>, vector<16xf32>
    %eq3A_2507 = arith.constant 1 : i32
    %eq3A_2508 = vector.broadcast %eq3A_2507 : i32 to vector<16xi32>
    %eq3A_2509 = arith.cmpi eq, %get3A_2492, %eq3A_2508 : vector<16xi32>
    %get3A_2510 = arith.constant 1 : i32
    %get3A_2511 = arith.index_cast %get3A_2510 : i32 to index
    %get3A_2512 = arith.constant 0 : index
    %get3A_2513 = tpu.vector_load %arg6[%get3A_2511, %get3A_2512] {strides = array<i32>} : memref<4x16xf32, #tpu.memory_space<vmem>>, vector<1x16xf32>,
    %get3A_2514 = vector.shape_cast %get3A_2513 : vector<1x16xf32> to vector<16xf32>
    %select_n3A_2515 = arith.select %eq3A_2509, %get3A_2514, %select_n3A_2506 : vector<16xi1>, vector<16xf32>
    %eq3A_2516 = arith.constant 0 : i32
    %eq3A_2517 = vector.broadcast %eq3A_2516 : i32 to vector<16xi32>
    %eq3A_2518 = arith.cmpi eq, %get3A_2492, %eq3A_2517 : vector<16xi32>
    %get3A_2519 = arith.constant 0 : i32
    %get3A_2520 = arith.index_cast %get3A_2519 : i32 to index
    %get3A_2521 = arith.constant 0 : index
    %get3A_2522 = tpu.vector_load %arg6[%get3A_2520, %get3A_2521] {strides = array<i32>} : memref<4x16xf32, #tpu.memory_space<vmem>>, vector<1x16xf32>,
    %get3A_2523 = vector.shape_cast %get3A_2522 : vector<1x16xf32> to vector<16xf32>
    %select_n3A_2524 = arith.select %eq3A_2518, %get3A_2523, %select_n3A_2515 : vector<16xi1>, vector<16xf32>
    %add3A_2525 = arith.addf %add3A_2485, %select_n3A_2524 : vector<16xf32>
    %add3A_2526 = arith.constant 16 : i32
    %add3A_2527 = arith.addi %mul3A_2, %add3A_2526 : i32
    %get3A_2528 = arith.constant 31 : i32
    %get3A_2529 = arith.index_cast %get3A_2528 : i32 to index
    %get3A_2530 = arith.index_cast %add3A_2527 : i32 to index
    %get3A_2531 = tpu.vector_load %arg5[%get3A_2529, %get3A_2530] {strides = array<i32>} : memref<32x1024xi32, #tpu.memory_space<vmem>>, vector<1x16xi32>,
    %get3A_2532 = vector.shape_cast %get3A_2531 : vector<1x16xi32> to vector<16xi32>
    %get3A_2533 = arith.constant 3 : i32
    %get3A_2534 = arith.index_cast %get3A_2533 : i32 to index
    %get3A_2535 = arith.constant 0 : index
    %get3A_2536 = tpu.vector_load %arg6[%get3A_2534, %get3A_2535] {strides = array<i32>} : memref<4x16xf32, #tpu.memory_space<vmem>>, vector<1x16xf32>,
    %get3A_2537 = vector.shape_cast %get3A_2536 : vector<1x16xf32> to vector<16xf32>
    %eq3A_2538 = arith.constant 2 : i32
    %eq3A_2539 = vector.broadcast %eq3A_2538 : i32 to vector<16xi32>
    %eq3A_2540 = arith.cmpi eq, %get3A_2532, %eq3A_2539 : vector<16xi32>
    %get3A_2541 = arith.constant 2 : i32
    %get3A_2542 = arith.index_cast %get3A_2541 : i32 to index
    %get3A_2543 = arith.constant 0 : index
    %get3A_2544 = tpu.vector_load %arg6[%get3A_2542, %get3A_2543] {strides = array<i32>} : memref<4x16xf32, #tpu.memory_space<vmem>>, vector<1x16xf32>,
    %get3A_2545 = vector.shape_cast %get3A_2544 : vector<1x16xf32> to vector<16xf32>
    %select_n3A_2546 = arith.select %eq3A_2540, %get3A_2545, %get3A_2537 : vector<16xi1>, vector<16xf32>
    %eq3A_2547 = arith.constant 1 : i32
    %eq3A_2548 = vector.broadcast %eq3A_2547 : i32 to vector<16xi32>
    %eq3A_2549 = arith.cmpi eq, %get3A_2532, %eq3A_2548 : vector<16xi32>
    %get3A_2550 = arith.constant 1 : i32
    %get3A_2551 = arith.index_cast %get3A_2550 : i32 to index
    %get3A_2552 = arith.constant 0 : index
    %get3A_2553 = tpu.vector_load %arg6[%get3A_2551, %get3A_2552] {strides = array<i32>} : memref<4x16xf32, #tpu.memory_space<vmem>>, vector<1x16xf32>,
    %get3A_2554 = vector.shape_cast %get3A_2553 : vector<1x16xf32> to vector<16xf32>
    %select_n3A_2555 = arith.select %eq3A_2549, %get3A_2554, %select_n3A_2546 : vector<16xi1>, vector<16xf32>
    %eq3A_2556 = arith.constant 0 : i32
    %eq3A_2557 = vector.broadcast %eq3A_2556 : i32 to vector<16xi32>
    %eq3A_2558 = arith.cmpi eq, %get3A_2532, %eq3A_2557 : vector<16xi32>
    %get3A_2559 = arith.constant 0 : i32
    %get3A_2560 = arith.index_cast %get3A_2559 : i32 to index
    %get3A_2561 = arith.constant 0 : index
    %get3A_2562 = tpu.vector_load %arg6[%get3A_2560, %get3A_2561] {strides = array<i32>} : memref<4x16xf32, #tpu.memory_space<vmem>>, vector<1x16xf32>,
    %get3A_2563 = vector.shape_cast %get3A_2562 : vector<1x16xf32> to vector<16xf32>
    %select_n3A_2564 = arith.select %eq3A_2558, %get3A_2563, %select_n3A_2555 : vector<16xi1>, vector<16xf32>
    %add3A_2565 = arith.addf %add3A_2525, %select_n3A_2564 : vector<16xf32>
    %swap3A_2566 = arith.constant 16 : index
    %swap3A_2567 = tpu.vector_load %arg7[%swap3A_2566] {strides = array<i32>} : memref<32xf32, #tpu.memory_space<vmem>>, vector<16xf32>,
    %swap3A_2568 = vector.shape_cast %swap3A_2567 : vector<16xf32> to vector<16xf32>
    %swap3A_2569 = vector.shape_cast %add3A_2565 : vector<16xf32> to vector<16xf32>
    tpu.vector_store %arg7[%swap3A_2566], %swap3A_2569 {strides = array<i32>} : memref<32xf32, #tpu.memory_space<vmem>>, vector<16xf32>,
    "tpu.region"() ({
      %run_scoped3A = tpu.sem_alloc : memref<!tpu.dma_semaphore, #tpu.memory_space<semaphore_mem>>
      %dma_start3A = tpu.memref_slice %arg4[%mul3A_2] : memref<1024xf32, #tpu.memory_space<hbm>> -> memref<32xf32, #tpu.memory_space<hbm>>
      %dma_start3A_2570 = tpu.memref_slice %arg4[%mul3A_2] : memref<1024xf32, #tpu.memory_space<hbm>> -> memref<32xf32, #tpu.memory_space<hbm>>
      tpu.enqueue_dma source(%arg7 : memref<32xf32, #tpu.memory_space<vmem>>) target(%dma_start3A_2570 : memref<32xf32, #tpu.memory_space<hbm>>) target_semaphore(%run_scoped3A : memref<!tpu.dma_semaphore, #tpu.memory_space<semaphore_mem>>)
      %dma_wait3A = tpu.memref_slice %arg4[%mul3A_2] : memref<1024xf32, #tpu.memory_space<hbm>> -> memref<32xf32, #tpu.memory_space<hbm>>
      %dma_wait3A_2571 = tpu.memref_slice %arg4[%mul3A_2] : memref<1024xf32, #tpu.memory_space<hbm>> -> memref<32xf32, #tpu.memory_space<hbm>>
      tpu.wait_dma2 semaphore(%run_scoped3A : memref<!tpu.dma_semaphore, #tpu.memory_space<semaphore_mem>>) src(%arg7 : memref<32xf32, #tpu.memory_space<vmem>>) dst(%dma_wait3A_2571 : memref<32xf32, #tpu.memory_space<hbm>>)
      tpu.yield
    }) : () -> ()
    return
  }
}

module attributes {stable_mosaic.version = 14 : i64} {
  func.func @_ll_kernel(%arg0: i32, %arg1: memref<2x1x1024xi32, #tpu.memory_space<vmem>>, %arg2: memref<2x1280x1024xf32, #tpu.memory_space<vmem>>, %arg3: memref<4x1280xf32, #tpu.memory_space<vmem>>, %arg4: memref<1x1024xf32, #tpu.memory_space<vmem>>) attributes {dimension_semantics = [#tpu.dimension_semantics<arbitrary>], iteration_bounds = array<i64: 16>, scalar_prefetch = 0 : i64, scratch_operands = 0 : i64, tpu.core_type = #tpu.core_type<tc>, window_params = [{transform_indices = @transform_0, window_bounds = array<i64: 2, 1, 1024>}, {transform_indices = @transform_1, window_bounds = array<i64: 2, 1280, 1024>}, {pipeline_mode = #tpu.pipeline_mode<synchronous>, transform_indices = @transform_2, window_bounds = array<i64: 4, 1280>}, {pipeline_mode = #tpu.pipeline_mode<synchronous>, transform_indices = @transform_3, window_bounds = array<i64: 1, 1024>}]} {
    %eq3A = arith.constant 0 : i32
    %eq3A_0 = arith.cmpi eq, %arg0, %eq3A : i32
    %convert_element_type3A = arith.extui %eq3A_0 : i1 to i32
    %cond3A = arith.constant 0 : i32
    %cond3A_1 = arith.cmpi ne, %convert_element_type3A, %cond3A : i32
    scf.if %cond3A_1 {
      %broadcast_in_dim3A_59 = arith.constant 0.000000e+00 : f32
      %broadcast_in_dim3A_60 = vector.broadcast %broadcast_in_dim3A_59 : f32 to vector<1x1024xf32>
      %swap3A_61 = arith.constant 0 : index
      %swap3A_62 = arith.constant 0 : index
      %swap3A_63 = vector.load %arg4[%swap3A_61, %swap3A_62] : memref<1x1024xf32, #tpu.memory_space<vmem>>, vector<1x1024xf32>
      tpu.vector_store %arg4[%swap3A_61, %swap3A_62], %broadcast_in_dim3A_60 {strides = array<i32>} : memref<1x1024xf32, #tpu.memory_space<vmem>>, vector<1x1024xf32>,
    } else {
    }
    %broadcast_in_dim3A = arith.constant 0.000000e+00 : f32
    %broadcast_in_dim3A_2 = vector.broadcast %broadcast_in_dim3A : f32 to vector<1x1024xf32>
    %get3A = arith.constant 0 : index
    %get3A_3 = arith.constant 0 : index
    %get3A_4 = arith.constant 0 : index
    %get3A_5 = vector.load %arg2[%get3A, %get3A_3, %get3A_4] : memref<2x1280x1024xf32, #tpu.memory_space<vmem>>, vector<1x1280x1024xf32>
    %get3A_6 = vector.shape_cast %get3A_5 : vector<1x1280x1024xf32> to vector<1280x1024xf32>
    %get3A_7 = arith.constant 0 : index
    %get3A_8 = arith.constant 0 : index
    %get3A_9 = vector.load %arg3[%get3A_7, %get3A_8] : memref<4x1280xf32, #tpu.memory_space<vmem>>, vector<4x1280xf32>
    %dot_general3A = arith.constant dense<0.000000e+00> : vector<4x1024xf32>
    %dot_general3A_10 = tpu.matmul %get3A_9, %get3A_6, %dot_general3A {dimension_numbers = #tpu.dot_dimension_numbers<[1], [0], [0], [1], [0, 0, 1, 1], [], []>, transpose_lhs_hint = false} : vector<4x1280xf32>, vector<1280x1024xf32>, vector<4x1024xf32> -> vector<4x1024xf32>
    %get3A_11 = arith.constant 0 : index
    %get3A_12 = arith.constant 0 : index
    %get3A_13 = arith.constant 0 : index
    %get3A_14 = vector.load %arg1[%get3A_11, %get3A_12, %get3A_13] : memref<2x1x1024xi32, #tpu.memory_space<vmem>>, vector<1x1x1024xi32>
    %get3A_15 = vector.shape_cast %get3A_14 : vector<1x1x1024xi32> to vector<1x1024xi32>
    %iota3A = tpu.iota {dimensions = array<i32: 0>} : vector<4x1024xi32>
    %eq3A_16 = vector.broadcast %get3A_15 : vector<1x1024xi32> to vector<4x1024xi32>
    %eq3A_17 = arith.cmpi eq, %eq3A_16, %iota3A : vector<4x1024xi32>
    %convert_element_type3A_18 = arith.extui %eq3A_17 : vector<4x1024xi1> to vector<4x1024xi32>
    %convert_element_type3A_19 = arith.sitofp %convert_element_type3A_18 : vector<4x1024xi32> to vector<4x1024xf32>
    %mul3A = arith.constant 1.250000e-01 : f32
    %mul3A_20 = vector.broadcast %mul3A : f32 to vector<4x1024xf32>
    %mul3A_21 = arith.mulf %dot_general3A_10, %mul3A_20 : vector<4x1024xf32>
    %mul3A_22 = arith.mulf %convert_element_type3A_19, %mul3A_21 : vector<4x1024xf32>
    %reduce_sum3A = arith.constant dense<0.000000e+00> : vector<1024xf32>
    %reduce_sum3A_23 = vector.multi_reduction <add>, %mul3A_22, %reduce_sum3A [0] : vector<4x1024xf32> to vector<1024xf32>
    %broadcast_in_dim3A_24 = vector.shape_cast %reduce_sum3A_23 : vector<1024xf32> to vector<1x1024xf32>
    %add3A = arith.addf %broadcast_in_dim3A_2, %broadcast_in_dim3A_24 : vector<1x1024xf32>
    %get3A_25 = arith.constant 1 : index
    %get3A_26 = arith.constant 0 : index
    %get3A_27 = arith.constant 0 : index
    %get3A_28 = vector.load %arg2[%get3A_25, %get3A_26, %get3A_27] : memref<2x1280x1024xf32, #tpu.memory_space<vmem>>, vector<1x1280x1024xf32>
    %get3A_29 = vector.shape_cast %get3A_28 : vector<1x1280x1024xf32> to vector<1280x1024xf32>
    %get3A_30 = arith.constant 0 : index
    %get3A_31 = arith.constant 0 : index
    %get3A_32 = vector.load %arg3[%get3A_30, %get3A_31] : memref<4x1280xf32, #tpu.memory_space<vmem>>, vector<4x1280xf32>
    %dot_general3A_33 = arith.constant dense<0.000000e+00> : vector<4x1024xf32>
    %dot_general3A_34 = tpu.matmul %get3A_32, %get3A_29, %dot_general3A_33 {dimension_numbers = #tpu.dot_dimension_numbers<[1], [0], [0], [1], [0, 0, 1, 1], [], []>, transpose_lhs_hint = false} : vector<4x1280xf32>, vector<1280x1024xf32>, vector<4x1024xf32> -> vector<4x1024xf32>
    %get3A_35 = arith.constant 1 : index
    %get3A_36 = arith.constant 0 : index
    %get3A_37 = arith.constant 0 : index
    %get3A_38 = vector.load %arg1[%get3A_35, %get3A_36, %get3A_37] : memref<2x1x1024xi32, #tpu.memory_space<vmem>>, vector<1x1x1024xi32>
    %get3A_39 = vector.shape_cast %get3A_38 : vector<1x1x1024xi32> to vector<1x1024xi32>
    %iota3A_40 = tpu.iota {dimensions = array<i32: 0>} : vector<4x1024xi32>
    %eq3A_41 = vector.broadcast %get3A_39 : vector<1x1024xi32> to vector<4x1024xi32>
    %eq3A_42 = arith.cmpi eq, %eq3A_41, %iota3A_40 : vector<4x1024xi32>
    %convert_element_type3A_43 = arith.extui %eq3A_42 : vector<4x1024xi1> to vector<4x1024xi32>
    %convert_element_type3A_44 = arith.sitofp %convert_element_type3A_43 : vector<4x1024xi32> to vector<4x1024xf32>
    %mul3A_45 = arith.constant 1.250000e-01 : f32
    %mul3A_46 = vector.broadcast %mul3A_45 : f32 to vector<4x1024xf32>
    %mul3A_47 = arith.mulf %dot_general3A_34, %mul3A_46 : vector<4x1024xf32>
    %mul3A_48 = arith.mulf %convert_element_type3A_44, %mul3A_47 : vector<4x1024xf32>
    %reduce_sum3A_49 = arith.constant dense<0.000000e+00> : vector<1024xf32>
    %reduce_sum3A_50 = vector.multi_reduction <add>, %mul3A_48, %reduce_sum3A_49 [0] : vector<4x1024xf32> to vector<1024xf32>
    %broadcast_in_dim3A_51 = vector.shape_cast %reduce_sum3A_50 : vector<1024xf32> to vector<1x1024xf32>
    %add3A_52 = arith.addf %add3A, %broadcast_in_dim3A_51 : vector<1x1024xf32>
    %get3A_53 = arith.constant 0 : index
    %get3A_54 = arith.constant 0 : index
    %get3A_55 = vector.load %arg4[%get3A_53, %get3A_54] : memref<1x1024xf32, #tpu.memory_space<vmem>>, vector<1x1024xf32>
    %add3A_56 = arith.addf %get3A_55, %add3A_52 : vector<1x1024xf32>
    %swap3A = arith.constant 0 : index
    %swap3A_57 = arith.constant 0 : index
    %swap3A_58 = vector.load %arg4[%swap3A, %swap3A_57] : memref<1x1024xf32, #tpu.memory_space<vmem>>, vector<1x1024xf32>
    tpu.vector_store %arg4[%swap3A, %swap3A_57], %add3A_56 {strides = array<i32>} : memref<1x1024xf32, #tpu.memory_space<vmem>>, vector<1x1024xf32>,
    return
  }
  func.func @transform_0(%arg0: i32) -> (i32, i32, i32) {
    %c0_i32 = arith.constant 0 : i32
    %c0_i32_0 = arith.constant 0 : i32
    %c0_i32_1 = arith.constant 0 : i32
    return %arg0, %c0_i32, %c0_i32_0 : i32, i32, i32
  }
  func.func @transform_1(%arg0: i32) -> (i32, i32, i32) {
    %c0_i32 = arith.constant 0 : i32
    %c0_i32_0 = arith.constant 0 : i32
    %c0_i32_1 = arith.constant 0 : i32
    return %arg0, %c0_i32, %c0_i32_0 : i32, i32, i32
  }
  func.func @transform_2(%arg0: i32) -> (i32, i32) {
    %c0_i32 = arith.constant 0 : i32
    %c0_i32_0 = arith.constant 0 : i32
    %c0_i32_1 = arith.constant 0 : i32
    return %c0_i32, %c0_i32_0 : i32, i32
  }
  func.func @transform_3(%arg0: i32) -> (i32, i32) {
    %c0_i32 = arith.constant 0 : i32
    %c0_i32_0 = arith.constant 0 : i32
    %c0_i32_1 = arith.constant 0 : i32
    return %c0_i32, %c0_i32_0 : i32, i32
  }
}

</mosaic_0001>

<sc_bundles>
// kernel: kernel.4.cloned.1.call-start
scs
__scs_entry_jumppad:
0x0: {  	(pc) =	sbr.rel $0x88, $3  }
0x1: {  	(tag) =	ssettag $0x0;
	lr =	simm.s32 $0x1  }
0x2: {  	[smem:$0x3F9C] =	sst lr;
	_ =	strace $0xD0000000  }
0x3: {  	_ = 	snop  }
0x4: {  	_ = 	snop  }
0x5: {  	_ = 	snop  }
0x6: {  	_ = 	snop  }
0x7: {  	_ = 	snop  }
__scs_overlays_trampoline_lowered:
0x8: {  	[smem:$0x3FAB] =	sst s0  }
0x9: {  	[smem:$0x3FAC] =	sst s1  }
0xa: {  	[smem:$0x3FAD] =	sst s2  }
0xb: {  	[smem:$0x3FAE] =	sst s3  }
0xc: {  	[smem:$0x3FAF] =	sst s4  }
0xd: {  	[smem:$0x3FB0] =	sst s5  }
0xe: {  	[smem:$0x3FB1] =	sst s6  }
0xf: {  	[smem:$0x3FB2] =	sst s7  }
0x10: {  	[smem:$0x3FB3] =	sst s8  }
0x11: {  	[smem:$0x3FB4] =	sst s9;
	s0 =	simm.s32 @!p0 $0x0  }
0x12: {  	s1 =	sld [smem:$0x3F9A];
	s0 =	simm.s32 @p0 $0x1  }
0x13: {  	[smem:$0x3FB5] =	sst s0;
	s0 =	simm.s32 @!p1 $0x0  }
0x14: {  	s2 =	sld [smem:$0x3F99];
	s0 =	simm.s32 @p1 $0x1  }
0x15: {  	[smem:$0x3FB6] =	sst s0;
	s0 =	simm.s32 @!p2 $0x0  }
0x16: {  	s3 =	sld [smem:$0x3FDB];
	s0 =	simm.s32 @p2 $0x1  }
0x17: {  	s4 =	simm.s32 $0x1BF5;
	[smem:$0x3FB8] =	sst s0  }
0x18: {  	s0 =	sld [smem:$0x3F9B];
	_ =	swait.ge [sflag:s4], $0x0  }
0x19: {  	s7 =	sld [smem:$0x3F9C]  }
0x1a: {  	s8 =	sadd.s32 $0xFFFFE003, lr  }
0x1b: {  	s9 =	sadd.s32 $0xFFFFFEF7, lr;
	s5 =	simm.s32 $0xFFFFFFFF;
	p2 =	slt.u32 s8, $0xFFFFF086  }
0x1c: {  	p1 =	slt.u32 s9, $0xF7A;
	s5 =	simm.s32 @!p2 $0x0  }
0x1d: {  	s5 =	simm.s32 @p1 $0x1;
	p0 =	seq.s32 s7, s2  }
0x1e: {  	s7 =	smul.u32 @!p0 $0xF7A, s2;
	p2 =	seq.s32 @!p0 s5, $0x0  }
0x1f: {  	s9 =	smul.u32 $0xF7A, s1;
	s8 =	simm.s32 @!p0 $0x1BF5;
	p2 =	por !p2, p0  }
0x20: {  	[sflag:s8] =	ssyncset.s32 @!p0 $0xFFFFF086;
	s6 =	sadd.s32 @!p0 s3, s7;
	s7 =	simm.s32 @!p0 $0x108  }
0x21: {  	s3 =	sadd.s32 s3, s9;
	s6 =	sadd.s32 @!p0 $0x88, s6;
	s7 =	simm.s32 @p2 $0x1082  }
0x22: {  	[simem:s7], [sflag:s8] =	dma.local @!p0 [hbm:s6], $0xF7A  }
0x23: {  	s9 =	sor.u32 $0xD0000000, s2;
	s6 =	simm.s32 $0x108;
	_ =	swait.ge @!p0 [sflag:s8], $0x0  }
0x24: {  	s3 =	sadd.s32 $0x88, s3;
	s6 =	simm.s32 @!p1 $0x1082;
	[sflag:s4] =	ssyncset.s32 $0xFFFFF086  }
0x25: {  	[simem:s6], [sflag:s4] =	dma.local [hbm:s3], $0xF7A  }
0x26: {  	[smem:$0x3F9C] =	sst s1;
	(tag) =	ssettag s2;
	_ =	strace s9  }
0x27: {  	s1 =	sld [smem:$0x3FAC]  }
0x28: {  	s2 =	sld [smem:$0x3FAD]  }
0x29: {  	s4 =	sld [smem:$0x3FAF]  }
0x2a: {  	p0 =	seq.s32 s5, $0x0;
	s5 =	sld [smem:$0x3FB0]  }
0x2b: {  	s6 =	sld [smem:$0x3FB1]  }
0x2c: {  	s7 =	sld [smem:$0x3FB2]  }
0x2d: {  	s3 =	simm.s32 $0x108;
	s8 =	sld [smem:$0x3FB3]  }
0x2e: {  	s3 =	simm.s32 @!p0 $0x1082;
	s9 =	sld [smem:$0x3FB4]  }
0x2f: {  	lr =	sadd.s32 s0, s3;
	s0 =	sld [smem:$0x3FAB]  }
0x30: {  	s3 =	sld [smem:$0x3FAE]  }
0x31: {  	[smem:$0x3FB7] =	sst s10  }
0x32: {  	s10 =	sld [smem:$0x3FB5];
	_ =	sdelay $0x3  }
0x33: {  	p0 =	seq.s32 s10, $0x1;
	s10 =	sld [smem:$0x3FB7];
	_ =	sdelay $0x3  }
0x34: {  	[smem:$0x3FB7] =	sst s10  }
0x35: {  	s10 =	sld [smem:$0x3FB6];
	_ =	sdelay $0x3  }
0x36: {  	p1 =	seq.s32 s10, $0x1;
	s10 =	sld [smem:$0x3FB7];
	_ =	sdelay $0x3  }
0x37: {  	[smem:$0x3FB7] =	sst s10  }
0x38: {  	s10 =	sld [smem:$0x3FB8]  }
0x39: {  	_ = 	snop;
	(pc) =	sbr.ind lr, $3  }
0x3a: {  	_ = 	snop  }
0x3b: {  	_ = 	snop  }
0x3c: {  	p2 =	seq.s32 s10, $0x1;
	s10 =	sld [smem:$0x3FB7]  }
0x3d: {  	_ =	shalt  }
0x3e: {  	_ =	shalt  }
0x3f: {  	_ =	shalt  }
0x40: {  	_ =	shalt  }
0x41: {  	_ =	shalt  }
0x42: {  	_ =	shalt  }
0x43: {  	_ =	shalt  }
0x44: {  	_ =	shalt  }
0x45: {  	_ =	shalt  }
0x46: {  	_ =	shalt  }
0x47: {  	_ =	shalt  }
0x48: {  	_ =	shalt  }
0x49: {  	_ =	shalt  }
0x4a: {  	_ =	shalt  }
0x4b: {  	_ =	shalt  }
0x4c: {  	_ =	shalt  }
0x4d: {  	_ =	shalt  }
0x4e: {  	_ =	shalt  }
0x4f: {  	_ =	shalt  }
0x50: {  	_ =	shalt  }
0x51: {  	_ =	shalt  }
0x52: {  	_ =	shalt  }
0x53: {  	_ =	shalt  }
0x54: {  	_ =	shalt  }
0x55: {  	_ =	shalt  }
0x56: {  	_ =	shalt  }
0x57: {  	_ =	shalt  }
0x58: {  	_ =	shalt  }
0x59: {  	_ =	shalt  }
0x5a: {  	_ =	shalt  }
0x5b: {  	_ =	shalt  }
0x5c: {  	_ =	shalt  }
0x5d: {  	_ =	shalt  }
0x5e: {  	_ =	shalt  }
0x5f: {  	_ =	shalt  }
0x60: {  	_ =	shalt  }
0x61: {  	_ =	shalt  }
0x62: {  	_ =	shalt  }
0x63: {  	_ =	shalt  }
0x64: {  	_ =	shalt  }
0x65: {  	_ =	shalt  }
0x66: {  	_ =	shalt  }
0x67: {  	_ =	shalt  }
0x68: {  	_ =	shalt  }
0x69: {  	_ =	shalt  }
0x6a: {  	_ =	shalt  }
0x6b: {  	_ =	shalt  }
0x6c: {  	_ =	shalt  }
0x6d: {  	_ =	shalt  }
0x6e: {  	_ =	shalt  }
0x6f: {  	_ =	shalt  }
0x70: {  	_ =	shalt  }
0x71: {  	_ =	shalt  }
0x72: {  	_ =	shalt  }
0x73: {  	_ =	shalt  }
0x74: {  	_ =	shalt  }
0x75: {  	_ =	shalt  }
0x76: {  	_ =	shalt  }
0x77: {  	_ =	shalt  }
0x78: {  	_ =	shalt  }
0x79: {  	_ =	shalt  }
0x7a: {  	_ =	shalt  }
0x7b: {  	_ =	shalt  }
0x7c: {  	_ =	shalt  }
0x7d: {  	_ =	shalt  }
0x7e: {  	_ =	shalt  }
0x7f: {  	_ =	shalt  }
0x80: {  	_ =	shalt  }
0x81: {  	_ =	shalt  }
0x82: {  	_ =	shalt  }
0x83: {  	_ =	shalt  }
0x84: {  	_ =	shalt  }
0x85: {  	_ =	shalt  }
0x86: {  	_ =	shalt  }
0x87: {  	_ =	shalt  }
.Lfunc_end0:
.L_simem_size_0:
called_computation_lowered:
.L_overlay_start_0:
0x88: {  	s2 =	sld [smem:$0x3FD9]  }
0x89: {  	s3 =	sld [smem:$0x3FFE];
	_ =	sdelay $0x1  }
0x8a: {  	s1 =	srdreg.scid  }
0x8b: {  	s0 =	sand.u32 $0x1, s1  }
0x8c: {  	s15 =	sshll.u32 s0, $0xA;
	s2 =	sadd.s32 s3, s2  }
0x8d: {  	s2 =	sadd.s32 s2, s15  }
0x8e: {  	[smem:$0x3FC3] =	sst s2  }
0x8f: {  	_ = 	snop  }
0x90: {  	s2 =	sld [smem:$0x3FD0];
	_ =	sdelay $0x2  }
0x91: {  	s4 =	simm.s32 $0xA;
	s5 =	simm.s32 $0x10;
	s16 =	sld [smem:$0x3FC9]  }
0x92: {  	[smem:s5], [sflag:s4] =	dma.local [hbm:s2], $0x1  }
0x93: {  	_ =	swait.eq [sflag:s4], $0x1  }
0x94: {  	[sflag:s4] =	ssyncset.done $0x0  }
0x95: {  	s17 =	sld [smem:$0x10];
	[sflag:s4] =	ssyncadd.s32 $0xFFFFFFFF  }
0x96: {  	s18 =	sld [smem:$0x11];
	(tm) =	ssettm $0x1  }
0x97: {  	s19 =	sld [smem:$0x3FFB];
	_ =	sdelay $0x3  }
0x98: {  	_ =	strace s19  }
0x99: {  	s5 =	sld [smem:$0x3FFC];
	_ =	sdelay $0x3  }
0x9a: {  	_ =	strace s5  }
0x9b: {  	s5 =	sld [smem:$0x3FFD];
	_ =	sdelay $0x3  }
0x9c: {  	_ =	strace s5  }
0x9d: {  	_ =	strace $0x8FFFFFFF  }
0x9e: {  	s20 =	sld [smem:$0x3FDB];
	_ =	sdelay $0x1  }
0x9f: {  	s6 =	simm.s32 $_scs_section_size  }
0xa0: {  	s7 =	simm.s32 $_size__tile_overlayer_lowered;
	s8 =	simm.s32 $_tile_overlayer_lowered  }
0xa1: {  	s23 =	simm.s32 $0x1BFF;
	s22 =	sshll.u32 s8, $0x1;
	s5 =	sadd.s32 s6, s20  }
0xa2: {  	s9 =	simm.s32 $0x0;
	s21 =	sshll.u32 s7, $0x1;
	s7 =	sadd.s32 s22, s5  }
0xa3: {  	[timem:s9], [sflag:s23] =	dma.local [hbm:s7], s21  }
0xa4: {  	_ =	swait.ge [sflag:s23], s21  }
0xa5: {  	s6 =	ssub.s32 $0x0, s21;
	[sflag:s23] =	ssyncset.done $0x0  }
0xa6: {  	[sflag:s23] =	ssyncadd.s32 s6;
	_ =	sdelay $0x1  }
0xa7: {  	s24 =	simm.s32 $0x1B8B  }
0xa8: {  	_ =	swait.ge [sflag:s24], $0x1  }
0xa9: {  	[sflag:s24] =	ssyncset.done $0x0  }
0xaa: {  	s25 =	simm.s32 $0x1B8E;
	[sflag:s24] =	ssyncadd.s32 $0xFFFFFFFF  }
0xab: {  	s26 =	simm.s32 $execute0_lowered;
	[smem:$0x3FD2] =	sst s25  }
0xac: {  	s6 =	sshll.u32 s26, $0x1;
	_ =	strace $0x80000046;
	[dreg:$0x1] =	wrdreg $0xFFFFFFFF  }
0xad: {  	s28 =	simm.s32 $_size_execute0_lowered;
	s5 =	sadd.s32 s5, s6;
	[dreg:$0x0] =	wrdreg $0x0  }
0xae: {  	s6 =	sshll.u32 s28, $0x1;
	[dreg:$0x2] =	wrdreg s5  }
0xaf: {  	[dreg:$0x3] =	wrdreg s6  }
0xb0: {  	[dreg:$0x4] =	wrdreg $0xC0  }
0xb1: {  	_ =	task [dreg:s9], $0x5FFFF  }
0xb2: {  	[dreg:$0x1] =	wrdreg $0xFFFFFFFF  }
0xb3: {  	[dreg:$0x0] =	wrdreg $0x60  }
0xb4: {  	[dreg:$0x2] =	wrdreg s16  }
0xb5: {  	[dreg:$0x3] =	wrdreg s17  }
0xb6: {  	[dreg:$0x4] =	wrdreg s18  }
0xb7: {  	[dreg:$0x5] =	wrdreg $0x9  }
0xb8: {  	_ =	task.clear_ibuf [dreg:s9], $0x6FFFF;
	_ =	strace $0x90000046  }
0xb9: {  	s29 =	simm.s32 $0x9;
	_ =	strace $0x80000048  }
0xba: {  	_ =	swait.ge [sflag:s29], $0x1  }
0xbb: {  	[sflag:s29] =	ssyncadd.s32 $0xFFFFFFFF  }
0xbc: {  	_ =	strace $0x90000048  }
0xbd: {  	_ =	sfence  }
0xbe: {  	s30 =	sld [smem:$0x0];
	_ =	sdelay $0x2  }
0xbf: {  	s31 =	sshll.u32 s1, $0xD;
	s1 =	sshrl.u32 s1, $0x2  }
0xc0: {  	s3 =	sand.u32 $0x4000, s31;
	s1 =	sadd.s32 s1, s30  }
0xc1: {  	s0 =	sor.u32 s3, s0;
	s1 =	sshll.u32 s1, $0x11  }
0xc2: {  	s0 =	sor.u32 s1, s0  }
0xc3: {  	s0 =	sadd.s32 $0x8F2B, s0  }
0xc4: {  	[sflag:s0] =	ssyncadd.remote.s32 $0x1  }
0xc5: {  	_ =	sfence.sel $0xFFFF  }
0xc6: {  	[dreg:$0x0] =	wrdreg $0xFFFFFFFF;
	(pc) =	sbr.abs _section_cstart, $3  }
0xc7: {  	[dreg:$0x1] =	wrdreg $0xFFFFFFFF  }
0xc8: {  	_ =	task.clear_ibuf [dreg:s9], $0x2FFFF;
	_ =	strace $0x9FFFFFFF  }
0xc9: {  	(tm) =	ssettm $0x7FFFFFFF  }
tec
execute0_lowered:
.L_overlay_start_1:
0x0: {  	(tag) =	ssettag $0x1  }
0x1: {  	s0 =	rddreg [dreg:$0x0]  }
0x2: {  	s18 =	rddreg [dreg:$0x1];
	s1 =	srdreg.scid  }
0x3: {  	s19 =	stileid.u32;
	[dreg:$0x4] =	wrdreg s0;
	s1 =	sand.u32 $0x1, s1  }
0x4: {  	[dreg:$0x5] =	wrdreg s18;
	s2 =	sshll.u32 s19, $0x6;
	s4 =	sshll.u32 s1, $0x5  }
0x5: {  	[smem:$0x7FA] =	sst s1;
	s26 =	sor.u32 s4, s2;
	s2 =	simm.s32 $0x0  }
0x6: {  	s4 =	sand.u32 $0x60, s26;
	s7 =	sshll.u32 s26, $0x3;
	[smem:$0x7FF] =	sst s2  }
0x7: {  	s6 =	sor.u32 s4, s7;
	_ =	strace $0x80000047  }
0x8: {  	s5 =	sand.u32 $0x1C00, s7;
	s8 =	sor.u32 $0x300, s6;
	s6 =	sor.u32 $0x380, s6  }
0x9: {  	s3 =	sor.u32 $0x2000, s5;
	s10 =	sor.u32 $0x2080, s5;
	[dreg:$0x6] =	wrdreg s8  }
0xa: {  	s28 =	sor.u32 $0x6100, s5;
	[dreg:$0x7] =	wrdreg s6;
	s20 =	sor.u32 s4, s3  }
0xb: {  	s29 =	sor.u32 $0x6180, s5;
	s9 =	sor.u32 s4, s10;
	[dreg:$0x8] =	wrdreg s20  }
0xc: {  	s6 =	sor.u32 $0x2100, s5;
	s1 =	sor.u32 s4, s28;
	[dreg:$0x9] =	wrdreg s9  }
0xd: {  	s8 =	sor.u32 $0x2200, s5;
	s11 =	sor.u32 s4, s6;
	[dreg:$0x1a] =	wrdreg s1  }
0xe: {  	s31 =	sor.u32 $0x6280, s5;
	s13 =	sor.u32 s4, s8;
	[dreg:$0xa] =	wrdreg s11  }
0xf: {  	s9 =	sor.u32 $0x2180, s5;
	s1 =	sor.u32 s4, s31;
	[dreg:$0xc] =	wrdreg s13  }
0x10: {  	s20 =	sor.u32 $0x6080, s5;
	s12 =	sor.u32 s4, s9;
	[dreg:$0x1d] =	wrdreg s1  }
0x11: {  	s13 =	sor.u32 $0x2300, s5;
	s0 =	sor.u32 s4, s20;
	[dreg:$0xb] =	wrdreg s12  }
0x12: {  	s11 =	sor.u32 $0x4000, s5;
	s15 =	sor.u32 s4, s13;
	[dreg:$0x19] =	wrdreg s0  }
0x13: {  	s12 =	sor.u32 $0x2280, s5;
	s17 =	sor.u32 s4, s11;
	[dreg:$0xe] =	wrdreg s15  }
0x14: {  	s14 =	sor.u32 s4, s12;
	[dreg:$0x10] =	wrdreg s17;
	s17 =	sor.u32 $0x4100, s5  }
0x15: {  	s15 =	sor.u32 $0x4200, s5;
	[dreg:$0xd] =	wrdreg s14;
	s19 =	sor.u32 s4, s17  }
0x16: {  	s14 =	sor.u32 $0x2380, s5;
	s22 =	sor.u32 s4, s15;
	[dreg:$0x12] =	wrdreg s19  }
0x17: {  	s16 =	sor.u32 s4, s14;
	[dreg:$0x14] =	wrdreg s22;
	s22 =	sor.u32 $0x4300, s5  }
0x18: {  	[dreg:$0xf] =	wrdreg s16;
	s16 =	sor.u32 $0x4080, s5;
	s24 =	sor.u32 s4, s22  }
0x19: {  	s18 =	sor.u32 s4, s16;
	[dreg:$0x16] =	wrdreg s24;
	s24 =	sor.u32 $0x6000, s5  }
0x1a: {  	[dreg:$0x11] =	wrdreg s18;
	s18 =	sor.u32 $0x4180, s5;
	s30 =	sor.u32 s4, s24  }
0x1b: {  	s21 =	sor.u32 s4, s18;
	[dreg:$0x18] =	wrdreg s30;
	s30 =	sor.u32 $0x6200, s5  }
0x1c: {  	[dreg:$0x13] =	wrdreg s21;
	s21 =	sor.u32 $0x4280, s5;
	s0 =	sor.u32 s4, s30  }
0x1d: {  	s23 =	sor.u32 s4, s21;
	[dreg:$0x1c] =	wrdreg s0;
	s0 =	sor.u32 $0x10, s4  }
0x1e: {  	[dreg:$0x15] =	wrdreg s23;
	s23 =	sor.u32 $0x4380, s5;
	s3 =	sor.u32 s0, s3  }
0x1f: {  	s1 =	sor.u32 $0x6380, s5;
	s25 =	sor.u32 s4, s23;
	[smem:$0x7FB] =	sst s3  }
0x20: {  	s7 =	sor.u32 s7, s0;
	[dreg:$0x17] =	wrdreg s25;
	s25 =	sor.u32 s4, s29  }
0x21: {  	s3 =	sor.u32 s0, s10;
	[dreg:$0x1b] =	wrdreg s25;
	s25 =	sor.u32 $0x6300, s5  }
0x22: {  	s11 =	sor.u32 s0, s11;
	[smem:$0x7FC] =	sst s3;
	s19 =	sor.u32 s4, s25  }
0x23: {  	s15 =	sor.u32 s0, s15;
	[dreg:$0x1e] =	wrdreg s19;
	s19 =	sor.u32 s4, s1  }
0x24: {  	s20 =	sor.u32 s0, s20;
	[dreg:$0x1f] =	wrdreg s19;
	s19 =	sor.u32 $0x300, s7  }
0x25: {  	s10 =	sor.u32 s0, s14;
	s14 =	sor.u32 s0, s18;
	[smem:$0x7F8] =	sst s19  }
0x26: {  	s18 =	sor.u32 s0, s23;
	s23 =	sor.u32 s0, s30;
	s19 =	sld [smem:$0x7FA]  }
0x27: {  	s3 =	sor.u32 s4, s5;
	s25 =	sor.u32 s0, s25;
	s4 =	sor.u32 s0, s5  }
0x28: {  	s5 =	sor.u32 s0, s6;
	s6 =	sor.u32 s0, s9;
	s7 =	sor.u32 $0x380, s7  }
0x29: {  	s9 =	sor.u32 s0, s13;
	[smem:$0x7F9] =	sst s7;
	s7 =	ssub.s32 $0x2, s19  }
0x2a: {  	s13 =	sor.u32 s0, s17;
	s17 =	sor.u32 s0, s22;
	s19 =	sshrl.u32 s7, $0x1  }
0x2b: {  	s22 =	sor.u32 s0, s29;
	s7 =	ssub.s32 s7, s19;
	s19 =	sor.u32 s0, s24  }
0x2c: {  	s24 =	sor.u32 s0, s31;
	s31 =	simm.s32 $0x1;
	[smem:$0x7FD] =	sst s7  }
0x2d: {  	s7 =	sor.u32 s0, s8;
	s8 =	sor.u32 s0, s12;
	s30 =	sld [smem:$0x7FD]  }
0x2e: {  	s12 =	sor.u32 s0, s16;
	s16 =	sor.u32 s0, s21;
	s21 =	sor.u32 s0, s28  }
0x2f: {  	s28 =	sshrl.u32 s26, $0x3;
	s26 =	sor.u32 s0, s1;
	s1 =	rddreg [dreg:$0x2]  }
0x30: {  	s28 =	sadd.s32 s1, s28;
	s1 =	simm.s32 $0x8200;
	s29 =	smax.u32 s30, $0x1  }
.LBB2_1:
0x31: {  	s0 =	rddreg [dreg:$0x5];
	s30 =	simm.s32 $0x8000  }
0x32: {  	[tilespmem:s30], [sflag:$0x1] =	stream.linear.gather [hbm4b:s0+s2], $0x200, $0x38;
	[tilespmem:$0x8280] =	vst v63  }
0x33: {  	_ =	swait.ge [sflag:s31], $0x200  }
0x34: {  	[sflag:s31] =	ssyncset.done $0x0  }
0x35: {  	s30 =	rddreg [dreg:$0x4];
	[sflag:s31] =	ssyncadd.s32 $0xFFFFFE00  }
0x36: {  	[tilespmem:s2], [sflag:$0x1] =	stream.linear.gather [hbm4b:s30+s2], $0x8000, $0x38;
	[tilespmem:$0x8280] =	vst v63  }
0x37: {  	_ =	swait.ge [sflag:s31], $0x8000  }
0x38: {  	[sflag:s31] =	ssyncset.done $0x0  }
0x39: {  	[sflag:s31] =	ssyncadd.s32 $0xFFFF8000  }
0x3a: {  	v4 =	vld [tilespmem:s3+$0x0]  }
0x3b: {  	v2 =	vld [tilespmem:$0x8180]  }
0x3c: {  	v3 =	vld [tilespmem:$0x8100]  }
0x3d: {  	v0 =	vld [tilespmem:$0x8080]  }
0x3e: {  	v5 =	vld [tilespmem:s3+$0x80]  }
0x3f: {  	v6 =	vld [tilespmem:s3+$0x100]  }
0x40: {  	v20 =	vld [tilespmem:s3+$0x180]  }
0x41: {  	v21 =	vld [tilespmem:s3+$0x200]  }
0x42: {  	s0 =	rddreg [dreg:$0x6];
	v23 =	vld [tilespmem:s3+$0x280]  }
0x43: {  	s30 =	rddreg [dreg:$0x7];
	v25 =	vld [tilespmem:s0+$0x0];
	vm0 =	veq.s32 v4, $0x2;
	vm6 =	veq.s32 v4, $0x1;
	vm7 =	veq.s32 v4, $0x0  }
0x44: {  	v27 =	vld [tilespmem:s30+$0x0];
	s0 =	rddreg [dreg:$0x8];
	vm1 =	veq.s32 v5, $0x2;
	vm8 =	veq.s32 v5, $0x1;
	vm9 =	veq.s32 v5, $0x0  }
0x45: {  	s30 =	rddreg [dreg:$0x9];
	v30 =	vld [tilespmem:s0+$0x0];
	vm10 =	veq.s32 v6, $0x2;
	vm11 =	veq.s32 v6, $0x1;
	vm12 =	veq.s32 v6, $0x0  }
0x46: {  	v32 =	vld [tilespmem:s30+$0x0];
	s0 =	rddreg [dreg:$0xa];
	vm13 =	veq.s32 v20, $0x2;
	vm14 =	veq.s32 v20, $0x1;
	vm15 =	veq.s32 v20, $0x0  }
0x47: {  	s30 =	rddreg [dreg:$0xb];
	v35 =	vld [tilespmem:s0+$0x0];
	vm4 =	veq.s32 v21, $0x2;
	vm5 =	veq.s32 v21, $0x1;
	v7 =	vsel vm0, v3, v2  }
0x48: {  	v37 =	vld [tilespmem:s30+$0x0];
	v8 =	vsel vm1, v3, v2;
	v22 =	vsel vm10, v3, v2;
	v9 =	vsel vm13, v3, v2  }
0x49: {  	v1 =	vld [tilespmem:$0x8000];
	v26 =	vsel vm4, v3, v2;
	vm10 =	veq.s32 v25, $0x2;
	vm13 =	veq.s32 v27, $0x2  }
0x4a: {  	vm4 =	veq.s32 v30, $0x2;
	v7 =	vsel vm6, v0, v7;
	v8 =	vsel vm8, v0, v8  }
0x4b: {  	s0 =	rddreg [dreg:$0xc];
	v24 =	vsel vm14, v0, v9;
	vm6 =	veq.s32 v21, $0x0;
	vm8 =	veq.s32 v23, $0x1  }
0x4c: {  	v40 =	vld [tilespmem:s0+$0x0];
	v31 =	vsel vm10, v3, v2;
	v33 =	vsel vm13, v3, v2;
	vm14 =	veq.s32 v27, $0x1  }
0x4d: {  	s30 =	rddreg [dreg:$0xd];
	v36 =	vsel vm4, v3, v2;
	vm10 =	veq.s32 v35, $0x2;
	vm13 =	veq.s32 v37, $0x2  }
0x4e: {  	v42 =	vld [tilespmem:s30+$0x0];
	s0 =	rddreg [dreg:$0xe];
	v7 =	vsel vm7, v1, v7;
	v5 =	vsel vm9, v1, v8;
	v4 =	vsel vm15, v1, v24  }
0x4f: {  	s30 =	rddreg [dreg:$0xf];
	v45 =	vld [tilespmem:s0+$0x0];
	vm7 =	veq.s32 v23, $0x2;
	vm9 =	veq.s32 v23, $0x0;
	v34 =	vsel vm14, v0, v33  }
0x50: {  	v47 =	vld [tilespmem:s30+$0x0];
	vm15 =	veq.s32 v27, $0x0;
	v41 =	vsel vm10, v3, v2;
	v7 =	vadd.f32 $0.0e+00, v7  }
0x51: {  	v43 =	vsel vm13, v3, v2;
	vm14 =	veq.s32 v37, $0x1;
	vm4 =	veq.s32 v40, $0x2  }
0x52: {  	v28 =	vsel vm7, v3, v2;
	v5 =	vadd.f32 v5, v7;
	v7 =	vsel vm11, v0, v22  }
0x53: {  	s0 =	rddreg [dreg:$0x10];
	vm7 =	veq.s32 v32, $0x2;
	v44 =	vsel vm14, v0, v43;
	v7 =	vsel vm12, v1, v7  }
0x54: {  	v50 =	vld [tilespmem:s0+$0x0];
	v46 =	vsel vm4, v3, v2;
	vm10 =	veq.s32 v45, $0x2;
	v5 =	vadd.f32 v7, v5  }
0x55: {  	vm13 =	veq.s32 v47, $0x2;
	vm14 =	veq.s32 v47, $0x1;
	v29 =	vsel vm8, v0, v28  }
0x56: {  	v38 =	vsel vm7, v3, v2;
	v4 =	vadd.f32 v4, v5;
	v5 =	vsel vm5, v0, v26  }
0x57: {  	vm8 =	veq.s32 v32, $0x1;
	vm7 =	veq.s32 v42, $0x2;
	v5 =	vsel vm6, v1, v5  }
0x58: {  	s30 =	rddreg [dreg:$0x11];
	v51 =	vsel vm10, v3, v2;
	v53 =	vsel vm13, v3, v2;
	v4 =	vadd.f32 v5, v4  }
0x59: {  	v52 =	vld [tilespmem:s30+$0x0];
	s0 =	rddreg [dreg:$0x12];
	vm4 =	veq.s32 v50, $0x2;
	vm11 =	veq.s32 v25, $0x1;
	v5 =	vsel vm9, v1, v29  }
0x5a: {  	s30 =	rddreg [dreg:$0x13];
	v55 =	vld [tilespmem:s0+$0x0];
	vm12 =	veq.s32 v25, $0x0;
	v4 =	vadd.f32 v5, v4;
	v5 =	vsel vm11, v0, v31  }
0x5b: {  	v57 =	vld [tilespmem:s30+$0x0];
	v39 =	vsel vm8, v0, v38;
	v48 =	vsel vm7, v3, v2;
	v5 =	vsel vm12, v1, v5  }
0x5c: {  	vm8 =	veq.s32 v42, $0x1;
	v54 =	vsel vm14, v0, v53;
	v4 =	vadd.f32 v5, v4  }
0x5d: {  	v56 =	vsel vm4, v3, v2;
	vm5 =	veq.s32 v30, $0x1;
	v5 =	vsel vm15, v1, v34  }
0x5e: {  	vm6 =	veq.s32 v30, $0x0;
	v4 =	vadd.f32 v5, v4;
	v5 =	vsel vm5, v0, v36  }
0x5f: {  	vm7 =	veq.s32 v52, $0x2;
	vm10 =	veq.s32 v55, $0x2;
	v5 =	vsel vm6, v1, v5  }
0x60: {  	vm13 =	veq.s32 v57, $0x2;
	vm9 =	veq.s32 v32, $0x0;
	v4 =	vadd.f32 v5, v4  }
0x61: {  	s0 =	rddreg [dreg:$0x14];
	vm14 =	veq.s32 v57, $0x1;
	vm11 =	veq.s32 v35, $0x1;
	v5 =	vsel vm9, v1, v39  }
0x62: {  	s30 =	rddreg [dreg:$0x15];
	v60 =	vld [tilespmem:s0+$0x0];
	vm12 =	veq.s32 v35, $0x0;
	v4 =	vadd.f32 v5, v4;
	v5 =	vsel vm11, v0, v41  }
0x63: {  	v62 =	vld [tilespmem:s30+$0x0];
	v49 =	vsel vm8, v0, v48;
	v58 =	vsel vm7, v3, v2;
	v5 =	vsel vm12, v1, v5  }
0x64: {  	vm8 =	veq.s32 v52, $0x1;
	vm15 =	veq.s32 v37, $0x0;
	v4 =	vadd.f32 v5, v4  }
0x65: {  	v61 =	vsel vm10, v3, v2;
	vm5 =	veq.s32 v40, $0x1;
	v5 =	vsel vm15, v1, v44  }
0x66: {  	vm6 =	veq.s32 v40, $0x0;
	v4 =	vadd.f32 v5, v4;
	v5 =	vsel vm5, v0, v46  }
0x67: {  	v63 =	vsel vm13, v3, v2;
	vm4 =	veq.s32 v60, $0x2;
	v5 =	vsel vm6, v1, v5  }
0x68: {  	s0 =	rddreg [dreg:$0x16];
	vm7 =	veq.s32 v62, $0x2;
	vm9 =	veq.s32 v42, $0x0;
	v4 =	vadd.f32 v5, v4  }
0x69: {  	s30 =	rddreg [dreg:$0x17];
	v12 =	vld [tilespmem:s0+$0x0];
	v59 =	vsel vm8, v0, v58;
	vm11 =	veq.s32 v45, $0x1;
	v5 =	vsel vm9, v1, v49  }
0x6a: {  	v14 =	vld [tilespmem:s30+$0x0];
	vm12 =	veq.s32 v45, $0x0;
	v4 =	vadd.f32 v5, v4;
	v5 =	vsel vm11, v0, v51  }
0x6b: {  	v11 =	vsel vm14, v0, v63;
	v13 =	vsel vm4, v3, v2;
	v5 =	vsel vm12, v1, v5  }
0x6c: {  	v15 =	vsel vm7, v3, v2;
	vm15 =	veq.s32 v47, $0x0;
	v4 =	vadd.f32 v5, v4  }
0x6d: {  	vm8 =	veq.s32 v62, $0x1;
	vm5 =	veq.s32 v50, $0x1;
	v5 =	vsel vm15, v1, v54  }
0x6e: {  	s0 =	rddreg [dreg:$0x18];
	vm6 =	veq.s32 v50, $0x0;
	v4 =	vadd.f32 v5, v4;
	v5 =	vsel vm5, v0, v56  }
0x6f: {  	s30 =	rddreg [dreg:$0x19];
	v17 =	vld [tilespmem:s0+$0x0];
	vm10 =	veq.s32 v12, $0x2;
	vm13 =	veq.s32 v14, $0x2;
	v5 =	vsel vm6, v1, v5  }
0x70: {  	v19 =	vld [tilespmem:s30+$0x0];
	vm14 =	veq.s32 v14, $0x1;
	vm9 =	veq.s32 v52, $0x0;
	v4 =	vadd.f32 v5, v4  }
0x71: {  	v16 =	vsel vm8, v0, v15;
	vm11 =	veq.s32 v55, $0x1;
	v5 =	vsel vm9, v1, v59  }
0x72: {  	vm12 =	veq.s32 v55, $0x0;
	v4 =	vadd.f32 v5, v4;
	v5 =	vsel vm11, v0, v61  }
0x73: {  	v18 =	vsel vm10, v3, v2;
	v20 =	vsel vm13, v3, v2;
	v5 =	vsel vm12, v1, v5  }
0x74: {  	vm4 =	veq.s32 v17, $0x2;
	vm15 =	veq.s32 v57, $0x0;
	v4 =	vadd.f32 v5, v4  }
0x75: {  	s30 =	rddreg [dreg:$0x1b];
	vm7 =	veq.s32 v19, $0x2;
	vm5 =	veq.s32 v60, $0x1;
	v5 =	vsel vm15, v1, v11  }
0x76: {  	v24 =	vld [tilespmem:s30+$0x0];
	vm6 =	veq.s32 v60, $0x0;
	v4 =	vadd.f32 v5, v4;
	v5 =	vsel vm5, v0, v13  }
0x77: {  	s0 =	rddreg [dreg:$0x1a];
	vm8 =	veq.s32 v19, $0x1;
	v21 =	vsel vm14, v0, v20;
	v5 =	vsel vm6, v1, v5  }
0x78: {  	v22 =	vld [tilespmem:s0+$0x0];
	v23 =	vsel vm4, v3, v2;
	vm9 =	veq.s32 v62, $0x0;
	v4 =	vadd.f32 v5, v4  }
0x79: {  	v25 =	vsel vm7, v3, v2;
	vm11 =	veq.s32 v12, $0x1;
	v5 =	vsel vm9, v1, v16  }
0x7a: {  	s0 =	rddreg [dreg:$0x1c];
	vm12 =	veq.s32 v12, $0x0;
	v4 =	vadd.f32 v5, v4;
	v5 =	vsel vm11, v0, v18  }
0x7b: {  	v27 =	vld [tilespmem:s0+$0x0];
	vm13 =	veq.s32 v24, $0x2;
	vm14 =	veq.s32 v24, $0x1;
	v5 =	vsel vm12, v1, v5  }
0x7c: {  	v26 =	vsel vm8, v0, v25;
	vm15 =	veq.s32 v14, $0x0;
	v4 =	vadd.f32 v5, v4  }
0x7d: {  	s30 =	rddreg [dreg:$0x1d];
	vm10 =	veq.s32 v22, $0x2;
	vm5 =	veq.s32 v17, $0x1;
	v5 =	vsel vm15, v1, v21  }
0x7e: {  	v29 =	vld [tilespmem:s30+$0x0];
	vm6 =	veq.s32 v17, $0x0;
	v4 =	vadd.f32 v5, v4;
	v5 =	vsel vm5, v0, v23  }
0x7f: {  	s0 =	rddreg [dreg:$0x1e];
	v30 =	vsel vm13, v3, v2;
	v28 =	vsel vm10, v3, v2;
	v5 =	vsel vm6, v1, v5  }
0x80: {  	vm4 =	veq.s32 v27, $0x2;
	v32 =	vld [tilespmem:s0+$0x0];
	vm9 =	veq.s32 v19, $0x0;
	v4 =	vadd.f32 v5, v4  }
0x81: {  	v33 =	vsel vm4, v3, v2;
	vm11 =	veq.s32 v22, $0x1;
	v5 =	vsel vm9, v1, v26  }
0x82: {  	vm12 =	veq.s32 v22, $0x0;
	v4 =	vadd.f32 v5, v4;
	v5 =	vsel vm11, v0, v28  }
0x83: {  	s30 =	rddreg [dreg:$0x1f];
	v31 =	vsel vm14, v0, v30;
	vm7 =	veq.s32 v29, $0x2;
	v5 =	vsel vm12, v1, v5  }
0x84: {  	v34 =	vld [tilespmem:s30+$0x0];
	vm8 =	veq.s32 v29, $0x1;
	vm15 =	veq.s32 v24, $0x0;
	v4 =	vadd.f32 v5, v4  }
0x85: {  	vm10 =	veq.s32 v32, $0x2;
	vm5 =	veq.s32 v27, $0x1;
	v5 =	vsel vm15, v1, v31  }
0x86: {  	vm6 =	veq.s32 v27, $0x0;
	v4 =	vadd.f32 v5, v4;
	v5 =	vsel vm5, v0, v33  }
0x87: {  	v35 =	vsel vm7, v3, v2;
	v37 =	vsel vm10, v3, v2;
	v5 =	vsel vm6, v1, v5  }
0x88: {  	v36 =	vsel vm8, v0, v35;
	vm9 =	veq.s32 v29, $0x0;
	v4 =	vadd.f32 v5, v4  }
0x89: {  	vm13 =	veq.s32 v34, $0x2;
	vm11 =	veq.s32 v32, $0x1;
	v5 =	vsel vm9, v1, v36  }
0x8a: {  	vm12 =	veq.s32 v32, $0x0;
	v4 =	vadd.f32 v5, v4;
	v5 =	vsel vm11, v0, v37  }
0x8b: {  	vm14 =	veq.s32 v34, $0x1;
	v2 =	vsel vm13, v3, v2;
	v5 =	vsel vm12, v1, v5  }
0x8c: {  	vm15 =	veq.s32 v34, $0x0;
	v0 =	vsel vm14, v0, v2;
	v38 =	vadd.f32 v5, v4  }
0x8d: {  	v0 =	vsel vm15, v1, v0  }
0x8e: {  	v3 =	vld [tilespmem:$0x8100];
	v0 =	vadd.f32 v0, v38  }
0x8f: {  	v2 =	vld [tilespmem:$0x8180]  }
0x90: {  	[tilespmem:$0x8200] =	vst v0;
	v0 =	vld [tilespmem:$0x8080]  }
0x91: {  	v39 =	vld [tilespmem:s4+$0x0]  }
0x92: {  	v40 =	vld [tilespmem:s4+$0x80]  }
0x93: {  	v41 =	vld [tilespmem:s4+$0x100]  }
0x94: {  	s0 =	sld [smem:$0x7F8];
	v43 =	vld [tilespmem:s4+$0x180]  }
0x95: {  	s30 =	sld [smem:$0x7F9];
	v45 =	vld [tilespmem:s4+$0x200]  }
0x96: {  	v47 =	vld [tilespmem:s4+$0x280]  }
0x97: {  	v50 =	vld [tilespmem:s0+$0x0];
	vm4 =	veq.s32 v39, $0x2;
	vm5 =	veq.s32 v39, $0x1;
	vm6 =	veq.s32 v39, $0x0  }
0x98: {  	v52 =	vld [tilespmem:s30+$0x0];
	vm7 =	veq.s32 v40, $0x2;
	vm8 =	veq.s32 v40, $0x1;
	vm9 =	veq.s32 v40, $0x0  }
0x99: {  	vm10 =	veq.s32 v41, $0x2;
	vm11 =	veq.s32 v41, $0x1;
	vm12 =	veq.s32 v41, $0x0  }
0x9a: {  	v1 =	vld [tilespmem:$0x8000];
	vm13 =	veq.s32 v43, $0x2;
	vm14 =	veq.s32 v43, $0x1;
	vm15 =	veq.s32 v43, $0x0  }
0x9b: {  	v60 =	vld [tilespmem:s5+$0x0];
	v42 =	vsel vm4, v3, v2;
	v44 =	vsel vm7, v3, v2;
	v46 =	vsel vm10, v3, v2  }
0x9c: {  	s0 =	sld [smem:$0x7FB];
	v62 =	vld [tilespmem:s6+$0x0];
	v48 =	vsel vm13, v3, v2;
	vm4 =	veq.s32 v45, $0x2;
	vm7 =	veq.s32 v47, $0x2  }
0x9d: {  	s30 =	sld [smem:$0x7FC];
	vm10 =	veq.s32 v50, $0x2;
	vm13 =	veq.s32 v52, $0x2;
	v7 =	vsel vm5, v0, v42  }
0x9e: {  	v8 =	vsel vm8, v0, v44;
	v49 =	vsel vm14, v0, v48;
	v51 =	vsel vm4, v3, v2  }
0x9f: {  	v55 =	vld [tilespmem:s0+$0x0];
	vm5 =	veq.s32 v45, $0x1;
	v53 =	vsel vm7, v3, v2;
	vm8 =	veq.s32 v47, $0x1  }
0xa0: {  	v57 =	vld [tilespmem:s30+$0x0];
	v56 =	vsel vm10, v3, v2;
	v58 =	vsel vm13, v3, v2;
	vm14 =	veq.s32 v52, $0x1  }
0xa1: {  	vm10 =	veq.s32 v60, $0x2;
	vm13 =	veq.s32 v62, $0x2;
	v7 =	vsel vm6, v1, v7  }
0xa2: {  	v17 =	vld [tilespmem:s9+$0x0];
	v5 =	vsel vm9, v1, v8;
	v4 =	vsel vm15, v1, v49;
	vm6 =	veq.s32 v45, $0x0  }
0xa3: {  	v19 =	vld [tilespmem:s10+$0x0];
	v54 =	vsel vm8, v0, v53;
	vm9 =	veq.s32 v47, $0x0;
	v59 =	vsel vm14, v0, v58  }
0xa4: {  	v12 =	vld [tilespmem:s7+$0x0];
	vm15 =	veq.s32 v52, $0x0;
	vm4 =	veq.s32 v55, $0x2;
	v7 =	vadd.f32 $0.0e+00, v7  }
0xa5: {  	v14 =	vld [tilespmem:s8+$0x0];
	vm7 =	veq.s32 v57, $0x2;
	vm8 =	veq.s32 v57, $0x1;
	v13 =	vsel vm10, v3, v2  }
0xa6: {  	v15 =	vsel vm13, v3, v2;
	v5 =	vadd.f32 v5, v7;
	v7 =	vsel vm11, v0, v46  }
0xa7: {  	v27 =	vld [tilespmem:s13+$0x0];
	vm14 =	veq.s32 v62, $0x1;
	vm10 =	veq.s32 v17, $0x2;
	v7 =	vsel vm12, v1, v7  }
0xa8: {  	v29 =	vld [tilespmem:s14+$0x0];
	vm13 =	veq.s32 v19, $0x2;
	v61 =	vsel vm4, v3, v2;
	v5 =	vadd.f32 v7, v5  }
0xa9: {  	v63 =	vsel vm7, v3, v2;
	v16 =	vsel vm14, v0, v15;
	vm4 =	veq.s32 v12, $0x2  }
0xaa: {  	vm7 =	veq.s32 v14, $0x2;
	v4 =	vadd.f32 v4, v5;
	v5 =	vsel vm5, v0, v51  }
0xab: {  	v23 =	vsel vm10, v3, v2;
	v25 =	vsel vm13, v3, v2;
	v5 =	vsel vm6, v1, v5  }
0xac: {  	vm14 =	veq.s32 v19, $0x1;
	vm10 =	veq.s32 v27, $0x2;
	v4 =	vadd.f32 v5, v4  }
0xad: {  	v22 =	vld [tilespmem:s11+$0x0];
	vm13 =	veq.s32 v29, $0x2;
	vm11 =	veq.s32 v50, $0x1;
	v5 =	vsel vm9, v1, v54  }
0xae: {  	v24 =	vld [tilespmem:s12+$0x0];
	vm12 =	veq.s32 v50, $0x0;
	v4 =	vadd.f32 v5, v4;
	v5 =	vsel vm11, v0, v56  }
0xaf: {  	v11 =	vsel vm8, v0, v63;
	v18 =	vsel vm4, v3, v2;
	v5 =	vsel vm12, v1, v5  }
0xb0: {  	v20 =	vsel vm7, v3, v2;
	vm8 =	veq.s32 v14, $0x1;
	v4 =	vadd.f32 v5, v4  }
0xb1: {  	v26 =	vsel vm14, v0, v25;
	vm5 =	veq.s32 v55, $0x1;
	v5 =	vsel vm15, v1, v59  }
0xb2: {  	v37 =	vld [tilespmem:s17+$0x0];
	vm6 =	veq.s32 v55, $0x0;
	v4 =	vadd.f32 v5, v4;
	v5 =	vsel vm5, v0, v61  }
0xb3: {  	v39 =	vld [tilespmem:s18+$0x0];
	vm4 =	veq.s32 v22, $0x2;
	vm7 =	veq.s32 v24, $0x2;
	v5 =	vsel vm6, v1, v5  }
0xb4: {  	v33 =	vsel vm10, v3, v2;
	vm9 =	veq.s32 v57, $0x0;
	v4 =	vadd.f32 v5, v4  }
0xb5: {  	v35 =	vsel vm13, v3, v2;
	vm11 =	veq.s32 v60, $0x1;
	v5 =	vsel vm9, v1, v11  }
0xb6: {  	vm12 =	veq.s32 v60, $0x0;
	v4 =	vadd.f32 v5, v4;
	v5 =	vsel vm11, v0, v13  }
0xb7: {  	vm14 =	veq.s32 v29, $0x1;
	vm10 =	veq.s32 v37, $0x2;
	v5 =	vsel vm12, v1, v5  }
0xb8: {  	vm13 =	veq.s32 v39, $0x2;
	vm15 =	veq.s32 v62, $0x0;
	v4 =	vadd.f32 v5, v4  }
0xb9: {  	v32 =	vld [tilespmem:s15+$0x0];
	v21 =	vsel vm8, v0, v20;
	vm5 =	veq.s32 v12, $0x1;
	v5 =	vsel vm15, v1, v16  }
0xba: {  	v34 =	vld [tilespmem:s16+$0x0];
	vm6 =	veq.s32 v12, $0x0;
	v4 =	vadd.f32 v5, v4;
	v5 =	vsel vm5, v0, v18  }
0xbb: {  	v28 =	vsel vm4, v3, v2;
	v30 =	vsel vm7, v3, v2;
	v5 =	vsel vm6, v1, v5  }
0xbc: {  	vm8 =	veq.s32 v24, $0x1;
	vm9 =	veq.s32 v14, $0x0;
	v4 =	vadd.f32 v5, v4  }
0xbd: {  	v36 =	vsel vm14, v0, v35;
	vm11 =	veq.s32 v17, $0x1;
	v5 =	vsel vm9, v1, v21  }
0xbe: {  	vm12 =	veq.s32 v17, $0x0;
	v4 =	vadd.f32 v5, v4;
	v5 =	vsel vm11, v0, v23  }
0xbf: {  	vm4 =	veq.s32 v32, $0x2;
	vm7 =	veq.s32 v34, $0x2;
	v5 =	vsel vm12, v1, v5  }
0xc0: {  	v43 =	vsel vm10, v3, v2;
	vm15 =	veq.s32 v19, $0x0;
	v4 =	vadd.f32 v5, v4  }
0xc1: {  	v45 =	vsel vm13, v3, v2;
	vm5 =	veq.s32 v22, $0x1;
	v5 =	vsel vm15, v1, v26  }
0xc2: {  	vm6 =	veq.s32 v22, $0x0;
	v4 =	vadd.f32 v5, v4;
	v5 =	vsel vm5, v0, v28  }
0xc3: {  	v42 =	vld [tilespmem:s19+$0x0];
	vm14 =	veq.s32 v39, $0x1;
	v31 =	vsel vm8, v0, v30;
	v5 =	vsel vm6, v1, v5  }
0xc4: {  	v44 =	vld [tilespmem:s20+$0x0];
	v38 =	vsel vm4, v3, v2;
	vm9 =	veq.s32 v24, $0x0;
	v4 =	vadd.f32 v5, v4  }
0xc5: {  	v40 =	vsel vm7, v3, v2;
	vm11 =	veq.s32 v27, $0x1;
	v5 =	vsel vm9, v1, v31  }
0xc6: {  	vm12 =	veq.s32 v27, $0x0;
	v4 =	vadd.f32 v5, v4;
	v5 =	vsel vm11, v0, v33  }
0xc7: {  	vm8 =	veq.s32 v34, $0x1;
	v46 =	vsel vm14, v0, v45;
	v5 =	vsel vm12, v1, v5  }
0xc8: {  	vm4 =	veq.s32 v42, $0x2;
	vm15 =	veq.s32 v29, $0x0;
	v4 =	vadd.f32 v5, v4  }
0xc9: {  	v47 =	vld [tilespmem:s21+$0x0];
	vm7 =	veq.s32 v44, $0x2;
	vm5 =	veq.s32 v32, $0x1;
	v5 =	vsel vm15, v1, v36  }
0xca: {  	v49 =	vld [tilespmem:s22+$0x0];
	vm6 =	veq.s32 v32, $0x0;
	v4 =	vadd.f32 v5, v4;
	v5 =	vsel vm5, v0, v38  }
0xcb: {  	v41 =	vsel vm8, v0, v40;
	v48 =	vsel vm4, v3, v2;
	v5 =	vsel vm6, v1, v5  }
0xcc: {  	v52 =	vld [tilespmem:s23+$0x0];
	v50 =	vsel vm7, v3, v2;
	vm9 =	veq.s32 v34, $0x0;
	v4 =	vadd.f32 v5, v4  }
0xcd: {  	vm8 =	veq.s32 v44, $0x1;
	vm11 =	veq.s32 v37, $0x1;
	v5 =	vsel vm9, v1, v41  }
0xce: {  	vm12 =	veq.s32 v37, $0x0;
	v4 =	vadd.f32 v5, v4;
	v5 =	vsel vm11, v0, v43  }
0xcf: {  	vm10 =	veq.s32 v47, $0x2;
	vm13 =	veq.s32 v49, $0x2;
	v5 =	vsel vm12, v1, v5  }
0xd0: {  	vm14 =	veq.s32 v49, $0x1;
	vm15 =	veq.s32 v39, $0x0;
	v4 =	vadd.f32 v5, v4  }
0xd1: {  	vm4 =	veq.s32 v52, $0x2;
	vm5 =	veq.s32 v42, $0x1;
	v5 =	vsel vm15, v1, v46  }
0xd2: {  	v54 =	vld [tilespmem:s24+$0x0];
	vm6 =	veq.s32 v42, $0x0;
	v4 =	vadd.f32 v5, v4;
	v5 =	vsel vm5, v0, v48  }
0xd3: {  	v53 =	vsel vm10, v3, v2;
	v58 =	vsel vm4, v3, v2;
	v5 =	vsel vm6, v1, v5  }
0xd4: {  	v51 =	vsel vm8, v0, v50;
	v57 =	vld [tilespmem:s25+$0x0];
	vm9 =	veq.s32 v44, $0x0;
	v4 =	vadd.f32 v5, v4  }
0xd5: {  	v55 =	vsel vm13, v3, v2;
	vm11 =	veq.s32 v47, $0x1;
	v5 =	vsel vm9, v1, v51  }
0xd6: {  	vm12 =	veq.s32 v47, $0x0;
	v4 =	vadd.f32 v5, v4;
	v5 =	vsel vm11, v0, v53  }
0xd7: {  	v56 =	vsel vm14, v0, v55;
	vm7 =	veq.s32 v54, $0x2;
	v5 =	vsel vm12, v1, v5  }
0xd8: {  	v59 =	vld [tilespmem:s26+$0x0];
	vm8 =	veq.s32 v54, $0x1;
	vm15 =	veq.s32 v49, $0x0;
	v4 =	vadd.f32 v5, v4  }
0xd9: {  	vm10 =	veq.s32 v57, $0x2;
	vm5 =	veq.s32 v52, $0x1;
	v5 =	vsel vm15, v1, v56  }
0xda: {  	vm6 =	veq.s32 v52, $0x0;
	v4 =	vadd.f32 v5, v4;
	v5 =	vsel vm5, v0, v58  }
0xdb: {  	v60 =	vsel vm7, v3, v2;
	v62 =	vsel vm10, v3, v2;
	v5 =	vsel vm6, v1, v5  }
0xdc: {  	v61 =	vsel vm8, v0, v60;
	vm9 =	veq.s32 v54, $0x0;
	v4 =	vadd.f32 v5, v4  }
0xdd: {  	vm13 =	veq.s32 v59, $0x2;
	vm11 =	veq.s32 v57, $0x1;
	v5 =	vsel vm9, v1, v61  }
0xde: {  	vm12 =	veq.s32 v57, $0x0;
	v4 =	vadd.f32 v5, v4;
	v5 =	vsel vm11, v0, v62  }
0xdf: {  	vm14 =	veq.s32 v59, $0x1;
	v2 =	vsel vm13, v3, v2;
	v5 =	vsel vm12, v1, v5  }
0xe0: {  	vm15 =	veq.s32 v59, $0x0;
	v0 =	vsel vm14, v0, v2;
	v63 =	vadd.f32 v5, v4  }
0xe1: {  	v0 =	vsel vm15, v1, v0  }
0xe2: {  	v0 =	vadd.f32 v0, v63  }
0xe3: {  	p0 =	sne.s32 s29, $0x1  }
.Ltmp0:
0xe4: {  	[tilespmem:$0x8210] =	vst v0;
	(pc) =	sbr.rel @p0 .LBB2_1-.Ltmp0, $4  }
0xe5: {  	[hbm4b:s28+s2] =	stream.linear.scatter [tilespmem:s1], [sflag:$0x1], $0x20, $0x38;
	[tilespmem:$0x8280] =	vst v63  }
0xe6: {  	_ =	swait.ge [sflag:s31], $0x20  }
0xe7: {  	[sflag:s31] =	ssyncset.done $0x0  }
0xe8: {  	s29 =	sadd.s32 $0xFFFFFFFF, s29;
	[sflag:s31] =	ssyncadd.s32 $0xFFFFFFE0  }
0xe9: {  	_ =	sfence.sel $0x180000  }
0xea: {  	[bflag:$0x0] =	sbarrier.arrive $0xFFFF  }
0xeb: {  	_ =	strace $0x90000047  }
0xec: {  	s0 =	stileid.u32;
	[bflag:$0x2] =	sbarrier.arrive $0xFFFF  }
0xed: {  	p0 =	sne.s32 s0, $0x0;
	s0 =	rddreg [dreg:$0x3]  }
0xee: {  	s0 =	sadd.s32 @!p0 $0x100000, s0  }
0xef: {  	[sflag:s0] =	ssyncadd.tile.s32 @!p0 $0x1;
	_ =	shalt  }
.Lfunc_end2:
_tile_overlayer_lowered:
.L_overlay_start_2:
0xf0: {  	(tag) =	ssettag $0x2  }
0xf1: {  	s0 =	rddreg [dreg:$0x0];
	s2 =	stileid.u32  }
0xf2: {  	s1 =	rddreg [dreg:$0x1];
	p0 =	sne.s32 s2, $0x0  }
0xf3: {  	s3 =	rddreg [dreg:$0x2];
	[bflag:$0x3] =	sbarrier.arrive $0xFFFF;
	s2 =	simm.s32 @!p0 $0x1C01  }
0xf4: {  	[timem:s3], [sflag:s2] =	dma.local @!p0 [hbm:s0], s1  }
0xf5: {  	s0 =	simm.s32 @!p0 $0x1  }
0xf6: {  	_ =	swait.ge @!p0 [sflag:s0], s1  }
0xf7: {  	s1 =	ssub.s32 @!p0 $0x0, s1;
	[sflag:s0] =	ssyncset.done @!p0 $0x0  }
0xf8: {  	[sflag:s0] =	ssyncadd.s32 @!p0 s1  }
0xf9: {  	[bflag:$0x3] =	sbarrier.arrive $0xFFFF  }
0xfa: {  	_ =	shalt  }

</sc_bundles>
